<compile_context>
chip_gen: v7x
topology: tpu7x:2x2x1
jax: 0.10.2.dev20260603
libtpu: 0.0.44.dev20260713+nightly
codegen_flags: <defaults>
</compile_context>

<pallas_src>
import functools
import jax
import jax.numpy as jnp
import numpy as np
from jax import lax
from jax.experimental import pallas as pl
from jax.experimental.pallas import tpu as pltpu
from jax.experimental.pallas import tpu_sc as plsc

N = 1024
EG = 32768
SDIM = 256
VDIM = 64
EDIM = 16
K = 32
CUT = 5.0
NCONV = 3

_F32 = jnp.float32


_SC_NC = 2
_SC_NS = 16
_SC_NW = _SC_NC * _SC_NS

_GB = N * K // _SC_NW
_GCH = 128
_GNC = _GB // _GCH
_TROWS = EG + 8


def _sc_row_gather(table, idx3):
    mesh = plsc.VectorSubcoreMesh(core_axis_name="c", subcore_axis_name="s")

    @functools.partial(
        pl.kernel, mesh=mesh,
        out_type=jax.ShapeDtypeStruct((N * K, 128), _F32),
        scratch_types=[
            pltpu.VMEM((_GNC, _GCH), jnp.int32),
            pltpu.VMEM((_GB // 2, 128), _F32),
            pltpu.SemaphoreType.DMA,
        ],
    )
    def gather_k(table_hbm, idx_hbm, out_hbm, idx_v, rows_v, sem):
        wid = lax.axis_index("s") * _SC_NC + lax.axis_index("c")
        pltpu.sync_copy(idx_hbm.at[wid], idx_v)
        for h in range(2):
            copies = []
            for c in range(_GNC // 2):
                copies.append(pltpu.async_copy(
                    table_hbm.at[idx_v.at[h * (_GNC // 2) + c]],
                    rows_v.at[pl.ds(c * _GCH, _GCH)], sem))
            for cp in copies:
                cp.wait()
            pltpu.sync_copy(
                rows_v,
                out_hbm.at[pl.ds(wid * _GB + h * (_GB // 2), _GB // 2)])

    return gather_k(table, idx3)


def _col(x3, c):
    sel = (jax.lax.broadcasted_iota(jnp.int32, (1, 3), 1) == c).astype(_F32)
    return jnp.sum(x3 * sel, axis=1, keepdims=True)


def _mid_body(src_ref, valid_ref, eattr_ref, A_ref, p_ref, pn_ref,
              vx_ref, vy_ref, vz_ref, B_ref, pd_ref, pnd_ref,
              w1c_ref, wda_ref, w2p_ref, b2p_ref, w2g_ref, b2g_ref,
              outs_ref, outv_ref, outp_ref, *, D, E):
    src = src_ref[...]
    n_iota = jax.lax.broadcasted_iota(jnp.int32, (E, N), 1)
    oh = (src == n_iota).astype(_F32)
    bt = jnp.bfloat16
    ohb = (src == n_iota).astype(bt)
    hi = jax.lax.Precision.HIGHEST
    Asrc = jnp.dot(ohb, A_ref[...].astype(bt), preferred_element_type=_F32)
    psrc = jnp.dot(oh, p_ref[...], preferred_element_type=_F32, precision=hi)
    pnsrc = jnp.dot(oh, pn_ref[...], preferred_element_type=_F32, precision=hi)
    vxs = jnp.dot(ohb, vx_ref[...].astype(bt), preferred_element_type=_F32)
    vys = jnp.dot(ohb, vy_ref[...].astype(bt), preferred_element_type=_F32)
    vzs = jnp.dot(ohb, vz_ref[...].astype(bt), preferred_element_type=_F32)

    di = jax.lax.broadcasted_iota(jnp.int32, (E, D), 1)
    ei = jax.lax.broadcasted_iota(jnp.int32, (E, D), 0) // K
    ohd = (di == ei).astype(_F32)
    Bdst = jnp.dot(ohd, B_ref[...], preferred_element_type=_F32)
    pdst = jnp.dot(ohd, pd_ref[...], preferred_element_type=_F32, precision=hi)
    pndst = jnp.dot(ohd, pnd_ref[...], preferred_element_type=_F32, precision=hi)

    r = pdst - psrc
    d2 = jnp.clip(jnp.sum(r * r, axis=1, keepdims=True), 1e-6, None)
    d = jnp.sqrt(d2)
    a = jnp.sum(pndst * pnsrc, axis=1, keepdims=True)
    rn = r / (1.0 + d)

    eproj = jnp.dot(eattr_ref[...], w1c_ref[...], preferred_element_type=_F32)
    wd = wda_ref[0:1, :]
    wa = wda_ref[1:2, :]
    h = Asrc + Bdst + eproj + d * wd + a * wa
    hs = h * jax.nn.sigmoid(h)
    o = jnp.dot(hs, w2p_ref[...], preferred_element_type=_F32) + b2p_ref[...]
    m_s = o[:, 0:SDIM]
    gvv = o[:, SDIM:SDIM + 128]
    gvr = o[:, SDIM + 128:SDIM + 256]
    gp = jnp.dot(hs, w2g_ref[...], preferred_element_type=_F32) + b2g_ref[...]

    env = 0.5 * (jnp.cos(jnp.pi * jnp.minimum(d, CUT) / CUT) + 1.0)
    env = env * (d < CUT).astype(_F32)
    w = env * valid_ref[...]

    mvx = gvr * _col(rn, 0) + gvv * vxs
    mvy = gvr * _col(rn, 1) + gvv * vys
    mvz = gvr * _col(rn, 2) + gvv * vzs

    dd = jax.lax.broadcasted_iota(jnp.int32, (D, E), 0)
    de = jax.lax.broadcasted_iota(jnp.int32, (D, E), 1) // K
    ind = (dd == de).astype(_F32)
    aggs = jnp.dot(ind, m_s * w, preferred_element_type=_F32)
    cnt = jnp.dot(ind, w, preferred_element_type=_F32) + 1e-6
    outs_ref[...] = aggs
    outv_ref[:, 0:128] = jnp.dot(ind, mvx * w, preferred_element_type=_F32) / cnt
    outv_ref[:, 128:256] = jnp.dot(ind, mvy * w, preferred_element_type=_F32) / cnt
    outv_ref[:, 256:384] = jnp.dot(ind, mvz * w, preferred_element_type=_F32) / cnt
    outp_ref[...] = jnp.dot(ind, rn * (gp * w), preferred_element_type=_F32) / cnt


def _mid_conv_aggregate(src2d, valid2d, eattr, A, B, p, pn, vpad, wpack, D=32):
    E = D * K
    grid = N // D
    full = lambda shape: pl.BlockSpec(shape, lambda g: (0, 0))
    blk = lambda shape: pl.BlockSpec(shape, lambda g: (g, 0))
    w1c, wda, w2p, b2p, w2g, b2g = wpack
    return pl.pallas_call(
        functools.partial(_mid_body, D=D, E=E),
        grid=(grid,),
        in_specs=[
            blk((E, 1)), blk((E, 1)), blk((E, EDIM)),
            full((N, SDIM)), full((N, 3)), full((N, 3)),
            full((N, 128)), full((N, 128)), full((N, 128)),
            blk((D, SDIM)), blk((D, 3)), blk((D, 3)),
            full((EDIM, SDIM)), full((2, SDIM)), full((SDIM, 512)),
            full((1, 512)), full((SDIM, 1)), full((1, 1)),
        ],
        out_specs=[blk((D, SDIM)), blk((D, 384)), blk((D, 3))],
        out_shape=[
            jax.ShapeDtypeStruct((N, SDIM), _F32),
            jax.ShapeDtypeStruct((N, 384), _F32),
            jax.ShapeDtypeStruct((N, 3), _F32),
        ],
    )(src2d, valid2d, eattr, A, p, pn, vpad[0], vpad[1], vpad[2],
      B, p, pn, w1c, wda, w2p, b2p, w2g, b2g)


def _pp_body(src_ref, dst_ref, eattr_ref, A_ref, p_ref, pn_ref, B_ref,
             w1c_ref, wda_ref, w2p_ref, b2p_ref, w2g_ref, b2g_ref,
             outs_ref, outv_ref, outp_ref, outc_ref, *, E):
    @pl.when(pl.program_id(0) == 0)
    def _init():
        outs_ref[...] = jnp.zeros_like(outs_ref)
        outv_ref[...] = jnp.zeros_like(outv_ref)
        outp_ref[...] = jnp.zeros_like(outp_ref)
        outc_ref[...] = jnp.zeros_like(outc_ref)

    n_iota = jax.lax.broadcasted_iota(jnp.int32, (E, N), 1)
    oh = (src_ref[...] == n_iota).astype(_F32)
    ohd = (dst_ref[...] == n_iota).astype(_F32)
    bt = jnp.bfloat16
    ohb = (src_ref[...] == n_iota).astype(bt)
    ohdb = (dst_ref[...] == n_iota).astype(bt)
    hi = jax.lax.Precision.HIGHEST
    Asrc = jnp.dot(ohb, A_ref[...].astype(bt), preferred_element_type=_F32)
    psrc = jnp.dot(oh, p_ref[...], preferred_element_type=_F32, precision=hi)
    pnsrc = jnp.dot(oh, pn_ref[...], preferred_element_type=_F32, precision=hi)
    Bdst = jnp.dot(ohdb, B_ref[...].astype(bt), preferred_element_type=_F32)
    pdst = jnp.dot(ohd, p_ref[...], preferred_element_type=_F32, precision=hi)
    pndst = jnp.dot(ohd, pn_ref[...], preferred_element_type=_F32, precision=hi)

    r = pdst - psrc
    d2 = jnp.clip(jnp.sum(r * r, axis=1, keepdims=True), 1e-6, None)
    d = jnp.sqrt(d2)
    a = jnp.sum(pndst * pnsrc, axis=1, keepdims=True)
    rn = r / (1.0 + d)

    eproj = jnp.dot(eattr_ref[...], w1c_ref[...], preferred_element_type=_F32)
    h = Asrc + Bdst + eproj + d * wda_ref[0:1, :] + a * wda_ref[1:2, :]
    hs = h * jax.nn.sigmoid(h)
    o = jnp.dot(hs, w2p_ref[...], preferred_element_type=_F32) + b2p_ref[...]
    m_s = o[:, 0:SDIM]
    gvr = o[:, SDIM + 128:SDIM + 256]
    gp = jnp.dot(hs, w2g_ref[...], preferred_element_type=_F32) + b2g_ref[...]

    scat = lambda x: jax.lax.dot_general(
        ohd, x, (((0,), (0,)), ((), ())), preferred_element_type=_F32)
    scatb = lambda x: jax.lax.dot_general(
        ohdb, x.astype(bt), (((0,), (0,)), ((), ())),
        preferred_element_type=_F32)
    outs_ref[...] += scatb(m_s)
    outv_ref[:, 0:128] += scatb(gvr * _col(rn, 0))
    outv_ref[:, 128:256] += scatb(gvr * _col(rn, 1))
    outv_ref[:, 256:384] += scatb(gvr * _col(rn, 2))
    outp_ref[...] += scat(rn * gp)
    outc_ref[...] += scat(jnp.ones_like(gp))


def _pp_conv_aggregate(src2d, dst2d, eattr, A, B, p, pn, wpack, E=1024):
    grid = EG // E
    full = lambda shape: pl.BlockSpec(shape, lambda g: (0, 0))
    blk = lambda shape: pl.BlockSpec(shape, lambda g: (g, 0))
    acc = lambda shape: pl.BlockSpec(shape, lambda g: (0, 0))
    w1c, wda, w2p, b2p, w2g, b2g = wpack
    return pl.pallas_call(
        functools.partial(_pp_body, E=E),
        grid=(grid,),
        in_specs=[
            blk((E, 1)), blk((E, 1)), blk((E, EDIM)),
            full((N, SDIM)), full((N, 3)), full((N, 3)), full((N, SDIM)),
            full((EDIM, SDIM)), full((2, SDIM)), full((SDIM, 512)),
            full((1, 512)), full((SDIM, 1)), full((1, 1)),
        ],
        out_specs=[acc((N, SDIM)), acc((N, 384)), acc((N, 3)), acc((N, 1))],
        out_shape=[
            jax.ShapeDtypeStruct((N, SDIM), _F32),
            jax.ShapeDtypeStruct((N, 384), _F32),
            jax.ShapeDtypeStruct((N, 3), _F32),
            jax.ShapeDtypeStruct((N, 1), _F32),
        ],
    )(src2d, dst2d, eattr, A, p, pn, B, w1c, wda, w2p, b2p, w2g, b2g)


def _prep_conv_weights(cp):
    W1 = cp["m1"]["W"]
    b1 = cp["m1"]["b"]
    W1a = W1[0:SDIM]
    W1b = W1[SDIM:2 * SDIM]
    w1c = W1[2 * SDIM:2 * SDIM + EDIM]
    wda = W1[2 * SDIM + EDIM:2 * SDIM + EDIM + 2]
    W2 = cp["m2"]["W"]
    b2 = cp["m2"]["b"]
    w2p = jnp.zeros((SDIM, 512), _F32)
    w2p = w2p.at[:, 0:SDIM].set(W2[:, 0:SDIM])
    w2p = w2p.at[:, SDIM:SDIM + VDIM].set(W2[:, SDIM:SDIM + VDIM])
    w2p = w2p.at[:, SDIM + 128:SDIM + 128 + VDIM].set(W2[:, SDIM + VDIM:SDIM + 2 * VDIM])
    b2p = jnp.zeros((1, 512), _F32)
    b2p = b2p.at[0, 0:SDIM].set(b2[0:SDIM])
    b2p = b2p.at[0, SDIM:SDIM + VDIM].set(b2[SDIM:SDIM + VDIM])
    b2p = b2p.at[0, SDIM + 128:SDIM + 128 + VDIM].set(b2[SDIM + VDIM:SDIM + 2 * VDIM])
    w2g = W2[:, -1:]
    b2g = b2[-1:].reshape(1, 1)
    return W1a, W1b, b1, (w1c, wda, w2p, b2p, w2g, b2g)


def _node_update(cp, s, v, pos, agg_s, agg_v, agg_p):
    u1 = cp["u1"]
    u2 = cp["u2"]
    u = jnp.concatenate([s, agg_s], axis=-1) @ u1["W"] + u1["b"]
    u = u * jax.nn.sigmoid(u)
    uo = u @ u2["W"] + u2["b"]
    s2 = s + uo[:, :SDIM]
    v2 = v + uo[:, SDIM:][:, None, :] * agg_v
    return s2, v2, pos + agg_p


def _lnorm_(np_, s, v):
    mu = jnp.mean(s, axis=-1, keepdims=True)
    var = jnp.var(s, axis=-1, keepdims=True)
    s2 = (s - mu) / jnp.sqrt(var + 1e-5) * np_["gamma"] + np_["beta"]
    vn = jnp.sqrt(jnp.mean(jnp.sum(v * v, axis=1), axis=-1) + 1e-6)
    return s2, v / vn[:, None, None]


def _vpad(v):
    out = []
    for c in range(3):
        out.append(jnp.zeros((N, 128), _F32).at[:, :VDIM].set(v[:, c, :]))
    return out


def _radius_body(p_ref, brow_ref, bcol_ref, pfull_ref, idx_ref, val_ref, *, R):
    pr = p_ref[...]
    pc = pfull_ref[...]
    hi = jax.lax.Precision.HIGHEST
    cross = jax.lax.dot_general(pr, pc, (((1,), (1,)), ((), ())),
                                preferred_element_type=_F32, precision=hi)
    ones3 = jnp.ones((1, 3), _F32)
    n2col = jax.lax.dot_general(ones3, pc * pc, (((1,), (1,)), ((), ())),
                                preferred_element_type=_F32, precision=hi)
    nr2 = jnp.sum(pr * pr, axis=1, keepdims=True)
    d2 = nr2 - 2.0 * cross + n2col
    g0 = pl.program_id(0)
    col = jax.lax.broadcasted_iota(jnp.int32, (R, N), 1)
    row = jax.lax.broadcasted_iota(jnp.int32, (R, N), 0) + g0 * R
    same = (brow_ref[...] == bcol_ref[...]) & (row != col)
    d2m = jnp.where(same, d2, 1e10)
    col32 = jax.lax.broadcasted_iota(jnp.int32, (R, K), 1)
    idxs = jnp.zeros((R, K), jnp.int32)
    vals = jnp.zeros((R, K), _F32)
    for k in range(K):
        m = jnp.min(d2m, axis=1, keepdims=True)
        am = jnp.min(jnp.where(d2m == m, col, N), axis=1, keepdims=True)
        idxs = jnp.where(col32 == k, am, idxs)
        vals = jnp.where(col32 == k, m, vals)
        d2m = jnp.where(col == am, 1e10, d2m)
    idx_ref[...] = idxs
    val_ref[...] = (vals < CUT * CUT).astype(_F32)


def _radius_graph_host(pos, batch, R=128):
    bcol = batch.astype(jnp.int32).reshape(1, N)
    brow = batch.astype(jnp.int32).reshape(N, 1)
    return pl.pallas_call(
        functools.partial(_radius_body, R=R),
        grid=(N // R,),
        in_specs=[
            pl.BlockSpec((R, 3), lambda g: (g, 0)),
            pl.BlockSpec((R, 1), lambda g: (g, 0)),
            pl.BlockSpec((1, N), lambda g: (0, 0)),
            pl.BlockSpec((N, 3), lambda g: (0, 0)),
        ],
        out_specs=[pl.BlockSpec((R, K), lambda g: (g, 0)),
                   pl.BlockSpec((R, K), lambda g: (g, 0))],
        out_shape=[jax.ShapeDtypeStruct((N, K), jnp.int32),
                   jax.ShapeDtypeStruct((N, K), _F32)],
    )(pos, brow, bcol, pos)


def kernel(s, v, p, edge_index_global, edge_attr_global, batch, params):
    src_g = edge_index_global[0]
    dst_g = edge_index_global[1]
    key_g = src_g.astype(jnp.int32) * N + dst_g.astype(jnp.int32)
    emap = jnp.full((N * N,), EG, jnp.int32).at[key_g].set(
        jnp.arange(EG, dtype=jnp.int32))
    attr_table = jnp.zeros((_TROWS, 128), _F32).at[:EG, :EDIM].set(
        edge_attr_global)

    src2d_g = src_g.astype(jnp.int32).reshape(EG, 1)
    dst2d_g = dst_g.astype(jnp.int32).reshape(EG, 1)

    def pp_layer(cp, s, v, pos):
        W1a, W1b, b1, wpack = _prep_conv_weights(cp)
        A = s @ W1a + b1
        B = s @ W1b
        pn = pos / jnp.linalg.norm(pos, axis=1, keepdims=True)
        outs, outv, outp, outc = _pp_conv_aggregate(
            src2d_g, dst2d_g, edge_attr_global, A, B, pos, pn, wpack)
        cnt = outc + 1e-6
        agg_v = (outv / cnt).reshape(N, 3, 128)[:, :, :VDIM]
        return _node_update(cp, s, v, pos, outs, agg_v, outp / cnt)

    def mid_layer(cp, s, v, pos, idx, valid):
        W1a, W1b, b1, wpack = _prep_conv_weights(cp)
        A = s @ W1a + b1
        B = s @ W1b
        pn = pos / jnp.linalg.norm(pos, axis=1, keepdims=True)
        src2d = idx.astype(jnp.int32).reshape(N * K, 1)
        valid2d = valid.reshape(N * K, 1)
        dst_flat = jnp.repeat(jnp.arange(N), K)
        j = emap[src2d[:, 0] * N + dst_flat.astype(jnp.int32)]
        eattr = attr_table[j][:, :EDIM]
        outs, outv, outp = _mid_conv_aggregate(
            src2d, valid2d, eattr, A, B, pos, pn, _vpad(v), wpack)
        agg_v = outv.reshape(N, 3, 128)[:, :, :VDIM]
        return _node_update(cp, s, v, pos, outs, agg_v, outp)

    s, v, p = pp_layer(params["pre"], s, v, p)
    for i in range(NCONV):
        idx, valid = _radius_graph_host(p, batch)
        s, v = _lnorm_(params["norms"][i], s, v)
        s, v, p = mid_layer(params["convs"][i], s, v, p, idx, valid)
    s, v = _lnorm_(params["pn0"], s, v)
    s, v, p = pp_layer(params["post"], s, v, p)
    s, v = _lnorm_(params["pn1"], s, v)

    e = s @ params["ep1"]["W"] + params["ep1"]["b"]
    e = e * jax.nn.sigmoid(e)
    e = e @ params["ep2"]["W"] + params["ep2"]["b"]
    e = e[src_g] + e[dst_g]
    e = edge_attr_global + e
    eh = e @ params["eq1"]["W"] + params["eq1"]["b"]
    eh = eh * jax.nn.sigmoid(eh)
    e = eh @ params["eq2"]["W"] + params["eq2"]["b"]
    return s, v, e, p

# --- scband reference (transcript-rebuilt; emitter-appended) ---
"""Pipeline reference for scband-mix-gnn-88613765251902 (READ-ONLY COPY).

The authoritative reference and input builder live on the scoring server;
editing this copy changes nothing except your own understanding.
"""

import jax, jax.numpy as jnp
import numpy as np

N = 1024; EG = 32768; SDIM = 256; VDIM = 64; EDIM = 16; K = 32; CUT = 5.0; NCONV = 3

def _silu(x):
    return x * jax.nn.sigmoid(x)

def _dense(p, x):
    return x @ p["W"] + p["b"]

def _lin(key, din, dout):
    return {"W": jax.random.normal(key, (din, dout), jnp.float32) * (1.0 / np.sqrt(din)),
            "b": jnp.zeros((dout,), jnp.float32)}

def _conv_p(key):
    k = jax.random.split(key, 4)
    return {"m1": _lin(k[0], 2 * SDIM + EDIM + 2, SDIM),
            "m2": _lin(k[1], SDIM, SDIM + 2 * VDIM + 1),
            "u1": _lin(k[2], 2 * SDIM, SDIM),
            "u2": _lin(k[3], SDIM, SDIM + VDIM)}

def _norm_p():
    return {"gamma": jnp.ones((SDIM,), jnp.float32), "beta": jnp.zeros((SDIM,), jnp.float32)}

def make_params(key):
    ks = jax.random.split(key, 16)
    return {"pre": _conv_p(ks[0]),
            "convs": [_conv_p(ks[1 + i]) for i in range(NCONV)],
            "post": _conv_p(ks[4]),
            "norms": [_norm_p() for _ in range(NCONV)],
            "pn0": _norm_p(), "pn1": _norm_p(),
            "ep1": _lin(ks[5], SDIM, SDIM), "ep2": _lin(ks[6], SDIM, EDIM),
            "eq1": _lin(ks[7], EDIM, EDIM), "eq2": _lin(ks[8], EDIM, EDIM)}

def _edge_attrs(ei, pos):
    src, dst = ei[0], ei[1]
    r = pos[dst] - pos[src]
    pn = pos / jnp.linalg.norm(pos, axis=1, keepdims=True)
    a = jnp.sum(pn[dst] * pn[src], axis=-1)
    d2 = jnp.clip(jnp.sum(r * r, axis=-1), 1e-6, None)
    d = jnp.sqrt(d2)
    rn = r / (1.0 + d[:, None])
    return d, a, rn

def _conv(p, s, v, pos, ei, d, a, rn, eattr, valid, has_v_in, cutoff):
    src, dst = ei[0], ei[1]
    n = s.shape[0]
    h = jnp.concatenate([s[src], s[dst], eattr, d[:, None], a[:, None]], axis=-1)
    h = _silu(_dense(p["m1"], h))
    o = _dense(p["m2"], h)
    m_s = o[:, :SDIM]
    g_vv = o[:, SDIM:SDIM + VDIM]
    g_vr = o[:, SDIM + VDIM:SDIM + 2 * VDIM]
    g_p = o[:, -1]
    if cutoff is not None:
        env = 0.5 * (jnp.cos(jnp.pi * jnp.minimum(d, cutoff) / cutoff) + 1.0) * (d < cutoff).astype(s.dtype)
    else:
        env = jnp.ones_like(d)
    w = env * valid
    agg_s = jax.ops.segment_sum(m_s * w[:, None], dst, num_segments=n)
    m_v = g_vr[:, None, :] * rn[:, :, None]
    if has_v_in:
        m_v = m_v + g_vv[:, None, :] * v[src]
    cnt = jax.ops.segment_sum(w, dst, num_segments=n) + 1e-6
    agg_v = jax.ops.segment_sum(m_v * w[:, None, None], dst, num_segments=n) / cnt[:, None, None]
    agg_p = jax.ops.segment_sum((g_p * w)[:, None] * rn, dst, num_segments=n) / cnt[:, None]
    u = _silu(_dense(p["u1"], jnp.concatenate([s, agg_s], axis=-1)))
    uo = _dense(p["u2"], u)
    s2 = s + uo[:, :SDIM]
    v2 = v + uo[:, SDIM:][:, None, :] * agg_v
    p2 = pos + agg_p
    return s2, v2, p2

def _lnorm(p, s, v):
    mu = jnp.mean(s, axis=-1, keepdims=True)
    var = jnp.var(s, axis=-1, keepdims=True)
    s2 = (s - mu) / jnp.sqrt(var + 1e-5) * p["gamma"] + p["beta"]
    vn = jnp.sqrt(jnp.mean(jnp.sum(v * v, axis=1), axis=-1) + 1e-6)
    v2 = v / vn[:, None, None]
    return s2, v2

def _radius_graph(pos, batch, cutoff, k):
    pz = jax.lax.stop_gradient(pos)
    n = pz.shape[0]
    d2 = jnp.sum((pz[:, None, :] - pz[None, :, :]) ** 2, axis=-1)
    same = (batch[:, None] == batch[None, :]) & (~jnp.eye(n, dtype=bool))
    d2m = jnp.where(same, d2, 1e10)
    negv, idx = jax.lax.top_k(-d2m, k)
    dst = jnp.repeat(jnp.arange(n), k)
    src = idx.reshape(-1)
    valid = ((-negv).reshape(-1) < cutoff * cutoff).astype(pos.dtype)
    return jnp.stack([src, dst]), valid

def _forward(params, s, v, p, edge_attr_global, edge_index_global, batch):
    n = s.shape[0]
    E = jnp.zeros((n, n, EDIM), s.dtype).at[edge_index_global[0], edge_index_global[1]].set(edge_attr_global)
    d, a, rn = _edge_attrs(edge_index_global, p)
    vg = jnp.ones((edge_index_global.shape[1],), s.dtype)
    s, v, p = _conv(params["pre"], s, v, p, edge_index_global, d, a, rn, edge_attr_global, vg, False, None)
    for i in range(NCONV):
        ei, valid = _radius_graph(p, batch, CUT, K)
        eattr = E[ei[0], ei[1]]
        d, a, rn = _edge_attrs(ei, p)
        s, v = _lnorm(params["norms"][i], s, v)
        s, v, p = _conv(params["convs"][i], s, v, p, ei, d, a, rn, eattr, valid, True, CUT)
    s, v = _lnorm(params["pn0"], s, v)
    d, a, rn = _edge_attrs(edge_index_global, p)
    s, v, p = _conv(params["post"], s, v, p, edge_index_global, d, a, rn, edge_attr_global, vg, False, None)
    s, v = _lnorm(params["pn1"], s, v)
    e = _dense(params["ep2"], _silu(_dense(params["ep1"], s)))
    e = e[edge_index_global[0]] + e[edge_index_global[1]]
    e = _dense(params["eq2"], _silu(_dense(params["eq1"], edge_attr_global + e)))
    return s, v, e, p

def setup_inputs(seed: int = 0):
    key = jax.random.key(seed)
    ks = jax.random.split(key, 8)
    s = jax.random.normal(ks[0], (N, SDIM), jnp.float32)
    v = jax.random.normal(ks[1], (N, 3, VDIM), jnp.float32) * 0.1
    p = jax.random.normal(ks[2], (N, 3), jnp.float32) * 3.0
    edge_index_global = jax.random.randint(ks[3], (2, EG), 0, N)
    edge_attr_global = jax.random.normal(ks[4], (EG, EDIM), jnp.float32)
    batch = jnp.sort(jax.random.randint(ks[5], (N,), 0, 32))
    params = make_params(ks[6])
    return {"s": s, "v": v, "p": p,
            "edge_index_global": edge_index_global,
            "edge_attr_global": edge_attr_global,
            "batch": batch, "params": params}

def reference(s, v, p, edge_index_global, edge_attr_global, batch, params):
    return _forward(params, s, v, p, edge_attr_global, edge_index_global, batch)

if __name__ == "__main__":
    import jax
    _d = setup_inputs()
    print(jax.jit(kernel)(*tuple(_d.values())))

</pallas_src>

<mosaic_0001>
module attributes {stable_mosaic.version = 14 : i64} {
  func.func @_pp_body(%arg0: i32, %arg1: memref<1024x1xi32, #tpu.memory_space<vmem>>, %arg2: memref<1024x1xi32, #tpu.memory_space<vmem>>, %arg3: memref<1024x16xf32, #tpu.memory_space<vmem>>, %arg4: memref<1024x256xf32, #tpu.memory_space<vmem>>, %arg5: memref<1024x3xf32, #tpu.memory_space<vmem>>, %arg6: memref<1024x3xf32, #tpu.memory_space<vmem>>, %arg7: memref<1024x256xf32, #tpu.memory_space<vmem>>, %arg8: memref<16x256xf32, #tpu.memory_space<vmem>>, %arg9: memref<2x256xf32, #tpu.memory_space<vmem>>, %arg10: memref<256x512xf32, #tpu.memory_space<vmem>>, %arg11: memref<1x512xf32, #tpu.memory_space<vmem>>, %arg12: memref<256x1xf32, #tpu.memory_space<vmem>>, %arg13: memref<1x1xf32, #tpu.memory_space<vmem>>, %arg14: memref<1024x256xf32, #tpu.memory_space<vmem>>, %arg15: memref<1024x384xf32, #tpu.memory_space<vmem>>, %arg16: memref<1024x3xf32, #tpu.memory_space<vmem>>, %arg17: memref<1024x1xf32, #tpu.memory_space<vmem>>) attributes {dimension_semantics = [#tpu.dimension_semantics<arbitrary>], iteration_bounds = array<i64: 32>, scalar_prefetch = 0 : i64, scratch_operands = 0 : i64, tpu.core_type = #tpu.core_type<tc>, window_params = [{transform_indices = @transform_0, window_bounds = array<i64: 1024, 1>}, {transform_indices = @transform_1, window_bounds = array<i64: 1024, 1>}, {transform_indices = @transform_2, window_bounds = array<i64: 1024, 16>}, {pipeline_mode = #tpu.pipeline_mode<synchronous>, transform_indices = @transform_3, window_bounds = array<i64: 1024, 256>}, {pipeline_mode = #tpu.pipeline_mode<synchronous>, transform_indices = @transform_4, window_bounds = array<i64: 1024, 3>}, {pipeline_mode = #tpu.pipeline_mode<synchronous>, transform_indices = @transform_5, window_bounds = array<i64: 1024, 3>}, {pipeline_mode = #tpu.pipeline_mode<synchronous>, transform_indices = @transform_6, window_bounds = array<i64: 1024, 256>}, {pipeline_mode = #tpu.pipeline_mode<synchronous>, transform_indices = @transform_7, window_bounds = array<i64: 16, 256>}, {pipeline_mode = #tpu.pipeline_mode<synchronous>, transform_indices = @transform_8, window_bounds = array<i64: 2, 256>}, {pipeline_mode = #tpu.pipeline_mode<synchronous>, transform_indices = @transform_9, window_bounds = array<i64: 256, 512>}, {pipeline_mode = #tpu.pipeline_mode<synchronous>, transform_indices = @transform_10, window_bounds = array<i64: 1, 512>}, {pipeline_mode = #tpu.pipeline_mode<synchronous>, transform_indices = @transform_11, window_bounds = array<i64: 256, 1>}, {pipeline_mode = #tpu.pipeline_mode<synchronous>, transform_indices = @transform_12, window_bounds = array<i64: 1, 1>}, {pipeline_mode = #tpu.pipeline_mode<synchronous>, transform_indices = @transform_13, window_bounds = array<i64: 1024, 256>}, {pipeline_mode = #tpu.pipeline_mode<synchronous>, transform_indices = @transform_14, window_bounds = array<i64: 1024, 384>}, {pipeline_mode = #tpu.pipeline_mode<synchronous>, transform_indices = @transform_15, window_bounds = array<i64: 1024, 3>}, {pipeline_mode = #tpu.pipeline_mode<synchronous>, transform_indices = @transform_16, window_bounds = array<i64: 1024, 1>}]} {
    %eq3A = arith.constant 0 : i32
    %eq3A_0 = arith.cmpi eq, %arg0, %eq3A : i32
    %convert_element_type3A = arith.extui %eq3A_0 : i1 to i32
    %cond3A = arith.constant 0 : i32
    %cond3A_1 = arith.cmpi ne, %convert_element_type3A, %cond3A : i32
    scf.if %cond3A_1 {
      %broadcast_in_dim3A_222 = arith.constant 0.000000e+00 : f32
      %broadcast_in_dim3A_223 = vector.broadcast %broadcast_in_dim3A_222 : f32 to vector<1024x256xf32>
      %swap3A_224 = arith.constant 0 : index
      %swap3A_225 = arith.constant 0 : index
      %swap3A_226 = vector.load %arg14[%swap3A_224, %swap3A_225] : memref<1024x256xf32, #tpu.memory_space<vmem>>, vector<1024x256xf32>
      tpu.vector_store %arg14[%swap3A_224, %swap3A_225], %broadcast_in_dim3A_223 {strides = array<i32>} : memref<1024x256xf32, #tpu.memory_space<vmem>>, vector<1024x256xf32>,
      %broadcast_in_dim3A_227 = arith.constant 0.000000e+00 : f32
      %broadcast_in_dim3A_228 = vector.broadcast %broadcast_in_dim3A_227 : f32 to vector<1024x384xf32>
      %swap3A_229 = arith.constant 0 : index
      %swap3A_230 = arith.constant 0 : index
      %swap3A_231 = vector.load %arg15[%swap3A_229, %swap3A_230] : memref<1024x384xf32, #tpu.memory_space<vmem>>, vector<1024x384xf32>
      tpu.vector_store %arg15[%swap3A_229, %swap3A_230], %broadcast_in_dim3A_228 {strides = array<i32>} : memref<1024x384xf32, #tpu.memory_space<vmem>>, vector<1024x384xf32>,
      %broadcast_in_dim3A_232 = arith.constant 0.000000e+00 : f32
      %broadcast_in_dim3A_233 = vector.broadcast %broadcast_in_dim3A_232 : f32 to vector<1024x3xf32>
      %swap3A_234 = arith.constant 0 : index
      %swap3A_235 = arith.constant 0 : index
      %swap3A_236 = vector.load %arg16[%swap3A_234, %swap3A_235] : memref<1024x3xf32, #tpu.memory_space<vmem>>, vector<1024x3xf32>
      tpu.vector_store %arg16[%swap3A_234, %swap3A_235], %broadcast_in_dim3A_233 {strides = array<i32>} : memref<1024x3xf32, #tpu.memory_space<vmem>>, vector<1024x3xf32>,
      %broadcast_in_dim3A_237 = arith.constant 0.000000e+00 : f32
      %broadcast_in_dim3A_238 = vector.broadcast %broadcast_in_dim3A_237 : f32 to vector<1024x1xf32>
      %swap3A_239 = arith.constant 0 : index
      %swap3A_240 = arith.constant 0 : index
      %swap3A_241 = vector.load %arg17[%swap3A_239, %swap3A_240] : memref<1024x1xf32, #tpu.memory_space<vmem>>, vector<1024x1xf32>
      tpu.vector_store %arg17[%swap3A_239, %swap3A_240], %broadcast_in_dim3A_238 {strides = array<i32>} : memref<1024x1xf32, #tpu.memory_space<vmem>>, vector<1024x1xf32>,
    } else {
    }
    %iota3A = tpu.iota {dimensions = array<i32: 1>} : vector<1024x1024xi32>
    %get3A = arith.constant 0 : index
    %get3A_2 = arith.constant 0 : index
    %get3A_3 = vector.load %arg1[%get3A, %get3A_2] : memref<1024x1xi32, #tpu.memory_space<vmem>>, vector<1024x1xi32>
    %eq3A_4 = vector.broadcast %get3A_3 : vector<1024x1xi32> to vector<1024x1024xi32>
    %eq3A_5 = arith.cmpi eq, %eq3A_4, %iota3A : vector<1024x1024xi32>
    %convert_element_type3A_6 = arith.extui %eq3A_5 : vector<1024x1024xi1> to vector<1024x1024xi32>
    %convert_element_type3A_7 = arith.sitofp %convert_element_type3A_6 : vector<1024x1024xi32> to vector<1024x1024xf32>
    %get3A_8 = arith.constant 0 : index
    %get3A_9 = arith.constant 0 : index
    %get3A_10 = vector.load %arg2[%get3A_8, %get3A_9] : memref<1024x1xi32, #tpu.memory_space<vmem>>, vector<1024x1xi32>
    %eq3A_11 = vector.broadcast %get3A_10 : vector<1024x1xi32> to vector<1024x1024xi32>
    %eq3A_12 = arith.cmpi eq, %eq3A_11, %iota3A : vector<1024x1024xi32>
    %convert_element_type3A_13 = arith.extui %eq3A_12 : vector<1024x1024xi1> to vector<1024x1024xi32>
    %convert_element_type3A_14 = arith.sitofp %convert_element_type3A_13 : vector<1024x1024xi32> to vector<1024x1024xf32>
    %get3A_15 = arith.constant 0 : index
    %get3A_16 = arith.constant 0 : index
    %get3A_17 = vector.load %arg1[%get3A_15, %get3A_16] : memref<1024x1xi32, #tpu.memory_space<vmem>>, vector<1024x1xi32>
    %eq3A_18 = vector.broadcast %get3A_17 : vector<1024x1xi32> to vector<1024x1024xi32>
    %eq3A_19 = arith.cmpi eq, %eq3A_18, %iota3A : vector<1024x1024xi32>
    %convert_element_type3A_20 = arith.extui %eq3A_19 : vector<1024x1024xi1> to vector<1024x1024xi32>
    %convert_element_type3A_21 = arith.sitofp %convert_element_type3A_20 : vector<1024x1024xi32> to vector<1024x1024xf32>
    %convert_element_type3A_22 = arith.truncf %convert_element_type3A_21 : vector<1024x1024xf32> to vector<1024x1024xbf16>
    %get3A_23 = arith.constant 0 : index
    %get3A_24 = arith.constant 0 : index
    %get3A_25 = vector.load %arg2[%get3A_23, %get3A_24] : memref<1024x1xi32, #tpu.memory_space<vmem>>, vector<1024x1xi32>
    %eq3A_26 = vector.broadcast %get3A_25 : vector<1024x1xi32> to vector<1024x1024xi32>
    %eq3A_27 = arith.cmpi eq, %eq3A_26, %iota3A : vector<1024x1024xi32>
    %convert_element_type3A_28 = arith.extui %eq3A_27 : vector<1024x1024xi1> to vector<1024x1024xi32>
    %convert_element_type3A_29 = arith.sitofp %convert_element_type3A_28 : vector<1024x1024xi32> to vector<1024x1024xf32>
    %convert_element_type3A_30 = arith.truncf %convert_element_type3A_29 : vector<1024x1024xf32> to vector<1024x1024xbf16>
    %get3A_31 = arith.constant 0 : index
    %get3A_32 = arith.constant 0 : index
    %get3A_33 = vector.load %arg4[%get3A_31, %get3A_32] : memref<1024x256xf32, #tpu.memory_space<vmem>>, vector<1024x256xf32>
    %convert_element_type3A_34 = arith.truncf %get3A_33 : vector<1024x256xf32> to vector<1024x256xbf16>
    %dot_general3A = arith.constant dense<0.000000e+00> : vector<1024x256xf32>
    %dot_general3A_35 = tpu.matmul %convert_element_type3A_22, %convert_element_type3A_34, %dot_general3A {dimension_numbers = #tpu.dot_dimension_numbers<[1], [0], [0], [1], [0, 0, 1, 1], [], []>, transpose_lhs_hint = false} : vector<1024x1024xbf16>, vector<1024x256xbf16>, vector<1024x256xf32> -> vector<1024x256xf32>
    %get3A_36 = arith.constant 0 : index
    %get3A_37 = arith.constant 0 : index
    %get3A_38 = vector.load %arg5[%get3A_36, %get3A_37] : memref<1024x3xf32, #tpu.memory_space<vmem>>, vector<1024x3xf32>
    %dot_general3A_39 = arith.constant dense<0.000000e+00> : vector<1024x3xf32>
    %dot_general3A_40 = tpu.matmul %convert_element_type3A_7, %get3A_38, %dot_general3A_39 {dimension_numbers = #tpu.dot_dimension_numbers<[1], [0], [0], [1], [0, 0, 1, 1], [], []>, precision = #tpu.contract_precision<fp32>, transpose_lhs_hint = false} : vector<1024x1024xf32>, vector<1024x3xf32>, vector<1024x3xf32> -> vector<1024x3xf32>
    %get3A_41 = arith.constant 0 : index
    %get3A_42 = arith.constant 0 : index
    %get3A_43 = vector.load %arg6[%get3A_41, %get3A_42] : memref<1024x3xf32, #tpu.memory_space<vmem>>, vector<1024x3xf32>
    %dot_general3A_44 = arith.constant dense<0.000000e+00> : vector<1024x3xf32>
    %dot_general3A_45 = tpu.matmul %convert_element_type3A_7, %get3A_43, %dot_general3A_44 {dimension_numbers = #tpu.dot_dimension_numbers<[1], [0], [0], [1], [0, 0, 1, 1], [], []>, precision = #tpu.contract_precision<fp32>, transpose_lhs_hint = false} : vector<1024x1024xf32>, vector<1024x3xf32>, vector<1024x3xf32> -> vector<1024x3xf32>
    %get3A_46 = arith.constant 0 : index
    %get3A_47 = arith.constant 0 : index
    %get3A_48 = vector.load %arg7[%get3A_46, %get3A_47] : memref<1024x256xf32, #tpu.memory_space<vmem>>, vector<1024x256xf32>
    %convert_element_type3A_49 = arith.truncf %get3A_48 : vector<1024x256xf32> to vector<1024x256xbf16>
    %dot_general3A_50 = arith.constant dense<0.000000e+00> : vector<1024x256xf32>
    %dot_general3A_51 = tpu.matmul %convert_element_type3A_30, %convert_element_type3A_49, %dot_general3A_50 {dimension_numbers = #tpu.dot_dimension_numbers<[1], [0], [0], [1], [0, 0, 1, 1], [], []>, transpose_lhs_hint = false} : vector<1024x1024xbf16>, vector<1024x256xbf16>, vector<1024x256xf32> -> vector<1024x256xf32>
    %get3A_52 = arith.constant 0 : index
    %get3A_53 = arith.constant 0 : index
    %get3A_54 = vector.load %arg5[%get3A_52, %get3A_53] : memref<1024x3xf32, #tpu.memory_space<vmem>>, vector<1024x3xf32>
    %dot_general3A_55 = arith.constant dense<0.000000e+00> : vector<1024x3xf32>
    %dot_general3A_56 = tpu.matmul %convert_element_type3A_14, %get3A_54, %dot_general3A_55 {dimension_numbers = #tpu.dot_dimension_numbers<[1], [0], [0], [1], [0, 0, 1, 1], [], []>, precision = #tpu.contract_precision<fp32>, transpose_lhs_hint = false} : vector<1024x1024xf32>, vector<1024x3xf32>, vector<1024x3xf32> -> vector<1024x3xf32>
    %get3A_57 = arith.constant 0 : index
    %get3A_58 = arith.constant 0 : index
    %get3A_59 = vector.load %arg6[%get3A_57, %get3A_58] : memref<1024x3xf32, #tpu.memory_space<vmem>>, vector<1024x3xf32>
    %dot_general3A_60 = arith.constant dense<0.000000e+00> : vector<1024x3xf32>
    %dot_general3A_61 = tpu.matmul %convert_element_type3A_14, %get3A_59, %dot_general3A_60 {dimension_numbers = #tpu.dot_dimension_numbers<[1], [0], [0], [1], [0, 0, 1, 1], [], []>, precision = #tpu.contract_precision<fp32>, transpose_lhs_hint = false} : vector<1024x1024xf32>, vector<1024x3xf32>, vector<1024x3xf32> -> vector<1024x3xf32>
    %sub3A = arith.subf %dot_general3A_56, %dot_general3A_40 : vector<1024x3xf32>
    %mul3A = arith.mulf %sub3A, %sub3A : vector<1024x3xf32>
    %reduce_sum3A = arith.constant dense<0.000000e+00> : vector<1024xf32>
    %reduce_sum3A_62 = vector.multi_reduction <add>, %mul3A, %reduce_sum3A [1] : vector<1024x3xf32> to vector<1024xf32>
    %broadcast_in_dim3A = vector.shape_cast %reduce_sum3A_62 : vector<1024xf32> to vector<1024x1xf32>
    %jit3A = arith.constant 9.99999997E-7 : f32
    %max3A = vector.broadcast %jit3A : f32 to vector<1024x1xf32>
    %max3A_63 = arith.maximumf %max3A, %broadcast_in_dim3A : vector<1024x1xf32>
    %sqrt3A = math.sqrt %max3A_63 : vector<1024x1xf32>
    %mul3A_64 = arith.mulf %dot_general3A_61, %dot_general3A_45 : vector<1024x3xf32>
    %reduce_sum3A_65 = arith.constant dense<0.000000e+00> : vector<1024xf32>
    %reduce_sum3A_66 = vector.multi_reduction <add>, %mul3A_64, %reduce_sum3A_65 [1] : vector<1024x3xf32> to vector<1024xf32>
    %broadcast_in_dim3A_67 = vector.shape_cast %reduce_sum3A_66 : vector<1024xf32> to vector<1024x1xf32>
    %add3A = arith.constant 1.000000e+00 : f32
    %add3A_68 = vector.broadcast %add3A : f32 to vector<1024x1xf32>
    %add3A_69 = arith.addf %add3A_68, %sqrt3A : vector<1024x1xf32>
    %div3A = vector.broadcast %add3A_69 : vector<1024x1xf32> to vector<1024x3xf32>
    %div3A_70 = arith.divf %sub3A, %div3A : vector<1024x3xf32>
    %get3A_71 = arith.constant 0 : index
    %get3A_72 = arith.constant 0 : index
    %get3A_73 = vector.load %arg3[%get3A_71, %get3A_72] : memref<1024x16xf32, #tpu.memory_space<vmem>>, vector<1024x16xf32>
    %get3A_74 = arith.constant 0 : index
    %get3A_75 = arith.constant 0 : index
    %get3A_76 = vector.load %arg8[%get3A_74, %get3A_75] : memref<16x256xf32, #tpu.memory_space<vmem>>, vector<16x256xf32>
    %dot_general3A_77 = arith.constant dense<0.000000e+00> : vector<1024x256xf32>
    %dot_general3A_78 = tpu.matmul %get3A_73, %get3A_76, %dot_general3A_77 {dimension_numbers = #tpu.dot_dimension_numbers<[1], [0], [0], [1], [0, 0, 1, 1], [], []>, transpose_lhs_hint = false} : vector<1024x16xf32>, vector<16x256xf32>, vector<1024x256xf32> -> vector<1024x256xf32>
    %add3A_79 = arith.addf %dot_general3A_35, %dot_general3A_51 : vector<1024x256xf32>
    %add3A_80 = arith.addf %add3A_79, %dot_general3A_78 : vector<1024x256xf32>
    %get3A_81 = arith.constant 0 : index
    %get3A_82 = arith.constant 0 : index
    %get3A_83 = vector.load %arg9[%get3A_81, %get3A_82] : memref<2x256xf32, #tpu.memory_space<vmem>>, vector<1x256xf32>
    %mul3A_84 = vector.broadcast %sqrt3A : vector<1024x1xf32> to vector<1024x256xf32>
    %mul3A_85 = vector.broadcast %get3A_83 : vector<1x256xf32> to vector<1024x256xf32>
    %mul3A_86 = arith.mulf %mul3A_84, %mul3A_85 : vector<1024x256xf32>
    %add3A_87 = arith.addf %add3A_80, %mul3A_86 : vector<1024x256xf32>
    %get3A_88 = arith.constant 1 : index
    %get3A_89 = arith.constant 0 : index
    %get3A_90 = vector.load %arg9[%get3A_88, %get3A_89] : memref<2x256xf32, #tpu.memory_space<vmem>>, vector<1x256xf32>
    %mul3A_91 = vector.broadcast %broadcast_in_dim3A_67 : vector<1024x1xf32> to vector<1024x256xf32>
    %mul3A_92 = vector.broadcast %get3A_90 : vector<1x256xf32> to vector<1024x256xf32>
    %mul3A_93 = arith.mulf %mul3A_91, %mul3A_92 : vector<1024x256xf32>
    %add3A_94 = arith.addf %add3A_87, %mul3A_93 : vector<1024x256xf32>
    %logistic3A = arith.negf %add3A_94 : vector<1024x256xf32>
    %logistic3A_95 = math.exp %logistic3A : vector<1024x256xf32>
    %logistic3A_96 = arith.constant 1.000000e+00 : f32
    %logistic3A_97 = vector.broadcast %logistic3A_96 : f32 to vector<1024x256xf32>
    %logistic3A_98 = arith.addf %logistic3A_97, %logistic3A_95 : vector<1024x256xf32>
    %logistic3A_99 = arith.divf %logistic3A_97, %logistic3A_98 : vector<1024x256xf32>
    %mul3A_100 = arith.mulf %add3A_94, %logistic3A_99 : vector<1024x256xf32>
    %get3A_101 = arith.constant 0 : index
    %get3A_102 = arith.constant 0 : index
    %get3A_103 = vector.load %arg10[%get3A_101, %get3A_102] : memref<256x512xf32, #tpu.memory_space<vmem>>, vector<256x512xf32>
    %dot_general3A_104 = arith.constant dense<0.000000e+00> : vector<1024x512xf32>
    %dot_general3A_105 = tpu.matmul %mul3A_100, %get3A_103, %dot_general3A_104 {dimension_numbers = #tpu.dot_dimension_numbers<[1], [0], [0], [1], [0, 0, 1, 1], [], []>, transpose_lhs_hint = false} : vector<1024x256xf32>, vector<256x512xf32>, vector<1024x512xf32> -> vector<1024x512xf32>
    %get3A_106 = arith.constant 0 : index
    %get3A_107 = arith.constant 0 : index
    %get3A_108 = vector.load %arg11[%get3A_106, %get3A_107] : memref<1x512xf32, #tpu.memory_space<vmem>>, vector<1x512xf32>
    %add3A_109 = vector.broadcast %get3A_108 : vector<1x512xf32> to vector<1024x512xf32>
    %add3A_110 = arith.addf %dot_general3A_105, %add3A_109 : vector<1024x512xf32>
    %slice3A = vector.extract_strided_slice %add3A_110 {offsets = [0, 0], sizes = [1024, 256], strides = [1, 1]} : vector<1024x512xf32> to vector<1024x256xf32>
    %slice3A_111 = vector.extract_strided_slice %add3A_110 {offsets = [0, 384], sizes = [1024, 128], strides = [1, 1]} : vector<1024x512xf32> to vector<1024x128xf32>
    %get3A_112 = arith.constant 0 : index
    %get3A_113 = arith.constant 0 : index
    %get3A_114 = vector.load %arg12[%get3A_112, %get3A_113] : memref<256x1xf32, #tpu.memory_space<vmem>>, vector<256x1xf32>
    %dot_general3A_115 = arith.constant dense<0.000000e+00> : vector<1024x1xf32>
    %dot_general3A_116 = tpu.matmul %mul3A_100, %get3A_114, %dot_general3A_115 {dimension_numbers = #tpu.dot_dimension_numbers<[1], [0], [0], [1], [0, 0, 1, 1], [], []>, transpose_lhs_hint = false} : vector<1024x256xf32>, vector<256x1xf32>, vector<1024x1xf32> -> vector<1024x1xf32>
    %get3A_117 = arith.constant 0 : index
    %get3A_118 = arith.constant 0 : index
    %get3A_119 = vector.load %arg13[%get3A_117, %get3A_118] : memref<1x1xf32, #tpu.memory_space<vmem>>, vector<1x1xf32>
    %add3A_120 = vector.broadcast %get3A_119 : vector<1x1xf32> to vector<1024x1xf32>
    %add3A_121 = arith.addf %dot_general3A_116, %add3A_120 : vector<1024x1xf32>
    %get3A_122 = arith.constant 0 : index
    %get3A_123 = arith.constant 0 : index
    %get3A_124 = vector.load %arg14[%get3A_122, %get3A_123] : memref<1024x256xf32, #tpu.memory_space<vmem>>, vector<1024x256xf32>
    %convert_element_type3A_125 = arith.truncf %slice3A : vector<1024x256xf32> to vector<1024x256xbf16>
    %dot_general3A_126 = arith.constant dense<0.000000e+00> : vector<1024x256xf32>
    %dot_general3A_127 = tpu.matmul %convert_element_type3A_30, %convert_element_type3A_125, %dot_general3A_126 {dimension_numbers = #tpu.dot_dimension_numbers<[0], [0], [1], [1], [0, 1, 1, 1], [], []>, transpose_lhs_hint = false} : vector<1024x1024xbf16>, vector<1024x256xbf16>, vector<1024x256xf32> -> vector<1024x256xf32>
    %add3A_128 = arith.addf %get3A_124, %dot_general3A_127 : vector<1024x256xf32>
    %swap3A = arith.constant 0 : index
    %swap3A_129 = arith.constant 0 : index
    %swap3A_130 = vector.load %arg14[%swap3A, %swap3A_129] : memref<1024x256xf32, #tpu.memory_space<vmem>>, vector<1024x256xf32>
    tpu.vector_store %arg14[%swap3A, %swap3A_129], %add3A_128 {strides = array<i32>} : memref<1024x256xf32, #tpu.memory_space<vmem>>, vector<1024x256xf32>,
    %get3A_131 = arith.constant 0 : index
    %get3A_132 = arith.constant 0 : index
    %get3A_133 = vector.load %arg15[%get3A_131, %get3A_132] : memref<1024x384xf32, #tpu.memory_space<vmem>>, vector<1024x128xf32>
    %iota3A_134 = tpu.iota {dimensions = array<i32: 1>} : vector<1x3xi32>
    %eq3A_135 = arith.constant 0 : i32
    %eq3A_136 = vector.broadcast %eq3A_135 : i32 to vector<1x3xi32>
    %eq3A_137 = arith.cmpi eq, %iota3A_134, %eq3A_136 : vector<1x3xi32>
    %convert_element_type3A_138 = arith.extui %eq3A_137 : vector<1x3xi1> to vector<1x3xi32>
    %convert_element_type3A_139 = arith.sitofp %convert_element_type3A_138 : vector<1x3xi32> to vector<1x3xf32>
    %mul3A_140 = vector.broadcast %convert_element_type3A_139 : vector<1x3xf32> to vector<1024x3xf32>
    %mul3A_141 = arith.mulf %div3A_70, %mul3A_140 : vector<1024x3xf32>
    %reduce_sum3A_142 = arith.constant dense<0.000000e+00> : vector<1024xf32>
    %reduce_sum3A_143 = vector.multi_reduction <add>, %mul3A_141, %reduce_sum3A_142 [1] : vector<1024x3xf32> to vector<1024xf32>
    %broadcast_in_dim3A_144 = vector.shape_cast %reduce_sum3A_143 : vector<1024xf32> to vector<1024x1xf32>
    %mul3A_145 = vector.broadcast %broadcast_in_dim3A_144 : vector<1024x1xf32> to vector<1024x128xf32>
    %mul3A_146 = arith.mulf %slice3A_111, %mul3A_145 : vector<1024x128xf32>
    %convert_element_type3A_147 = arith.truncf %mul3A_146 : vector<1024x128xf32> to vector<1024x128xbf16>
    %dot_general3A_148 = arith.constant dense<0.000000e+00> : vector<1024x128xf32>
    %dot_general3A_149 = tpu.matmul %convert_element_type3A_30, %convert_element_type3A_147, %dot_general3A_148 {dimension_numbers = #tpu.dot_dimension_numbers<[0], [0], [1], [1], [0, 1, 1, 1], [], []>, transpose_lhs_hint = false} : vector<1024x1024xbf16>, vector<1024x128xbf16>, vector<1024x128xf32> -> vector<1024x128xf32>
    %add3A_150 = arith.addf %get3A_133, %dot_general3A_149 : vector<1024x128xf32>
    %swap3A_151 = arith.constant 0 : index
    %swap3A_152 = arith.constant 0 : index
    %swap3A_153 = vector.load %arg15[%swap3A_151, %swap3A_152] : memref<1024x384xf32, #tpu.memory_space<vmem>>, vector<1024x128xf32>
    tpu.vector_store %arg15[%swap3A_151, %swap3A_152], %add3A_150 {strides = array<i32>} : memref<1024x384xf32, #tpu.memory_space<vmem>>, vector<1024x128xf32>,
    %get3A_154 = arith.constant 0 : index
    %get3A_155 = arith.constant 128 : index
    %get3A_156 = vector.load %arg15[%get3A_154, %get3A_155] : memref<1024x384xf32, #tpu.memory_space<vmem>>, vector<1024x128xf32>
    %iota3A_157 = tpu.iota {dimensions = array<i32: 1>} : vector<1x3xi32>
    %eq3A_158 = arith.constant 1 : i32
    %eq3A_159 = vector.broadcast %eq3A_158 : i32 to vector<1x3xi32>
    %eq3A_160 = arith.cmpi eq, %iota3A_157, %eq3A_159 : vector<1x3xi32>
    %convert_element_type3A_161 = arith.extui %eq3A_160 : vector<1x3xi1> to vector<1x3xi32>
    %convert_element_type3A_162 = arith.sitofp %convert_element_type3A_161 : vector<1x3xi32> to vector<1x3xf32>
    %mul3A_163 = vector.broadcast %convert_element_type3A_162 : vector<1x3xf32> to vector<1024x3xf32>
    %mul3A_164 = arith.mulf %div3A_70, %mul3A_163 : vector<1024x3xf32>
    %reduce_sum3A_165 = arith.constant dense<0.000000e+00> : vector<1024xf32>
    %reduce_sum3A_166 = vector.multi_reduction <add>, %mul3A_164, %reduce_sum3A_165 [1] : vector<1024x3xf32> to vector<1024xf32>
    %broadcast_in_dim3A_167 = vector.shape_cast %reduce_sum3A_166 : vector<1024xf32> to vector<1024x1xf32>
    %mul3A_168 = vector.broadcast %broadcast_in_dim3A_167 : vector<1024x1xf32> to vector<1024x128xf32>
    %mul3A_169 = arith.mulf %slice3A_111, %mul3A_168 : vector<1024x128xf32>
    %convert_element_type3A_170 = arith.truncf %mul3A_169 : vector<1024x128xf32> to vector<1024x128xbf16>
    %dot_general3A_171 = arith.constant dense<0.000000e+00> : vector<1024x128xf32>
    %dot_general3A_172 = tpu.matmul %convert_element_type3A_30, %convert_element_type3A_170, %dot_general3A_171 {dimension_numbers = #tpu.dot_dimension_numbers<[0], [0], [1], [1], [0, 1, 1, 1], [], []>, transpose_lhs_hint = false} : vector<1024x1024xbf16>, vector<1024x128xbf16>, vector<1024x128xf32> -> vector<1024x128xf32>
    %add3A_173 = arith.addf %get3A_156, %dot_general3A_172 : vector<1024x128xf32>
    %swap3A_174 = arith.constant 0 : index
    %swap3A_175 = arith.constant 128 : index
    %swap3A_176 = vector.load %arg15[%swap3A_174, %swap3A_175] : memref<1024x384xf32, #tpu.memory_space<vmem>>, vector<1024x128xf32>
    tpu.vector_store %arg15[%swap3A_174, %swap3A_175], %add3A_173 {strides = array<i32>} : memref<1024x384xf32, #tpu.memory_space<vmem>>, vector<1024x128xf32>,
    %get3A_177 = arith.constant 0 : index
    %get3A_178 = arith.constant 256 : index
    %get3A_179 = vector.load %arg15[%get3A_177, %get3A_178] : memref<1024x384xf32, #tpu.memory_space<vmem>>, vector<1024x128xf32>
    %iota3A_180 = tpu.iota {dimensions = array<i32: 1>} : vector<1x3xi32>
    %eq3A_181 = arith.constant 2 : i32
    %eq3A_182 = vector.broadcast %eq3A_181 : i32 to vector<1x3xi32>
    %eq3A_183 = arith.cmpi eq, %iota3A_180, %eq3A_182 : vector<1x3xi32>
    %convert_element_type3A_184 = arith.extui %eq3A_183 : vector<1x3xi1> to vector<1x3xi32>
    %convert_element_type3A_185 = arith.sitofp %convert_element_type3A_184 : vector<1x3xi32> to vector<1x3xf32>
    %mul3A_186 = vector.broadcast %convert_element_type3A_185 : vector<1x3xf32> to vector<1024x3xf32>
    %mul3A_187 = arith.mulf %div3A_70, %mul3A_186 : vector<1024x3xf32>
    %reduce_sum3A_188 = arith.constant dense<0.000000e+00> : vector<1024xf32>
    %reduce_sum3A_189 = vector.multi_reduction <add>, %mul3A_187, %reduce_sum3A_188 [1] : vector<1024x3xf32> to vector<1024xf32>
    %broadcast_in_dim3A_190 = vector.shape_cast %reduce_sum3A_189 : vector<1024xf32> to vector<1024x1xf32>
    %mul3A_191 = vector.broadcast %broadcast_in_dim3A_190 : vector<1024x1xf32> to vector<1024x128xf32>
    %mul3A_192 = arith.mulf %slice3A_111, %mul3A_191 : vector<1024x128xf32>
    %convert_element_type3A_193 = arith.truncf %mul3A_192 : vector<1024x128xf32> to vector<1024x128xbf16>
    %dot_general3A_194 = arith.constant dense<0.000000e+00> : vector<1024x128xf32>
    %dot_general3A_195 = tpu.matmul %convert_element_type3A_30, %convert_element_type3A_193, %dot_general3A_194 {dimension_numbers = #tpu.dot_dimension_numbers<[0], [0], [1], [1], [0, 1, 1, 1], [], []>, transpose_lhs_hint = false} : vector<1024x1024xbf16>, vector<1024x128xbf16>, vector<1024x128xf32> -> vector<1024x128xf32>
    %add3A_196 = arith.addf %get3A_179, %dot_general3A_195 : vector<1024x128xf32>
    %swap3A_197 = arith.constant 0 : index
    %swap3A_198 = arith.constant 256 : index
    %swap3A_199 = vector.load %arg15[%swap3A_197, %swap3A_198] : memref<1024x384xf32, #tpu.memory_space<vmem>>, vector<1024x128xf32>
    tpu.vector_store %arg15[%swap3A_197, %swap3A_198], %add3A_196 {strides = array<i32>} : memref<1024x384xf32, #tpu.memory_space<vmem>>, vector<1024x128xf32>,
    %get3A_200 = arith.constant 0 : index
    %get3A_201 = arith.constant 0 : index
    %get3A_202 = vector.load %arg16[%get3A_200, %get3A_201] : memref<1024x3xf32, #tpu.memory_space<vmem>>, vector<1024x3xf32>
    %mul3A_203 = vector.broadcast %add3A_121 : vector<1024x1xf32> to vector<1024x3xf32>
    %mul3A_204 = arith.mulf %div3A_70, %mul3A_203 : vector<1024x3xf32>
    %dot_general3A_205 = arith.constant dense<0.000000e+00> : vector<1024x3xf32>
    %dot_general3A_206 = tpu.matmul %convert_element_type3A_14, %mul3A_204, %dot_general3A_205 {dimension_numbers = #tpu.dot_dimension_numbers<[0], [0], [1], [1], [0, 1, 1, 1], [], []>, transpose_lhs_hint = false} : vector<1024x1024xf32>, vector<1024x3xf32>, vector<1024x3xf32> -> vector<1024x3xf32>
    %add3A_207 = arith.addf %get3A_202, %dot_general3A_206 : vector<1024x3xf32>
    %swap3A_208 = arith.constant 0 : index
    %swap3A_209 = arith.constant 0 : index
    %swap3A_210 = vector.load %arg16[%swap3A_208, %swap3A_209] : memref<1024x3xf32, #tpu.memory_space<vmem>>, vector<1024x3xf32>
    tpu.vector_store %arg16[%swap3A_208, %swap3A_209], %add3A_207 {strides = array<i32>} : memref<1024x3xf32, #tpu.memory_space<vmem>>, vector<1024x3xf32>,
    %get3A_211 = arith.constant 0 : index
    %get3A_212 = arith.constant 0 : index
    %get3A_213 = vector.load %arg17[%get3A_211, %get3A_212] : memref<1024x1xf32, #tpu.memory_space<vmem>>, vector<1024x1xf32>
    %broadcast_in_dim3A_214 = arith.constant 1.000000e+00 : f32
    %broadcast_in_dim3A_215 = vector.broadcast %broadcast_in_dim3A_214 : f32 to vector<1024x1xf32>
    %dot_general3A_216 = arith.constant dense<0.000000e+00> : vector<1024x1xf32>
    %dot_general3A_217 = tpu.matmul %convert_element_type3A_14, %broadcast_in_dim3A_215, %dot_general3A_216 {dimension_numbers = #tpu.dot_dimension_numbers<[0], [0], [1], [1], [0, 1, 1, 1], [], []>, transpose_lhs_hint = false} : vector<1024x1024xf32>, vector<1024x1xf32>, vector<1024x1xf32> -> vector<1024x1xf32>
    %add3A_218 = arith.addf %get3A_213, %dot_general3A_217 : vector<1024x1xf32>
    %swap3A_219 = arith.constant 0 : index
    %swap3A_220 = arith.constant 0 : index
    %swap3A_221 = vector.load %arg17[%swap3A_219, %swap3A_220] : memref<1024x1xf32, #tpu.memory_space<vmem>>, vector<1024x1xf32>
    tpu.vector_store %arg17[%swap3A_219, %swap3A_220], %add3A_218 {strides = array<i32>} : memref<1024x1xf32, #tpu.memory_space<vmem>>, vector<1024x1xf32>,
    return
  }
  func.func @transform_0(%arg0: i32) -> (i32, i32) {
    %c0_i32 = arith.constant 0 : i32
    %c0_i32_0 = arith.constant 0 : i32
    return %arg0, %c0_i32 : i32, i32
  }
  func.func @transform_1(%arg0: i32) -> (i32, i32) {
    %c0_i32 = arith.constant 0 : i32
    %c0_i32_0 = arith.constant 0 : i32
    return %arg0, %c0_i32 : i32, i32
  }
  func.func @transform_2(%arg0: i32) -> (i32, i32) {
    %c0_i32 = arith.constant 0 : i32
    %c0_i32_0 = arith.constant 0 : i32
    return %arg0, %c0_i32 : i32, i32
  }
  func.func @transform_3(%arg0: i32) -> (i32, i32) {
    %c0_i32 = arith.constant 0 : i32
    %c0_i32_0 = arith.constant 0 : i32
    %c0_i32_1 = arith.constant 0 : i32
    return %c0_i32, %c0_i32_0 : i32, i32
  }
  func.func @transform_4(%arg0: i32) -> (i32, i32) {
    %c0_i32 = arith.constant 0 : i32
    %c0_i32_0 = arith.constant 0 : i32
    %c0_i32_1 = arith.constant 0 : i32
    return %c0_i32, %c0_i32_0 : i32, i32
  }
  func.func @transform_5(%arg0: i32) -> (i32, i32) {
    %c0_i32 = arith.constant 0 : i32
    %c0_i32_0 = arith.constant 0 : i32
    %c0_i32_1 = arith.constant 0 : i32
    return %c0_i32, %c0_i32_0 : i32, i32
  }
  func.func @transform_6(%arg0: i32) -> (i32, i32) {
    %c0_i32 = arith.constant 0 : i32
    %c0_i32_0 = arith.constant 0 : i32
    %c0_i32_1 = arith.constant 0 : i32
    return %c0_i32, %c0_i32_0 : i32, i32
  }
  func.func @transform_7(%arg0: i32) -> (i32, i32) {
    %c0_i32 = arith.constant 0 : i32
    %c0_i32_0 = arith.constant 0 : i32
    %c0_i32_1 = arith.constant 0 : i32
    return %c0_i32, %c0_i32_0 : i32, i32
  }
  func.func @transform_8(%arg0: i32) -> (i32, i32) {
    %c0_i32 = arith.constant 0 : i32
    %c0_i32_0 = arith.constant 0 : i32
    %c0_i32_1 = arith.constant 0 : i32
    return %c0_i32, %c0_i32_0 : i32, i32
  }
  func.func @transform_9(%arg0: i32) -> (i32, i32) {
    %c0_i32 = arith.constant 0 : i32
    %c0_i32_0 = arith.constant 0 : i32
    %c0_i32_1 = arith.constant 0 : i32
    return %c0_i32, %c0_i32_0 : i32, i32
  }
  func.func @transform_10(%arg0: i32) -> (i32, i32) {
    %c0_i32 = arith.constant 0 : i32
    %c0_i32_0 = arith.constant 0 : i32
    %c0_i32_1 = arith.constant 0 : i32
    return %c0_i32, %c0_i32_0 : i32, i32
  }
  func.func @transform_11(%arg0: i32) -> (i32, i32) {
    %c0_i32 = arith.constant 0 : i32
    %c0_i32_0 = arith.constant 0 : i32
    %c0_i32_1 = arith.constant 0 : i32
    return %c0_i32, %c0_i32_0 : i32, i32
  }
  func.func @transform_12(%arg0: i32) -> (i32, i32) {
    %c0_i32 = arith.constant 0 : i32
    %c0_i32_0 = arith.constant 0 : i32
    %c0_i32_1 = arith.constant 0 : i32
    return %c0_i32, %c0_i32_0 : i32, i32
  }
  func.func @transform_13(%arg0: i32) -> (i32, i32) {
    %c0_i32 = arith.constant 0 : i32
    %c0_i32_0 = arith.constant 0 : i32
    %c0_i32_1 = arith.constant 0 : i32
    return %c0_i32, %c0_i32_0 : i32, i32
  }
  func.func @transform_14(%arg0: i32) -> (i32, i32) {
    %c0_i32 = arith.constant 0 : i32
    %c0_i32_0 = arith.constant 0 : i32
    %c0_i32_1 = arith.constant 0 : i32
    return %c0_i32, %c0_i32_0 : i32, i32
  }
  func.func @transform_15(%arg0: i32) -> (i32, i32) {
    %c0_i32 = arith.constant 0 : i32
    %c0_i32_0 = arith.constant 0 : i32
    %c0_i32_1 = arith.constant 0 : i32
    return %c0_i32, %c0_i32_0 : i32, i32
  }
  func.func @transform_16(%arg0: i32) -> (i32, i32) {
    %c0_i32 = arith.constant 0 : i32
    %c0_i32_0 = arith.constant 0 : i32
    %c0_i32_1 = arith.constant 0 : i32
    return %c0_i32, %c0_i32_0 : i32, i32
  }
}

module attributes {stable_mosaic.version = 14 : i64} {
  func.func @_radius_body(%arg0: i32, %arg1: memref<128x3xf32, #tpu.memory_space<vmem>>, %arg2: memref<128x1xi32, #tpu.memory_space<vmem>>, %arg3: memref<1x1024xi32, #tpu.memory_space<vmem>>, %arg4: memref<1024x3xf32, #tpu.memory_space<vmem>>, %arg5: memref<128x32xi32, #tpu.memory_space<vmem>>, %arg6: memref<128x32xf32, #tpu.memory_space<vmem>>) attributes {dimension_semantics = [#tpu.dimension_semantics<arbitrary>], iteration_bounds = array<i64: 8>, scalar_prefetch = 0 : i64, scratch_operands = 0 : i64, tpu.core_type = #tpu.core_type<tc>, window_params = [{transform_indices = @transform_0, window_bounds = array<i64: 128, 3>}, {transform_indices = @transform_1, window_bounds = array<i64: 128, 1>}, {pipeline_mode = #tpu.pipeline_mode<synchronous>, transform_indices = @transform_2, window_bounds = array<i64: 1, 1024>}, {pipeline_mode = #tpu.pipeline_mode<synchronous>, transform_indices = @transform_3, window_bounds = array<i64: 1024, 3>}, {transform_indices = @transform_4, window_bounds = array<i64: 128, 32>}, {transform_indices = @transform_5, window_bounds = array<i64: 128, 32>}]} {
    %get3A = arith.constant 0 : index
    %get3A_0 = arith.constant 0 : index
    %get3A_1 = vector.load %arg1[%get3A, %get3A_0] : memref<128x3xf32, #tpu.memory_space<vmem>>, vector<128x3xf32>
    %get3A_2 = arith.constant 0 : index
    %get3A_3 = arith.constant 0 : index
    %get3A_4 = vector.load %arg4[%get3A_2, %get3A_3] : memref<1024x3xf32, #tpu.memory_space<vmem>>, vector<1024x3xf32>
    %dot_general3A = arith.constant dense<0.000000e+00> : vector<128x1024xf32>
    %dot_general3A_5 = tpu.matmul %get3A_1, %get3A_4, %dot_general3A {dimension_numbers = #tpu.dot_dimension_numbers<[1], [1], [0], [0], [0, 0, 1, 0], [], []>, precision = #tpu.contract_precision<fp32>, transpose_lhs_hint = false} : vector<128x3xf32>, vector<1024x3xf32>, vector<128x1024xf32> -> vector<128x1024xf32>
    %broadcast_in_dim3A = arith.constant 1.000000e+00 : f32
    %broadcast_in_dim3A_6 = vector.broadcast %broadcast_in_dim3A : f32 to vector<1x3xf32>
    %mul3A = arith.mulf %get3A_4, %get3A_4 : vector<1024x3xf32>
    %dot_general3A_7 = arith.constant dense<0.000000e+00> : vector<1x1024xf32>
    %dot_general3A_8 = tpu.matmul %broadcast_in_dim3A_6, %mul3A, %dot_general3A_7 {dimension_numbers = #tpu.dot_dimension_numbers<[1], [1], [0], [0], [0, 0, 1, 0], [], []>, precision = #tpu.contract_precision<fp32>, transpose_lhs_hint = false} : vector<1x3xf32>, vector<1024x3xf32>, vector<1x1024xf32> -> vector<1x1024xf32>
    %mul3A_9 = arith.mulf %get3A_1, %get3A_1 : vector<128x3xf32>
    %reduce_sum3A = arith.constant dense<0.000000e+00> : vector<128xf32>
    %reduce_sum3A_10 = vector.multi_reduction <add>, %mul3A_9, %reduce_sum3A [1] : vector<128x3xf32> to vector<128xf32>
    %broadcast_in_dim3A_11 = vector.shape_cast %reduce_sum3A_10 : vector<128xf32> to vector<128x1xf32>
    %mul3A_12 = arith.constant 2.000000e+00 : f32
    %mul3A_13 = vector.broadcast %mul3A_12 : f32 to vector<128x1024xf32>
    %mul3A_14 = arith.mulf %mul3A_13, %dot_general3A_5 : vector<128x1024xf32>
    %sub3A = vector.broadcast %broadcast_in_dim3A_11 : vector<128x1xf32> to vector<128x1024xf32>
    %sub3A_15 = arith.subf %sub3A, %mul3A_14 : vector<128x1024xf32>
    %add3A = vector.broadcast %dot_general3A_8 : vector<1x1024xf32> to vector<128x1024xf32>
    %add3A_16 = arith.addf %sub3A_15, %add3A : vector<128x1024xf32>
    %iota3A = tpu.iota {dimensions = array<i32: 1>} : vector<128x1024xi32>
    %iota3A_17 = tpu.iota {dimensions = array<i32: 0>} : vector<128x1024xi32>
    %mul3A_18 = arith.constant 128 : i32
    %mul3A_19 = arith.muli %arg0, %mul3A_18 : i32
    %add3A_20 = vector.broadcast %mul3A_19 : i32 to vector<128x1024xi32>
    %add3A_21 = arith.addi %iota3A_17, %add3A_20 : vector<128x1024xi32>
    %get3A_22 = arith.constant 0 : index
    %get3A_23 = arith.constant 0 : index
    %get3A_24 = vector.load %arg2[%get3A_22, %get3A_23] : memref<128x1xi32, #tpu.memory_space<vmem>>, vector<128x1xi32>
    %get3A_25 = arith.constant 0 : index
    %get3A_26 = arith.constant 0 : index
    %get3A_27 = vector.load %arg3[%get3A_25, %get3A_26] : memref<1x1024xi32, #tpu.memory_space<vmem>>, vector<1x1024xi32>
    %eq3A = vector.broadcast %get3A_24 : vector<128x1xi32> to vector<128x1024xi32>
    %eq3A_28 = vector.broadcast %get3A_27 : vector<1x1024xi32> to vector<128x1024xi32>
    %eq3A_29 = arith.cmpi eq, %eq3A, %eq3A_28 : vector<128x1024xi32>
    %ne3A = arith.cmpi ne, %add3A_21, %iota3A : vector<128x1024xi32>
    %and3A = arith.andi %eq3A_29, %ne3A : vector<128x1024xi1>
    %jit3A = arith.constant 1.000000e+10 : f32
    %broadcast_in_dim3A_30 = vector.broadcast %jit3A : f32 to vector<128x1024xf32>
    %select_n3A = arith.select %and3A, %add3A_16, %broadcast_in_dim3A_30 : vector<128x1024xi1>, vector<128x1024xf32>
    %iota3A_31 = tpu.iota {dimensions = array<i32: 1>} : vector<128x32xi32>
    %broadcast_in_dim3A_32 = arith.constant 0 : i32
    %broadcast_in_dim3A_33 = vector.broadcast %broadcast_in_dim3A_32 : i32 to vector<128x32xi32>
    %broadcast_in_dim3A_34 = arith.constant 0.000000e+00 : f32
    %broadcast_in_dim3A_35 = vector.broadcast %broadcast_in_dim3A_34 : f32 to vector<128x32xf32>
    %reduce_min3A = arith.constant dense<0x7F800000> : vector<128xf32>
    %reduce_min3A_36 = vector.multi_reduction <minimumf>, %select_n3A, %reduce_min3A [1] : vector<128x1024xf32> to vector<128xf32>
    %broadcast_in_dim3A_37 = vector.shape_cast %reduce_min3A_36 : vector<128xf32> to vector<128x1xf32>
    %eq3A_38 = vector.broadcast %broadcast_in_dim3A_37 : vector<128x1xf32> to vector<128x1024xf32>
    %eq3A_39 = arith.cmpf oeq, %select_n3A, %eq3A_38 : vector<128x1024xf32>
    %jit3A_40 = arith.constant 1024 : i32
    %broadcast_in_dim3A_41 = vector.broadcast %jit3A_40 : i32 to vector<128x1024xi32>
    %select_n3A_42 = arith.select %eq3A_39, %iota3A, %broadcast_in_dim3A_41 : vector<128x1024xi1>, vector<128x1024xi32>
    %reduce_min3A_43 = arith.constant dense<2147483647> : vector<128xi32>
    %reduce_min3A_44 = vector.multi_reduction <minsi>, %select_n3A_42, %reduce_min3A_43 [1] : vector<128x1024xi32> to vector<128xi32>
    %broadcast_in_dim3A_45 = vector.shape_cast %reduce_min3A_44 : vector<128xi32> to vector<128x1xi32>
    %eq3A_46 = arith.constant 0 : i32
    %eq3A_47 = vector.broadcast %eq3A_46 : i32 to vector<128x32xi32>
    %eq3A_48 = arith.cmpi eq, %iota3A_31, %eq3A_47 : vector<128x32xi32>
    %broadcast_in_dim3A_49 = vector.shape_cast %broadcast_in_dim3A_45 : vector<128x1xi32> to vector<128x1xi32>
    %broadcast_in_dim3A_50 = vector.broadcast %broadcast_in_dim3A_49 : vector<128x1xi32> to vector<128x32xi32>
    %select_n3A_51 = arith.select %eq3A_48, %broadcast_in_dim3A_50, %broadcast_in_dim3A_33 : vector<128x32xi1>, vector<128x32xi32>
    %eq3A_52 = arith.constant 0 : i32
    %eq3A_53 = vector.broadcast %eq3A_52 : i32 to vector<128x32xi32>
    %eq3A_54 = arith.cmpi eq, %iota3A_31, %eq3A_53 : vector<128x32xi32>
    %broadcast_in_dim3A_55 = vector.shape_cast %broadcast_in_dim3A_37 : vector<128x1xf32> to vector<128x1xf32>
    %broadcast_in_dim3A_56 = vector.broadcast %broadcast_in_dim3A_55 : vector<128x1xf32> to vector<128x32xf32>
    %select_n3A_57 = arith.select %eq3A_54, %broadcast_in_dim3A_56, %broadcast_in_dim3A_35 : vector<128x32xi1>, vector<128x32xf32>
    %eq3A_58 = vector.broadcast %broadcast_in_dim3A_45 : vector<128x1xi32> to vector<128x1024xi32>
    %eq3A_59 = arith.cmpi eq, %iota3A, %eq3A_58 : vector<128x1024xi32>
    %jit3A_60 = arith.constant 1.000000e+10 : f32
    %broadcast_in_dim3A_61 = vector.broadcast %jit3A_60 : f32 to vector<128x1024xf32>
    %select_n3A_62 = arith.select %eq3A_59, %broadcast_in_dim3A_61, %select_n3A : vector<128x1024xi1>, vector<128x1024xf32>
    %reduce_min3A_63 = arith.constant dense<0x7F800000> : vector<128xf32>
    %reduce_min3A_64 = vector.multi_reduction <minimumf>, %select_n3A_62, %reduce_min3A_63 [1] : vector<128x1024xf32> to vector<128xf32>
    %broadcast_in_dim3A_65 = vector.shape_cast %reduce_min3A_64 : vector<128xf32> to vector<128x1xf32>
    %eq3A_66 = vector.broadcast %broadcast_in_dim3A_65 : vector<128x1xf32> to vector<128x1024xf32>
    %eq3A_67 = arith.cmpf oeq, %select_n3A_62, %eq3A_66 : vector<128x1024xf32>
    %jit3A_68 = arith.constant 1024 : i32
    %broadcast_in_dim3A_69 = vector.broadcast %jit3A_68 : i32 to vector<128x1024xi32>
    %select_n3A_70 = arith.select %eq3A_67, %iota3A, %broadcast_in_dim3A_69 : vector<128x1024xi1>, vector<128x1024xi32>
    %reduce_min3A_71 = arith.constant dense<2147483647> : vector<128xi32>
    %reduce_min3A_72 = vector.multi_reduction <minsi>, %select_n3A_70, %reduce_min3A_71 [1] : vector<128x1024xi32> to vector<128xi32>
    %broadcast_in_dim3A_73 = vector.shape_cast %reduce_min3A_72 : vector<128xi32> to vector<128x1xi32>
    %eq3A_74 = arith.constant 1 : i32
    %eq3A_75 = vector.broadcast %eq3A_74 : i32 to vector<128x32xi32>
    %eq3A_76 = arith.cmpi eq, %iota3A_31, %eq3A_75 : vector<128x32xi32>
    %broadcast_in_dim3A_77 = vector.shape_cast %broadcast_in_dim3A_73 : vector<128x1xi32> to vector<128x1xi32>
    %broadcast_in_dim3A_78 = vector.broadcast %broadcast_in_dim3A_77 : vector<128x1xi32> to vector<128x32xi32>
    %select_n3A_79 = arith.select %eq3A_76, %broadcast_in_dim3A_78, %select_n3A_51 : vector<128x32xi1>, vector<128x32xi32>
    %eq3A_80 = arith.constant 1 : i32
    %eq3A_81 = vector.broadcast %eq3A_80 : i32 to vector<128x32xi32>
    %eq3A_82 = arith.cmpi eq, %iota3A_31, %eq3A_81 : vector<128x32xi32>
    %broadcast_in_dim3A_83 = vector.shape_cast %broadcast_in_dim3A_65 : vector<128x1xf32> to vector<128x1xf32>
    %broadcast_in_dim3A_84 = vector.broadcast %broadcast_in_dim3A_83 : vector<128x1xf32> to vector<128x32xf32>
    %select_n3A_85 = arith.select %eq3A_82, %broadcast_in_dim3A_84, %select_n3A_57 : vector<128x32xi1>, vector<128x32xf32>
    %eq3A_86 = vector.broadcast %broadcast_in_dim3A_73 : vector<128x1xi32> to vector<128x1024xi32>
    %eq3A_87 = arith.cmpi eq, %iota3A, %eq3A_86 : vector<128x1024xi32>
    %jit3A_88 = arith.constant 1.000000e+10 : f32
    %broadcast_in_dim3A_89 = vector.broadcast %jit3A_88 : f32 to vector<128x1024xf32>
    %select_n3A_90 = arith.select %eq3A_87, %broadcast_in_dim3A_89, %select_n3A_62 : vector<128x1024xi1>, vector<128x1024xf32>
    %reduce_min3A_91 = arith.constant dense<0x7F800000> : vector<128xf32>
    %reduce_min3A_92 = vector.multi_reduction <minimumf>, %select_n3A_90, %reduce_min3A_91 [1] : vector<128x1024xf32> to vector<128xf32>
    %broadcast_in_dim3A_93 = vector.shape_cast %reduce_min3A_92 : vector<128xf32> to vector<128x1xf32>
    %eq3A_94 = vector.broadcast %broadcast_in_dim3A_93 : vector<128x1xf32> to vector<128x1024xf32>
    %eq3A_95 = arith.cmpf oeq, %select_n3A_90, %eq3A_94 : vector<128x1024xf32>
    %jit3A_96 = arith.constant 1024 : i32
    %broadcast_in_dim3A_97 = vector.broadcast %jit3A_96 : i32 to vector<128x1024xi32>
    %select_n3A_98 = arith.select %eq3A_95, %iota3A, %broadcast_in_dim3A_97 : vector<128x1024xi1>, vector<128x1024xi32>
    %reduce_min3A_99 = arith.constant dense<2147483647> : vector<128xi32>
    %reduce_min3A_100 = vector.multi_reduction <minsi>, %select_n3A_98, %reduce_min3A_99 [1] : vector<128x1024xi32> to vector<128xi32>
    %broadcast_in_dim3A_101 = vector.shape_cast %reduce_min3A_100 : vector<128xi32> to vector<128x1xi32>
    %eq3A_102 = arith.constant 2 : i32
    %eq3A_103 = vector.broadcast %eq3A_102 : i32 to vector<128x32xi32>
    %eq3A_104 = arith.cmpi eq, %iota3A_31, %eq3A_103 : vector<128x32xi32>
    %broadcast_in_dim3A_105 = vector.shape_cast %broadcast_in_dim3A_101 : vector<128x1xi32> to vector<128x1xi32>
    %broadcast_in_dim3A_106 = vector.broadcast %broadcast_in_dim3A_105 : vector<128x1xi32> to vector<128x32xi32>
    %select_n3A_107 = arith.select %eq3A_104, %broadcast_in_dim3A_106, %select_n3A_79 : vector<128x32xi1>, vector<128x32xi32>
    %eq3A_108 = arith.constant 2 : i32
    %eq3A_109 = vector.broadcast %eq3A_108 : i32 to vector<128x32xi32>
    %eq3A_110 = arith.cmpi eq, %iota3A_31, %eq3A_109 : vector<128x32xi32>
    %broadcast_in_dim3A_111 = vector.shape_cast %broadcast_in_dim3A_93 : vector<128x1xf32> to vector<128x1xf32>
    %broadcast_in_dim3A_112 = vector.broadcast %broadcast_in_dim3A_111 : vector<128x1xf32> to vector<128x32xf32>
    %select_n3A_113 = arith.select %eq3A_110, %broadcast_in_dim3A_112, %select_n3A_85 : vector<128x32xi1>, vector<128x32xf32>
    %eq3A_114 = vector.broadcast %broadcast_in_dim3A_101 : vector<128x1xi32> to vector<128x1024xi32>
    %eq3A_115 = arith.cmpi eq, %iota3A, %eq3A_114 : vector<128x1024xi32>
    %jit3A_116 = arith.constant 1.000000e+10 : f32
    %broadcast_in_dim3A_117 = vector.broadcast %jit3A_116 : f32 to vector<128x1024xf32>
    %select_n3A_118 = arith.select %eq3A_115, %broadcast_in_dim3A_117, %select_n3A_90 : vector<128x1024xi1>, vector<128x1024xf32>
    %reduce_min3A_119 = arith.constant dense<0x7F800000> : vector<128xf32>
    %reduce_min3A_120 = vector.multi_reduction <minimumf>, %select_n3A_118, %reduce_min3A_119 [1] : vector<128x1024xf32> to vector<128xf32>
    %broadcast_in_dim3A_121 = vector.shape_cast %reduce_min3A_120 : vector<128xf32> to vector<128x1xf32>
    %eq3A_122 = vector.broadcast %broadcast_in_dim3A_121 : vector<128x1xf32> to vector<128x1024xf32>
    %eq3A_123 = arith.cmpf oeq, %select_n3A_118, %eq3A_122 : vector<128x1024xf32>
    %jit3A_124 = arith.constant 1024 : i32
    %broadcast_in_dim3A_125 = vector.broadcast %jit3A_124 : i32 to vector<128x1024xi32>
    %select_n3A_126 = arith.select %eq3A_123, %iota3A, %broadcast_in_dim3A_125 : vector<128x1024xi1>, vector<128x1024xi32>
    %reduce_min3A_127 = arith.constant dense<2147483647> : vector<128xi32>
    %reduce_min3A_128 = vector.multi_reduction <minsi>, %select_n3A_126, %reduce_min3A_127 [1] : vector<128x1024xi32> to vector<128xi32>
    %broadcast_in_dim3A_129 = vector.shape_cast %reduce_min3A_128 : vector<128xi32> to vector<128x1xi32>
    %eq3A_130 = arith.constant 3 : i32
    %eq3A_131 = vector.broadcast %eq3A_130 : i32 to vector<128x32xi32>
    %eq3A_132 = arith.cmpi eq, %iota3A_31, %eq3A_131 : vector<128x32xi32>
    %broadcast_in_dim3A_133 = vector.shape_cast %broadcast_in_dim3A_129 : vector<128x1xi32> to vector<128x1xi32>
    %broadcast_in_dim3A_134 = vector.broadcast %broadcast_in_dim3A_133 : vector<128x1xi32> to vector<128x32xi32>
    %select_n3A_135 = arith.select %eq3A_132, %broadcast_in_dim3A_134, %select_n3A_107 : vector<128x32xi1>, vector<128x32xi32>
    %eq3A_136 = arith.constant 3 : i32
    %eq3A_137 = vector.broadcast %eq3A_136 : i32 to vector<128x32xi32>
    %eq3A_138 = arith.cmpi eq, %iota3A_31, %eq3A_137 : vector<128x32xi32>
    %broadcast_in_dim3A_139 = vector.shape_cast %broadcast_in_dim3A_121 : vector<128x1xf32> to vector<128x1xf32>
    %broadcast_in_dim3A_140 = vector.broadcast %broadcast_in_dim3A_139 : vector<128x1xf32> to vector<128x32xf32>
    %select_n3A_141 = arith.select %eq3A_138, %broadcast_in_dim3A_140, %select_n3A_113 : vector<128x32xi1>, vector<128x32xf32>
    %eq3A_142 = vector.broadcast %broadcast_in_dim3A_129 : vector<128x1xi32> to vector<128x1024xi32>
    %eq3A_143 = arith.cmpi eq, %iota3A, %eq3A_142 : vector<128x1024xi32>
    %jit3A_144 = arith.constant 1.000000e+10 : f32
    %broadcast_in_dim3A_145 = vector.broadcast %jit3A_144 : f32 to vector<128x1024xf32>
    %select_n3A_146 = arith.select %eq3A_143, %broadcast_in_dim3A_145, %select_n3A_118 : vector<128x1024xi1>, vector<128x1024xf32>
    %reduce_min3A_147 = arith.constant dense<0x7F800000> : vector<128xf32>
    %reduce_min3A_148 = vector.multi_reduction <minimumf>, %select_n3A_146, %reduce_min3A_147 [1] : vector<128x1024xf32> to vector<128xf32>
    %broadcast_in_dim3A_149 = vector.shape_cast %reduce_min3A_148 : vector<128xf32> to vector<128x1xf32>
    %eq3A_150 = vector.broadcast %broadcast_in_dim3A_149 : vector<128x1xf32> to vector<128x1024xf32>
    %eq3A_151 = arith.cmpf oeq, %select_n3A_146, %eq3A_150 : vector<128x1024xf32>
    %jit3A_152 = arith.constant 1024 : i32
    %broadcast_in_dim3A_153 = vector.broadcast %jit3A_152 : i32 to vector<128x1024xi32>
    %select_n3A_154 = arith.select %eq3A_151, %iota3A, %broadcast_in_dim3A_153 : vector<128x1024xi1>, vector<128x1024xi32>
    %reduce_min3A_155 = arith.constant dense<2147483647> : vector<128xi32>
    %reduce_min3A_156 = vector.multi_reduction <minsi>, %select_n3A_154, %reduce_min3A_155 [1] : vector<128x1024xi32> to vector<128xi32>
    %broadcast_in_dim3A_157 = vector.shape_cast %reduce_min3A_156 : vector<128xi32> to vector<128x1xi32>
    %eq3A_158 = arith.constant 4 : i32
    %eq3A_159 = vector.broadcast %eq3A_158 : i32 to vector<128x32xi32>
    %eq3A_160 = arith.cmpi eq, %iota3A_31, %eq3A_159 : vector<128x32xi32>
    %broadcast_in_dim3A_161 = vector.shape_cast %broadcast_in_dim3A_157 : vector<128x1xi32> to vector<128x1xi32>
    %broadcast_in_dim3A_162 = vector.broadcast %broadcast_in_dim3A_161 : vector<128x1xi32> to vector<128x32xi32>
    %select_n3A_163 = arith.select %eq3A_160, %broadcast_in_dim3A_162, %select_n3A_135 : vector<128x32xi1>, vector<128x32xi32>
    %eq3A_164 = arith.constant 4 : i32
    %eq3A_165 = vector.broadcast %eq3A_164 : i32 to vector<128x32xi32>
    %eq3A_166 = arith.cmpi eq, %iota3A_31, %eq3A_165 : vector<128x32xi32>
    %broadcast_in_dim3A_167 = vector.shape_cast %broadcast_in_dim3A_149 : vector<128x1xf32> to vector<128x1xf32>
    %broadcast_in_dim3A_168 = vector.broadcast %broadcast_in_dim3A_167 : vector<128x1xf32> to vector<128x32xf32>
    %select_n3A_169 = arith.select %eq3A_166, %broadcast_in_dim3A_168, %select_n3A_141 : vector<128x32xi1>, vector<128x32xf32>
    %eq3A_170 = vector.broadcast %broadcast_in_dim3A_157 : vector<128x1xi32> to vector<128x1024xi32>
    %eq3A_171 = arith.cmpi eq, %iota3A, %eq3A_170 : vector<128x1024xi32>
    %jit3A_172 = arith.constant 1.000000e+10 : f32
    %broadcast_in_dim3A_173 = vector.broadcast %jit3A_172 : f32 to vector<128x1024xf32>
    %select_n3A_174 = arith.select %eq3A_171, %broadcast_in_dim3A_173, %select_n3A_146 : vector<128x1024xi1>, vector<128x1024xf32>
    %reduce_min3A_175 = arith.constant dense<0x7F800000> : vector<128xf32>
    %reduce_min3A_176 = vector.multi_reduction <minimumf>, %select_n3A_174, %reduce_min3A_175 [1] : vector<128x1024xf32> to vector<128xf32>
    %broadcast_in_dim3A_177 = vector.shape_cast %reduce_min3A_176 : vector<128xf32> to vector<128x1xf32>
    %eq3A_178 = vector.broadcast %broadcast_in_dim3A_177 : vector<128x1xf32> to vector<128x1024xf32>
    %eq3A_179 = arith.cmpf oeq, %select_n3A_174, %eq3A_178 : vector<128x1024xf32>
    %jit3A_180 = arith.constant 1024 : i32
    %broadcast_in_dim3A_181 = vector.broadcast %jit3A_180 : i32 to vector<128x1024xi32>
    %select_n3A_182 = arith.select %eq3A_179, %iota3A, %broadcast_in_dim3A_181 : vector<128x1024xi1>, vector<128x1024xi32>
    %reduce_min3A_183 = arith.constant dense<2147483647> : vector<128xi32>
    %reduce_min3A_184 = vector.multi_reduction <minsi>, %select_n3A_182, %reduce_min3A_183 [1] : vector<128x1024xi32> to vector<128xi32>
    %broadcast_in_dim3A_185 = vector.shape_cast %reduce_min3A_184 : vector<128xi32> to vector<128x1xi32>
    %eq3A_186 = arith.constant 5 : i32
    %eq3A_187 = vector.broadcast %eq3A_186 : i32 to vector<128x32xi32>
    %eq3A_188 = arith.cmpi eq, %iota3A_31, %eq3A_187 : vector<128x32xi32>
    %broadcast_in_dim3A_189 = vector.shape_cast %broadcast_in_dim3A_185 : vector<128x1xi32> to vector<128x1xi32>
    %broadcast_in_dim3A_190 = vector.broadcast %broadcast_in_dim3A_189 : vector<128x1xi32> to vector<128x32xi32>
    %select_n3A_191 = arith.select %eq3A_188, %broadcast_in_dim3A_190, %select_n3A_163 : vector<128x32xi1>, vector<128x32xi32>
    %eq3A_192 = arith.constant 5 : i32
    %eq3A_193 = vector.broadcast %eq3A_192 : i32 to vector<128x32xi32>
    %eq3A_194 = arith.cmpi eq, %iota3A_31, %eq3A_193 : vector<128x32xi32>
    %broadcast_in_dim3A_195 = vector.shape_cast %broadcast_in_dim3A_177 : vector<128x1xf32> to vector<128x1xf32>
    %broadcast_in_dim3A_196 = vector.broadcast %broadcast_in_dim3A_195 : vector<128x1xf32> to vector<128x32xf32>
    %select_n3A_197 = arith.select %eq3A_194, %broadcast_in_dim3A_196, %select_n3A_169 : vector<128x32xi1>, vector<128x32xf32>
    %eq3A_198 = vector.broadcast %broadcast_in_dim3A_185 : vector<128x1xi32> to vector<128x1024xi32>
    %eq3A_199 = arith.cmpi eq, %iota3A, %eq3A_198 : vector<128x1024xi32>
    %jit3A_200 = arith.constant 1.000000e+10 : f32
    %broadcast_in_dim3A_201 = vector.broadcast %jit3A_200 : f32 to vector<128x1024xf32>
    %select_n3A_202 = arith.select %eq3A_199, %broadcast_in_dim3A_201, %select_n3A_174 : vector<128x1024xi1>, vector<128x1024xf32>
    %reduce_min3A_203 = arith.constant dense<0x7F800000> : vector<128xf32>
    %reduce_min3A_204 = vector.multi_reduction <minimumf>, %select_n3A_202, %reduce_min3A_203 [1] : vector<128x1024xf32> to vector<128xf32>
    %broadcast_in_dim3A_205 = vector.shape_cast %reduce_min3A_204 : vector<128xf32> to vector<128x1xf32>
    %eq3A_206 = vector.broadcast %broadcast_in_dim3A_205 : vector<128x1xf32> to vector<128x1024xf32>
    %eq3A_207 = arith.cmpf oeq, %select_n3A_202, %eq3A_206 : vector<128x1024xf32>
    %jit3A_208 = arith.constant 1024 : i32
    %broadcast_in_dim3A_209 = vector.broadcast %jit3A_208 : i32 to vector<128x1024xi32>
    %select_n3A_210 = arith.select %eq3A_207, %iota3A, %broadcast_in_dim3A_209 : vector<128x1024xi1>, vector<128x1024xi32>
    %reduce_min3A_211 = arith.constant dense<2147483647> : vector<128xi32>
    %reduce_min3A_212 = vector.multi_reduction <minsi>, %select_n3A_210, %reduce_min3A_211 [1] : vector<128x1024xi32> to vector<128xi32>
    %broadcast_in_dim3A_213 = vector.shape_cast %reduce_min3A_212 : vector<128xi32> to vector<128x1xi32>
    %eq3A_214 = arith.constant 6 : i32
    %eq3A_215 = vector.broadcast %eq3A_214 : i32 to vector<128x32xi32>
    %eq3A_216 = arith.cmpi eq, %iota3A_31, %eq3A_215 : vector<128x32xi32>
    %broadcast_in_dim3A_217 = vector.shape_cast %broadcast_in_dim3A_213 : vector<128x1xi32> to vector<128x1xi32>
    %broadcast_in_dim3A_218 = vector.broadcast %broadcast_in_dim3A_217 : vector<128x1xi32> to vector<128x32xi32>
    %select_n3A_219 = arith.select %eq3A_216, %broadcast_in_dim3A_218, %select_n3A_191 : vector<128x32xi1>, vector<128x32xi32>
    %eq3A_220 = arith.constant 6 : i32
    %eq3A_221 = vector.broadcast %eq3A_220 : i32 to vector<128x32xi32>
    %eq3A_222 = arith.cmpi eq, %iota3A_31, %eq3A_221 : vector<128x32xi32>
    %broadcast_in_dim3A_223 = vector.shape_cast %broadcast_in_dim3A_205 : vector<128x1xf32> to vector<128x1xf32>
    %broadcast_in_dim3A_224 = vector.broadcast %broadcast_in_dim3A_223 : vector<128x1xf32> to vector<128x32xf32>
    %select_n3A_225 = arith.select %eq3A_222, %broadcast_in_dim3A_224, %select_n3A_197 : vector<128x32xi1>, vector<128x32xf32>
    %eq3A_226 = vector.broadcast %broadcast_in_dim3A_213 : vector<128x1xi32> to vector<128x1024xi32>
    %eq3A_227 = arith.cmpi eq, %iota3A, %eq3A_226 : vector<128x1024xi32>
    %jit3A_228 = arith.constant 1.000000e+10 : f32
    %broadcast_in_dim3A_229 = vector.broadcast %jit3A_228 : f32 to vector<128x1024xf32>
    %select_n3A_230 = arith.select %eq3A_227, %broadcast_in_dim3A_229, %select_n3A_202 : vector<128x1024xi1>, vector<128x1024xf32>
    %reduce_min3A_231 = arith.constant dense<0x7F800000> : vector<128xf32>
    %reduce_min3A_232 = vector.multi_reduction <minimumf>, %select_n3A_230, %reduce_min3A_231 [1] : vector<128x1024xf32> to vector<128xf32>
    %broadcast_in_dim3A_233 = vector.shape_cast %reduce_min3A_232 : vector<128xf32> to vector<128x1xf32>
    %eq3A_234 = vector.broadcast %broadcast_in_dim3A_233 : vector<128x1xf32> to vector<128x1024xf32>
    %eq3A_235 = arith.cmpf oeq, %select_n3A_230, %eq3A_234 : vector<128x1024xf32>
    %jit3A_236 = arith.constant 1024 : i32
    %broadcast_in_dim3A_237 = vector.broadcast %jit3A_236 : i32 to vector<128x1024xi32>
    %select_n3A_238 = arith.select %eq3A_235, %iota3A, %broadcast_in_dim3A_237 : vector<128x1024xi1>, vector<128x1024xi32>
    %reduce_min3A_239 = arith.constant dense<2147483647> : vector<128xi32>
    %reduce_min3A_240 = vector.multi_reduction <minsi>, %select_n3A_238, %reduce_min3A_239 [1] : vector<128x1024xi32> to vector<128xi32>
    %broadcast_in_dim3A_241 = vector.shape_cast %reduce_min3A_240 : vector<128xi32> to vector<128x1xi32>
    %eq3A_242 = arith.constant 7 : i32
    %eq3A_243 = vector.broadcast %eq3A_242 : i32 to vector<128x32xi32>
    %eq3A_244 = arith.cmpi eq, %iota3A_31, %eq3A_243 : vector<128x32xi32>
    %broadcast_in_dim3A_245 = vector.shape_cast %broadcast_in_dim3A_241 : vector<128x1xi32> to vector<128x1xi32>
    %broadcast_in_dim3A_246 = vector.broadcast %broadcast_in_dim3A_245 : vector<128x1xi32> to vector<128x32xi32>
    %select_n3A_247 = arith.select %eq3A_244, %broadcast_in_dim3A_246, %select_n3A_219 : vector<128x32xi1>, vector<128x32xi32>
    %eq3A_248 = arith.constant 7 : i32
    %eq3A_249 = vector.broadcast %eq3A_248 : i32 to vector<128x32xi32>
    %eq3A_250 = arith.cmpi eq, %iota3A_31, %eq3A_249 : vector<128x32xi32>
    %broadcast_in_dim3A_251 = vector.shape_cast %broadcast_in_dim3A_233 : vector<128x1xf32> to vector<128x1xf32>
    %broadcast_in_dim3A_252 = vector.broadcast %broadcast_in_dim3A_251 : vector<128x1xf32> to vector<128x32xf32>
    %select_n3A_253 = arith.select %eq3A_250, %broadcast_in_dim3A_252, %select_n3A_225 : vector<128x32xi1>, vector<128x32xf32>
    %eq3A_254 = vector.broadcast %broadcast_in_dim3A_241 : vector<128x1xi32> to vector<128x1024xi32>
    %eq3A_255 = arith.cmpi eq, %iota3A, %eq3A_254 : vector<128x1024xi32>
    %jit3A_256 = arith.constant 1.000000e+10 : f32
    %broadcast_in_dim3A_257 = vector.broadcast %jit3A_256 : f32 to vector<128x1024xf32>
    %select_n3A_258 = arith.select %eq3A_255, %broadcast_in_dim3A_257, %select_n3A_230 : vector<128x1024xi1>, vector<128x1024xf32>
    %reduce_min3A_259 = arith.constant dense<0x7F800000> : vector<128xf32>
    %reduce_min3A_260 = vector.multi_reduction <minimumf>, %select_n3A_258, %reduce_min3A_259 [1] : vector<128x1024xf32> to vector<128xf32>
    %broadcast_in_dim3A_261 = vector.shape_cast %reduce_min3A_260 : vector<128xf32> to vector<128x1xf32>
    %eq3A_262 = vector.broadcast %broadcast_in_dim3A_261 : vector<128x1xf32> to vector<128x1024xf32>
    %eq3A_263 = arith.cmpf oeq, %select_n3A_258, %eq3A_262 : vector<128x1024xf32>
    %jit3A_264 = arith.constant 1024 : i32
    %broadcast_in_dim3A_265 = vector.broadcast %jit3A_264 : i32 to vector<128x1024xi32>
    %select_n3A_266 = arith.select %eq3A_263, %iota3A, %broadcast_in_dim3A_265 : vector<128x1024xi1>, vector<128x1024xi32>
    %reduce_min3A_267 = arith.constant dense<2147483647> : vector<128xi32>
    %reduce_min3A_268 = vector.multi_reduction <minsi>, %select_n3A_266, %reduce_min3A_267 [1] : vector<128x1024xi32> to vector<128xi32>
    %broadcast_in_dim3A_269 = vector.shape_cast %reduce_min3A_268 : vector<128xi32> to vector<128x1xi32>
    %eq3A_270 = arith.constant 8 : i32
    %eq3A_271 = vector.broadcast %eq3A_270 : i32 to vector<128x32xi32>
    %eq3A_272 = arith.cmpi eq, %iota3A_31, %eq3A_271 : vector<128x32xi32>
    %broadcast_in_dim3A_273 = vector.shape_cast %broadcast_in_dim3A_269 : vector<128x1xi32> to vector<128x1xi32>
    %broadcast_in_dim3A_274 = vector.broadcast %broadcast_in_dim3A_273 : vector<128x1xi32> to vector<128x32xi32>
    %select_n3A_275 = arith.select %eq3A_272, %broadcast_in_dim3A_274, %select_n3A_247 : vector<128x32xi1>, vector<128x32xi32>
    %eq3A_276 = arith.constant 8 : i32
    %eq3A_277 = vector.broadcast %eq3A_276 : i32 to vector<128x32xi32>
    %eq3A_278 = arith.cmpi eq, %iota3A_31, %eq3A_277 : vector<128x32xi32>
    %broadcast_in_dim3A_279 = vector.shape_cast %broadcast_in_dim3A_261 : vector<128x1xf32> to vector<128x1xf32>
    %broadcast_in_dim3A_280 = vector.broadcast %broadcast_in_dim3A_279 : vector<128x1xf32> to vector<128x32xf32>
    %select_n3A_281 = arith.select %eq3A_278, %broadcast_in_dim3A_280, %select_n3A_253 : vector<128x32xi1>, vector<128x32xf32>
    %eq3A_282 = vector.broadcast %broadcast_in_dim3A_269 : vector<128x1xi32> to vector<128x1024xi32>
    %eq3A_283 = arith.cmpi eq, %iota3A, %eq3A_282 : vector<128x1024xi32>
    %jit3A_284 = arith.constant 1.000000e+10 : f32
    %broadcast_in_dim3A_285 = vector.broadcast %jit3A_284 : f32 to vector<128x1024xf32>
    %select_n3A_286 = arith.select %eq3A_283, %broadcast_in_dim3A_285, %select_n3A_258 : vector<128x1024xi1>, vector<128x1024xf32>
    %reduce_min3A_287 = arith.constant dense<0x7F800000> : vector<128xf32>
    %reduce_min3A_288 = vector.multi_reduction <minimumf>, %select_n3A_286, %reduce_min3A_287 [1] : vector<128x1024xf32> to vector<128xf32>
    %broadcast_in_dim3A_289 = vector.shape_cast %reduce_min3A_288 : vector<128xf32> to vector<128x1xf32>
    %eq3A_290 = vector.broadcast %broadcast_in_dim3A_289 : vector<128x1xf32> to vector<128x1024xf32>
    %eq3A_291 = arith.cmpf oeq, %select_n3A_286, %eq3A_290 : vector<128x1024xf32>
    %jit3A_292 = arith.constant 1024 : i32
    %broadcast_in_dim3A_293 = vector.broadcast %jit3A_292 : i32 to vector<128x1024xi32>
    %select_n3A_294 = arith.select %eq3A_291, %iota3A, %broadcast_in_dim3A_293 : vector<128x1024xi1>, vector<128x1024xi32>
    %reduce_min3A_295 = arith.constant dense<2147483647> : vector<128xi32>
    %reduce_min3A_296 = vector.multi_reduction <minsi>, %select_n3A_294, %reduce_min3A_295 [1] : vector<128x1024xi32> to vector<128xi32>
    %broadcast_in_dim3A_297 = vector.shape_cast %reduce_min3A_296 : vector<128xi32> to vector<128x1xi32>
    %eq3A_298 = arith.constant 9 : i32
    %eq3A_299 = vector.broadcast %eq3A_298 : i32 to vector<128x32xi32>
    %eq3A_300 = arith.cmpi eq, %iota3A_31, %eq3A_299 : vector<128x32xi32>
    %broadcast_in_dim3A_301 = vector.shape_cast %broadcast_in_dim3A_297 : vector<128x1xi32> to vector<128x1xi32>
    %broadcast_in_dim3A_302 = vector.broadcast %broadcast_in_dim3A_301 : vector<128x1xi32> to vector<128x32xi32>
    %select_n3A_303 = arith.select %eq3A_300, %broadcast_in_dim3A_302, %select_n3A_275 : vector<128x32xi1>, vector<128x32xi32>
    %eq3A_304 = arith.constant 9 : i32
    %eq3A_305 = vector.broadcast %eq3A_304 : i32 to vector<128x32xi32>
    %eq3A_306 = arith.cmpi eq, %iota3A_31, %eq3A_305 : vector<128x32xi32>
    %broadcast_in_dim3A_307 = vector.shape_cast %broadcast_in_dim3A_289 : vector<128x1xf32> to vector<128x1xf32>
    %broadcast_in_dim3A_308 = vector.broadcast %broadcast_in_dim3A_307 : vector<128x1xf32> to vector<128x32xf32>
    %select_n3A_309 = arith.select %eq3A_306, %broadcast_in_dim3A_308, %select_n3A_281 : vector<128x32xi1>, vector<128x32xf32>
    %eq3A_310 = vector.broadcast %broadcast_in_dim3A_297 : vector<128x1xi32> to vector<128x1024xi32>
    %eq3A_311 = arith.cmpi eq, %iota3A, %eq3A_310 : vector<128x1024xi32>
    %jit3A_312 = arith.constant 1.000000e+10 : f32
    %broadcast_in_dim3A_313 = vector.broadcast %jit3A_312 : f32 to vector<128x1024xf32>
    %select_n3A_314 = arith.select %eq3A_311, %broadcast_in_dim3A_313, %select_n3A_286 : vector<128x1024xi1>, vector<128x1024xf32>
    %reduce_min3A_315 = arith.constant dense<0x7F800000> : vector<128xf32>
    %reduce_min3A_316 = vector.multi_reduction <minimumf>, %select_n3A_314, %reduce_min3A_315 [1] : vector<128x1024xf32> to vector<128xf32>
    %broadcast_in_dim3A_317 = vector.shape_cast %reduce_min3A_316 : vector<128xf32> to vector<128x1xf32>
    %eq3A_318 = vector.broadcast %broadcast_in_dim3A_317 : vector<128x1xf32> to vector<128x1024xf32>
    %eq3A_319 = arith.cmpf oeq, %select_n3A_314, %eq3A_318 : vector<128x1024xf32>
    %jit3A_320 = arith.constant 1024 : i32
    %broadcast_in_dim3A_321 = vector.broadcast %jit3A_320 : i32 to vector<128x1024xi32>
    %select_n3A_322 = arith.select %eq3A_319, %iota3A, %broadcast_in_dim3A_321 : vector<128x1024xi1>, vector<128x1024xi32>
    %reduce_min3A_323 = arith.constant dense<2147483647> : vector<128xi32>
    %reduce_min3A_324 = vector.multi_reduction <minsi>, %select_n3A_322, %reduce_min3A_323 [1] : vector<128x1024xi32> to vector<128xi32>
    %broadcast_in_dim3A_325 = vector.shape_cast %reduce_min3A_324 : vector<128xi32> to vector<128x1xi32>
    %eq3A_326 = arith.constant 10 : i32
    %eq3A_327 = vector.broadcast %eq3A_326 : i32 to vector<128x32xi32>
    %eq3A_328 = arith.cmpi eq, %iota3A_31, %eq3A_327 : vector<128x32xi32>
    %broadcast_in_dim3A_329 = vector.shape_cast %broadcast_in_dim3A_325 : vector<128x1xi32> to vector<128x1xi32>
    %broadcast_in_dim3A_330 = vector.broadcast %broadcast_in_dim3A_329 : vector<128x1xi32> to vector<128x32xi32>
    %select_n3A_331 = arith.select %eq3A_328, %broadcast_in_dim3A_330, %select_n3A_303 : vector<128x32xi1>, vector<128x32xi32>
    %eq3A_332 = arith.constant 10 : i32
    %eq3A_333 = vector.broadcast %eq3A_332 : i32 to vector<128x32xi32>
    %eq3A_334 = arith.cmpi eq, %iota3A_31, %eq3A_333 : vector<128x32xi32>
    %broadcast_in_dim3A_335 = vector.shape_cast %broadcast_in_dim3A_317 : vector<128x1xf32> to vector<128x1xf32>
    %broadcast_in_dim3A_336 = vector.broadcast %broadcast_in_dim3A_335 : vector<128x1xf32> to vector<128x32xf32>
    %select_n3A_337 = arith.select %eq3A_334, %broadcast_in_dim3A_336, %select_n3A_309 : vector<128x32xi1>, vector<128x32xf32>
    %eq3A_338 = vector.broadcast %broadcast_in_dim3A_325 : vector<128x1xi32> to vector<128x1024xi32>
    %eq3A_339 = arith.cmpi eq, %iota3A, %eq3A_338 : vector<128x1024xi32>
    %jit3A_340 = arith.constant 1.000000e+10 : f32
    %broadcast_in_dim3A_341 = vector.broadcast %jit3A_340 : f32 to vector<128x1024xf32>
    %select_n3A_342 = arith.select %eq3A_339, %broadcast_in_dim3A_341, %select_n3A_314 : vector<128x1024xi1>, vector<128x1024xf32>
    %reduce_min3A_343 = arith.constant dense<0x7F800000> : vector<128xf32>
    %reduce_min3A_344 = vector.multi_reduction <minimumf>, %select_n3A_342, %reduce_min3A_343 [1] : vector<128x1024xf32> to vector<128xf32>
    %broadcast_in_dim3A_345 = vector.shape_cast %reduce_min3A_344 : vector<128xf32> to vector<128x1xf32>
    %eq3A_346 = vector.broadcast %broadcast_in_dim3A_345 : vector<128x1xf32> to vector<128x1024xf32>
    %eq3A_347 = arith.cmpf oeq, %select_n3A_342, %eq3A_346 : vector<128x1024xf32>
    %jit3A_348 = arith.constant 1024 : i32
    %broadcast_in_dim3A_349 = vector.broadcast %jit3A_348 : i32 to vector<128x1024xi32>
    %select_n3A_350 = arith.select %eq3A_347, %iota3A, %broadcast_in_dim3A_349 : vector<128x1024xi1>, vector<128x1024xi32>
    %reduce_min3A_351 = arith.constant dense<2147483647> : vector<128xi32>
    %reduce_min3A_352 = vector.multi_reduction <minsi>, %select_n3A_350, %reduce_min3A_351 [1] : vector<128x1024xi32> to vector<128xi32>
    %broadcast_in_dim3A_353 = vector.shape_cast %reduce_min3A_352 : vector<128xi32> to vector<128x1xi32>
    %eq3A_354 = arith.constant 11 : i32
    %eq3A_355 = vector.broadcast %eq3A_354 : i32 to vector<128x32xi32>
    %eq3A_356 = arith.cmpi eq, %iota3A_31, %eq3A_355 : vector<128x32xi32>
    %broadcast_in_dim3A_357 = vector.shape_cast %broadcast_in_dim3A_353 : vector<128x1xi32> to vector<128x1xi32>
    %broadcast_in_dim3A_358 = vector.broadcast %broadcast_in_dim3A_357 : vector<128x1xi32> to vector<128x32xi32>
    %select_n3A_359 = arith.select %eq3A_356, %broadcast_in_dim3A_358, %select_n3A_331 : vector<128x32xi1>, vector<128x32xi32>
    %eq3A_360 = arith.constant 11 : i32
    %eq3A_361 = vector.broadcast %eq3A_360 : i32 to vector<128x32xi32>
    %eq3A_362 = arith.cmpi eq, %iota3A_31, %eq3A_361 : vector<128x32xi32>
    %broadcast_in_dim3A_363 = vector.shape_cast %broadcast_in_dim3A_345 : vector<128x1xf32> to vector<128x1xf32>
    %broadcast_in_dim3A_364 = vector.broadcast %broadcast_in_dim3A_363 : vector<128x1xf32> to vector<128x32xf32>
    %select_n3A_365 = arith.select %eq3A_362, %broadcast_in_dim3A_364, %select_n3A_337 : vector<128x32xi1>, vector<128x32xf32>
    %eq3A_366 = vector.broadcast %broadcast_in_dim3A_353 : vector<128x1xi32> to vector<128x1024xi32>
    %eq3A_367 = arith.cmpi eq, %iota3A, %eq3A_366 : vector<128x1024xi32>
    %jit3A_368 = arith.constant 1.000000e+10 : f32
    %broadcast_in_dim3A_369 = vector.broadcast %jit3A_368 : f32 to vector<128x1024xf32>
    %select_n3A_370 = arith.select %eq3A_367, %broadcast_in_dim3A_369, %select_n3A_342 : vector<128x1024xi1>, vector<128x1024xf32>
    %reduce_min3A_371 = arith.constant dense<0x7F800000> : vector<128xf32>
    %reduce_min3A_372 = vector.multi_reduction <minimumf>, %select_n3A_370, %reduce_min3A_371 [1] : vector<128x1024xf32> to vector<128xf32>
    %broadcast_in_dim3A_373 = vector.shape_cast %reduce_min3A_372 : vector<128xf32> to vector<128x1xf32>
    %eq3A_374 = vector.broadcast %broadcast_in_dim3A_373 : vector<128x1xf32> to vector<128x1024xf32>
    %eq3A_375 = arith.cmpf oeq, %select_n3A_370, %eq3A_374 : vector<128x1024xf32>
    %jit3A_376 = arith.constant 1024 : i32
    %broadcast_in_dim3A_377 = vector.broadcast %jit3A_376 : i32 to vector<128x1024xi32>
    %select_n3A_378 = arith.select %eq3A_375, %iota3A, %broadcast_in_dim3A_377 : vector<128x1024xi1>, vector<128x1024xi32>
    %reduce_min3A_379 = arith.constant dense<2147483647> : vector<128xi32>
    %reduce_min3A_380 = vector.multi_reduction <minsi>, %select_n3A_378, %reduce_min3A_379 [1] : vector<128x1024xi32> to vector<128xi32>
    %broadcast_in_dim3A_381 = vector.shape_cast %reduce_min3A_380 : vector<128xi32> to vector<128x1xi32>
    %eq3A_382 = arith.constant 12 : i32
    %eq3A_383 = vector.broadcast %eq3A_382 : i32 to vector<128x32xi32>
    %eq3A_384 = arith.cmpi eq, %iota3A_31, %eq3A_383 : vector<128x32xi32>
    %broadcast_in_dim3A_385 = vector.shape_cast %broadcast_in_dim3A_381 : vector<128x1xi32> to vector<128x1xi32>
    %broadcast_in_dim3A_386 = vector.broadcast %broadcast_in_dim3A_385 : vector<128x1xi32> to vector<128x32xi32>
    %select_n3A_387 = arith.select %eq3A_384, %broadcast_in_dim3A_386, %select_n3A_359 : vector<128x32xi1>, vector<128x32xi32>
    %eq3A_388 = arith.constant 12 : i32
    %eq3A_389 = vector.broadcast %eq3A_388 : i32 to vector<128x32xi32>
    %eq3A_390 = arith.cmpi eq, %iota3A_31, %eq3A_389 : vector<128x32xi32>
    %broadcast_in_dim3A_391 = vector.shape_cast %broadcast_in_dim3A_373 : vector<128x1xf32> to vector<128x1xf32>
    %broadcast_in_dim3A_392 = vector.broadcast %broadcast_in_dim3A_391 : vector<128x1xf32> to vector<128x32xf32>
    %select_n3A_393 = arith.select %eq3A_390, %broadcast_in_dim3A_392, %select_n3A_365 : vector<128x32xi1>, vector<128x32xf32>
    %eq3A_394 = vector.broadcast %broadcast_in_dim3A_381 : vector<128x1xi32> to vector<128x1024xi32>
    %eq3A_395 = arith.cmpi eq, %iota3A, %eq3A_394 : vector<128x1024xi32>
    %jit3A_396 = arith.constant 1.000000e+10 : f32
    %broadcast_in_dim3A_397 = vector.broadcast %jit3A_396 : f32 to vector<128x1024xf32>
    %select_n3A_398 = arith.select %eq3A_395, %broadcast_in_dim3A_397, %select_n3A_370 : vector<128x1024xi1>, vector<128x1024xf32>
    %reduce_min3A_399 = arith.constant dense<0x7F800000> : vector<128xf32>
    %reduce_min3A_400 = vector.multi_reduction <minimumf>, %select_n3A_398, %reduce_min3A_399 [1] : vector<128x1024xf32> to vector<128xf32>
    %broadcast_in_dim3A_401 = vector.shape_cast %reduce_min3A_400 : vector<128xf32> to vector<128x1xf32>
    %eq3A_402 = vector.broadcast %broadcast_in_dim3A_401 : vector<128x1xf32> to vector<128x1024xf32>
    %eq3A_403 = arith.cmpf oeq, %select_n3A_398, %eq3A_402 : vector<128x1024xf32>
    %jit3A_404 = arith.constant 1024 : i32
    %broadcast_in_dim3A_405 = vector.broadcast %jit3A_404 : i32 to vector<128x1024xi32>
    %select_n3A_406 = arith.select %eq3A_403, %iota3A, %broadcast_in_dim3A_405 : vector<128x1024xi1>, vector<128x1024xi32>
    %reduce_min3A_407 = arith.constant dense<2147483647> : vector<128xi32>
    %reduce_min3A_408 = vector.multi_reduction <minsi>, %select_n3A_406, %reduce_min3A_407 [1] : vector<128x1024xi32> to vector<128xi32>
    %broadcast_in_dim3A_409 = vector.shape_cast %reduce_min3A_408 : vector<128xi32> to vector<128x1xi32>
    %eq3A_410 = arith.constant 13 : i32
    %eq3A_411 = vector.broadcast %eq3A_410 : i32 to vector<128x32xi32>
    %eq3A_412 = arith.cmpi eq, %iota3A_31, %eq3A_411 : vector<128x32xi32>
    %broadcast_in_dim3A_413 = vector.shape_cast %broadcast_in_dim3A_409 : vector<128x1xi32> to vector<128x1xi32>
    %broadcast_in_dim3A_414 = vector.broadcast %broadcast_in_dim3A_413 : vector<128x1xi32> to vector<128x32xi32>
    %select_n3A_415 = arith.select %eq3A_412, %broadcast_in_dim3A_414, %select_n3A_387 : vector<128x32xi1>, vector<128x32xi32>
    %eq3A_416 = arith.constant 13 : i32
    %eq3A_417 = vector.broadcast %eq3A_416 : i32 to vector<128x32xi32>
    %eq3A_418 = arith.cmpi eq, %iota3A_31, %eq3A_417 : vector<128x32xi32>
    %broadcast_in_dim3A_419 = vector.shape_cast %broadcast_in_dim3A_401 : vector<128x1xf32> to vector<128x1xf32>
    %broadcast_in_dim3A_420 = vector.broadcast %broadcast_in_dim3A_419 : vector<128x1xf32> to vector<128x32xf32>
    %select_n3A_421 = arith.select %eq3A_418, %broadcast_in_dim3A_420, %select_n3A_393 : vector<128x32xi1>, vector<128x32xf32>
    %eq3A_422 = vector.broadcast %broadcast_in_dim3A_409 : vector<128x1xi32> to vector<128x1024xi32>
    %eq3A_423 = arith.cmpi eq, %iota3A, %eq3A_422 : vector<128x1024xi32>
    %jit3A_424 = arith.constant 1.000000e+10 : f32
    %broadcast_in_dim3A_425 = vector.broadcast %jit3A_424 : f32 to vector<128x1024xf32>
    %select_n3A_426 = arith.select %eq3A_423, %broadcast_in_dim3A_425, %select_n3A_398 : vector<128x1024xi1>, vector<128x1024xf32>
    %reduce_min3A_427 = arith.constant dense<0x7F800000> : vector<128xf32>
    %reduce_min3A_428 = vector.multi_reduction <minimumf>, %select_n3A_426, %reduce_min3A_427 [1] : vector<128x1024xf32> to vector<128xf32>
    %broadcast_in_dim3A_429 = vector.shape_cast %reduce_min3A_428 : vector<128xf32> to vector<128x1xf32>
    %eq3A_430 = vector.broadcast %broadcast_in_dim3A_429 : vector<128x1xf32> to vector<128x1024xf32>
    %eq3A_431 = arith.cmpf oeq, %select_n3A_426, %eq3A_430 : vector<128x1024xf32>
    %jit3A_432 = arith.constant 1024 : i32
    %broadcast_in_dim3A_433 = vector.broadcast %jit3A_432 : i32 to vector<128x1024xi32>
    %select_n3A_434 = arith.select %eq3A_431, %iota3A, %broadcast_in_dim3A_433 : vector<128x1024xi1>, vector<128x1024xi32>
    %reduce_min3A_435 = arith.constant dense<2147483647> : vector<128xi32>
    %reduce_min3A_436 = vector.multi_reduction <minsi>, %select_n3A_434, %reduce_min3A_435 [1] : vector<128x1024xi32> to vector<128xi32>
    %broadcast_in_dim3A_437 = vector.shape_cast %reduce_min3A_436 : vector<128xi32> to vector<128x1xi32>
    %eq3A_438 = arith.constant 14 : i32
    %eq3A_439 = vector.broadcast %eq3A_438 : i32 to vector<128x32xi32>
    %eq3A_440 = arith.cmpi eq, %iota3A_31, %eq3A_439 : vector<128x32xi32>
    %broadcast_in_dim3A_441 = vector.shape_cast %broadcast_in_dim3A_437 : vector<128x1xi32> to vector<128x1xi32>
    %broadcast_in_dim3A_442 = vector.broadcast %broadcast_in_dim3A_441 : vector<128x1xi32> to vector<128x32xi32>
    %select_n3A_443 = arith.select %eq3A_440, %broadcast_in_dim3A_442, %select_n3A_415 : vector<128x32xi1>, vector<128x32xi32>
    %eq3A_444 = arith.constant 14 : i32
    %eq3A_445 = vector.broadcast %eq3A_444 : i32 to vector<128x32xi32>
    %eq3A_446 = arith.cmpi eq, %iota3A_31, %eq3A_445 : vector<128x32xi32>
    %broadcast_in_dim3A_447 = vector.shape_cast %broadcast_in_dim3A_429 : vector<128x1xf32> to vector<128x1xf32>
    %broadcast_in_dim3A_448 = vector.broadcast %broadcast_in_dim3A_447 : vector<128x1xf32> to vector<128x32xf32>
    %select_n3A_449 = arith.select %eq3A_446, %broadcast_in_dim3A_448, %select_n3A_421 : vector<128x32xi1>, vector<128x32xf32>
    %eq3A_450 = vector.broadcast %broadcast_in_dim3A_437 : vector<128x1xi32> to vector<128x1024xi32>
    %eq3A_451 = arith.cmpi eq, %iota3A, %eq3A_450 : vector<128x1024xi32>
    %jit3A_452 = arith.constant 1.000000e+10 : f32
    %broadcast_in_dim3A_453 = vector.broadcast %jit3A_452 : f32 to vector<128x1024xf32>
    %select_n3A_454 = arith.select %eq3A_451, %broadcast_in_dim3A_453, %select_n3A_426 : vector<128x1024xi1>, vector<128x1024xf32>
    %reduce_min3A_455 = arith.constant dense<0x7F800000> : vector<128xf32>
    %reduce_min3A_456 = vector.multi_reduction <minimumf>, %select_n3A_454, %reduce_min3A_455 [1] : vector<128x1024xf32> to vector<128xf32>
    %broadcast_in_dim3A_457 = vector.shape_cast %reduce_min3A_456 : vector<128xf32> to vector<128x1xf32>
    %eq3A_458 = vector.broadcast %broadcast_in_dim3A_457 : vector<128x1xf32> to vector<128x1024xf32>
    %eq3A_459 = arith.cmpf oeq, %select_n3A_454, %eq3A_458 : vector<128x1024xf32>
    %jit3A_460 = arith.constant 1024 : i32
    %broadcast_in_dim3A_461 = vector.broadcast %jit3A_460 : i32 to vector<128x1024xi32>
    %select_n3A_462 = arith.select %eq3A_459, %iota3A, %broadcast_in_dim3A_461 : vector<128x1024xi1>, vector<128x1024xi32>
    %reduce_min3A_463 = arith.constant dense<2147483647> : vector<128xi32>
    %reduce_min3A_464 = vector.multi_reduction <minsi>, %select_n3A_462, %reduce_min3A_463 [1] : vector<128x1024xi32> to vector<128xi32>
    %broadcast_in_dim3A_465 = vector.shape_cast %reduce_min3A_464 : vector<128xi32> to vector<128x1xi32>
    %eq3A_466 = arith.constant 15 : i32
    %eq3A_467 = vector.broadcast %eq3A_466 : i32 to vector<128x32xi32>
    %eq3A_468 = arith.cmpi eq, %iota3A_31, %eq3A_467 : vector<128x32xi32>
    %broadcast_in_dim3A_469 = vector.shape_cast %broadcast_in_dim3A_465 : vector<128x1xi32> to vector<128x1xi32>
    %broadcast_in_dim3A_470 = vector.broadcast %broadcast_in_dim3A_469 : vector<128x1xi32> to vector<128x32xi32>
    %select_n3A_471 = arith.select %eq3A_468, %broadcast_in_dim3A_470, %select_n3A_443 : vector<128x32xi1>, vector<128x32xi32>
    %eq3A_472 = arith.constant 15 : i32
    %eq3A_473 = vector.broadcast %eq3A_472 : i32 to vector<128x32xi32>
    %eq3A_474 = arith.cmpi eq, %iota3A_31, %eq3A_473 : vector<128x32xi32>
    %broadcast_in_dim3A_475 = vector.shape_cast %broadcast_in_dim3A_457 : vector<128x1xf32> to vector<128x1xf32>
    %broadcast_in_dim3A_476 = vector.broadcast %broadcast_in_dim3A_475 : vector<128x1xf32> to vector<128x32xf32>
    %select_n3A_477 = arith.select %eq3A_474, %broadcast_in_dim3A_476, %select_n3A_449 : vector<128x32xi1>, vector<128x32xf32>
    %eq3A_478 = vector.broadcast %broadcast_in_dim3A_465 : vector<128x1xi32> to vector<128x1024xi32>
    %eq3A_479 = arith.cmpi eq, %iota3A, %eq3A_478 : vector<128x1024xi32>
    %jit3A_480 = arith.constant 1.000000e+10 : f32
    %broadcast_in_dim3A_481 = vector.broadcast %jit3A_480 : f32 to vector<128x1024xf32>
    %select_n3A_482 = arith.select %eq3A_479, %broadcast_in_dim3A_481, %select_n3A_454 : vector<128x1024xi1>, vector<128x1024xf32>
    %reduce_min3A_483 = arith.constant dense<0x7F800000> : vector<128xf32>
    %reduce_min3A_484 = vector.multi_reduction <minimumf>, %select_n3A_482, %reduce_min3A_483 [1] : vector<128x1024xf32> to vector<128xf32>
    %broadcast_in_dim3A_485 = vector.shape_cast %reduce_min3A_484 : vector<128xf32> to vector<128x1xf32>
    %eq3A_486 = vector.broadcast %broadcast_in_dim3A_485 : vector<128x1xf32> to vector<128x1024xf32>
    %eq3A_487 = arith.cmpf oeq, %select_n3A_482, %eq3A_486 : vector<128x1024xf32>
    %jit3A_488 = arith.constant 1024 : i32
    %broadcast_in_dim3A_489 = vector.broadcast %jit3A_488 : i32 to vector<128x1024xi32>
    %select_n3A_490 = arith.select %eq3A_487, %iota3A, %broadcast_in_dim3A_489 : vector<128x1024xi1>, vector<128x1024xi32>
    %reduce_min3A_491 = arith.constant dense<2147483647> : vector<128xi32>
    %reduce_min3A_492 = vector.multi_reduction <minsi>, %select_n3A_490, %reduce_min3A_491 [1] : vector<128x1024xi32> to vector<128xi32>
    %broadcast_in_dim3A_493 = vector.shape_cast %reduce_min3A_492 : vector<128xi32> to vector<128x1xi32>
    %eq3A_494 = arith.constant 16 : i32
    %eq3A_495 = vector.broadcast %eq3A_494 : i32 to vector<128x32xi32>
    %eq3A_496 = arith.cmpi eq, %iota3A_31, %eq3A_495 : vector<128x32xi32>
    %broadcast_in_dim3A_497 = vector.shape_cast %broadcast_in_dim3A_493 : vector<128x1xi32> to vector<128x1xi32>
    %broadcast_in_dim3A_498 = vector.broadcast %broadcast_in_dim3A_497 : vector<128x1xi32> to vector<128x32xi32>
    %select_n3A_499 = arith.select %eq3A_496, %broadcast_in_dim3A_498, %select_n3A_471 : vector<128x32xi1>, vector<128x32xi32>
    %eq3A_500 = arith.constant 16 : i32
    %eq3A_501 = vector.broadcast %eq3A_500 : i32 to vector<128x32xi32>
    %eq3A_502 = arith.cmpi eq, %iota3A_31, %eq3A_501 : vector<128x32xi32>
    %broadcast_in_dim3A_503 = vector.shape_cast %broadcast_in_dim3A_485 : vector<128x1xf32> to vector<128x1xf32>
    %broadcast_in_dim3A_504 = vector.broadcast %broadcast_in_dim3A_503 : vector<128x1xf32> to vector<128x32xf32>
    %select_n3A_505 = arith.select %eq3A_502, %broadcast_in_dim3A_504, %select_n3A_477 : vector<128x32xi1>, vector<128x32xf32>
    %eq3A_506 = vector.broadcast %broadcast_in_dim3A_493 : vector<128x1xi32> to vector<128x1024xi32>
    %eq3A_507 = arith.cmpi eq, %iota3A, %eq3A_506 : vector<128x1024xi32>
    %jit3A_508 = arith.constant 1.000000e+10 : f32
    %broadcast_in_dim3A_509 = vector.broadcast %jit3A_508 : f32 to vector<128x1024xf32>
    %select_n3A_510 = arith.select %eq3A_507, %broadcast_in_dim3A_509, %select_n3A_482 : vector<128x1024xi1>, vector<128x1024xf32>
    %reduce_min3A_511 = arith.constant dense<0x7F800000> : vector<128xf32>
    %reduce_min3A_512 = vector.multi_reduction <minimumf>, %select_n3A_510, %reduce_min3A_511 [1] : vector<128x1024xf32> to vector<128xf32>
    %broadcast_in_dim3A_513 = vector.shape_cast %reduce_min3A_512 : vector<128xf32> to vector<128x1xf32>
    %eq3A_514 = vector.broadcast %broadcast_in_dim3A_513 : vector<128x1xf32> to vector<128x1024xf32>
    %eq3A_515 = arith.cmpf oeq, %select_n3A_510, %eq3A_514 : vector<128x1024xf32>
    %jit3A_516 = arith.constant 1024 : i32
    %broadcast_in_dim3A_517 = vector.broadcast %jit3A_516 : i32 to vector<128x1024xi32>
    %select_n3A_518 = arith.select %eq3A_515, %iota3A, %broadcast_in_dim3A_517 : vector<128x1024xi1>, vector<128x1024xi32>
    %reduce_min3A_519 = arith.constant dense<2147483647> : vector<128xi32>
    %reduce_min3A_520 = vector.multi_reduction <minsi>, %select_n3A_518, %reduce_min3A_519 [1] : vector<128x1024xi32> to vector<128xi32>
    %broadcast_in_dim3A_521 = vector.shape_cast %reduce_min3A_520 : vector<128xi32> to vector<128x1xi32>
    %eq3A_522 = arith.constant 17 : i32
    %eq3A_523 = vector.broadcast %eq3A_522 : i32 to vector<128x32xi32>
    %eq3A_524 = arith.cmpi eq, %iota3A_31, %eq3A_523 : vector<128x32xi32>
    %broadcast_in_dim3A_525 = vector.shape_cast %broadcast_in_dim3A_521 : vector<128x1xi32> to vector<128x1xi32>
    %broadcast_in_dim3A_526 = vector.broadcast %broadcast_in_dim3A_525 : vector<128x1xi32> to vector<128x32xi32>
    %select_n3A_527 = arith.select %eq3A_524, %broadcast_in_dim3A_526, %select_n3A_499 : vector<128x32xi1>, vector<128x32xi32>
    %eq3A_528 = arith.constant 17 : i32
    %eq3A_529 = vector.broadcast %eq3A_528 : i32 to vector<128x32xi32>
    %eq3A_530 = arith.cmpi eq, %iota3A_31, %eq3A_529 : vector<128x32xi32>
    %broadcast_in_dim3A_531 = vector.shape_cast %broadcast_in_dim3A_513 : vector<128x1xf32> to vector<128x1xf32>
    %broadcast_in_dim3A_532 = vector.broadcast %broadcast_in_dim3A_531 : vector<128x1xf32> to vector<128x32xf32>
    %select_n3A_533 = arith.select %eq3A_530, %broadcast_in_dim3A_532, %select_n3A_505 : vector<128x32xi1>, vector<128x32xf32>
    %eq3A_534 = vector.broadcast %broadcast_in_dim3A_521 : vector<128x1xi32> to vector<128x1024xi32>
    %eq3A_535 = arith.cmpi eq, %iota3A, %eq3A_534 : vector<128x1024xi32>
    %jit3A_536 = arith.constant 1.000000e+10 : f32
    %broadcast_in_dim3A_537 = vector.broadcast %jit3A_536 : f32 to vector<128x1024xf32>
    %select_n3A_538 = arith.select %eq3A_535, %broadcast_in_dim3A_537, %select_n3A_510 : vector<128x1024xi1>, vector<128x1024xf32>
    %reduce_min3A_539 = arith.constant dense<0x7F800000> : vector<128xf32>
    %reduce_min3A_540 = vector.multi_reduction <minimumf>, %select_n3A_538, %reduce_min3A_539 [1] : vector<128x1024xf32> to vector<128xf32>
    %broadcast_in_dim3A_541 = vector.shape_cast %reduce_min3A_540 : vector<128xf32> to vector<128x1xf32>
    %eq3A_542 = vector.broadcast %broadcast_in_dim3A_541 : vector<128x1xf32> to vector<128x1024xf32>
    %eq3A_543 = arith.cmpf oeq, %select_n3A_538, %eq3A_542 : vector<128x1024xf32>
    %jit3A_544 = arith.constant 1024 : i32
    %broadcast_in_dim3A_545 = vector.broadcast %jit3A_544 : i32 to vector<128x1024xi32>
    %select_n3A_546 = arith.select %eq3A_543, %iota3A, %broadcast_in_dim3A_545 : vector<128x1024xi1>, vector<128x1024xi32>
    %reduce_min3A_547 = arith.constant dense<2147483647> : vector<128xi32>
    %reduce_min3A_548 = vector.multi_reduction <minsi>, %select_n3A_546, %reduce_min3A_547 [1] : vector<128x1024xi32> to vector<128xi32>
    %broadcast_in_dim3A_549 = vector.shape_cast %reduce_min3A_548 : vector<128xi32> to vector<128x1xi32>
    %eq3A_550 = arith.constant 18 : i32
    %eq3A_551 = vector.broadcast %eq3A_550 : i32 to vector<128x32xi32>
    %eq3A_552 = arith.cmpi eq, %iota3A_31, %eq3A_551 : vector<128x32xi32>
    %broadcast_in_dim3A_553 = vector.shape_cast %broadcast_in_dim3A_549 : vector<128x1xi32> to vector<128x1xi32>
    %broadcast_in_dim3A_554 = vector.broadcast %broadcast_in_dim3A_553 : vector<128x1xi32> to vector<128x32xi32>
    %select_n3A_555 = arith.select %eq3A_552, %broadcast_in_dim3A_554, %select_n3A_527 : vector<128x32xi1>, vector<128x32xi32>
    %eq3A_556 = arith.constant 18 : i32
    %eq3A_557 = vector.broadcast %eq3A_556 : i32 to vector<128x32xi32>
    %eq3A_558 = arith.cmpi eq, %iota3A_31, %eq3A_557 : vector<128x32xi32>
    %broadcast_in_dim3A_559 = vector.shape_cast %broadcast_in_dim3A_541 : vector<128x1xf32> to vector<128x1xf32>
    %broadcast_in_dim3A_560 = vector.broadcast %broadcast_in_dim3A_559 : vector<128x1xf32> to vector<128x32xf32>
    %select_n3A_561 = arith.select %eq3A_558, %broadcast_in_dim3A_560, %select_n3A_533 : vector<128x32xi1>, vector<128x32xf32>
    %eq3A_562 = vector.broadcast %broadcast_in_dim3A_549 : vector<128x1xi32> to vector<128x1024xi32>
    %eq3A_563 = arith.cmpi eq, %iota3A, %eq3A_562 : vector<128x1024xi32>
    %jit3A_564 = arith.constant 1.000000e+10 : f32
    %broadcast_in_dim3A_565 = vector.broadcast %jit3A_564 : f32 to vector<128x1024xf32>
    %select_n3A_566 = arith.select %eq3A_563, %broadcast_in_dim3A_565, %select_n3A_538 : vector<128x1024xi1>, vector<128x1024xf32>
    %reduce_min3A_567 = arith.constant dense<0x7F800000> : vector<128xf32>
    %reduce_min3A_568 = vector.multi_reduction <minimumf>, %select_n3A_566, %reduce_min3A_567 [1] : vector<128x1024xf32> to vector<128xf32>
    %broadcast_in_dim3A_569 = vector.shape_cast %reduce_min3A_568 : vector<128xf32> to vector<128x1xf32>
    %eq3A_570 = vector.broadcast %broadcast_in_dim3A_569 : vector<128x1xf32> to vector<128x1024xf32>
    %eq3A_571 = arith.cmpf oeq, %select_n3A_566, %eq3A_570 : vector<128x1024xf32>
    %jit3A_572 = arith.constant 1024 : i32
    %broadcast_in_dim3A_573 = vector.broadcast %jit3A_572 : i32 to vector<128x1024xi32>
    %select_n3A_574 = arith.select %eq3A_571, %iota3A, %broadcast_in_dim3A_573 : vector<128x1024xi1>, vector<128x1024xi32>
    %reduce_min3A_575 = arith.constant dense<2147483647> : vector<128xi32>
    %reduce_min3A_576 = vector.multi_reduction <minsi>, %select_n3A_574, %reduce_min3A_575 [1] : vector<128x1024xi32> to vector<128xi32>
    %broadcast_in_dim3A_577 = vector.shape_cast %reduce_min3A_576 : vector<128xi32> to vector<128x1xi32>
    %eq3A_578 = arith.constant 19 : i32
    %eq3A_579 = vector.broadcast %eq3A_578 : i32 to vector<128x32xi32>
    %eq3A_580 = arith.cmpi eq, %iota3A_31, %eq3A_579 : vector<128x32xi32>
    %broadcast_in_dim3A_581 = vector.shape_cast %broadcast_in_dim3A_577 : vector<128x1xi32> to vector<128x1xi32>
    %broadcast_in_dim3A_582 = vector.broadcast %broadcast_in_dim3A_581 : vector<128x1xi32> to vector<128x32xi32>
    %select_n3A_583 = arith.select %eq3A_580, %broadcast_in_dim3A_582, %select_n3A_555 : vector<128x32xi1>, vector<128x32xi32>
    %eq3A_584 = arith.constant 19 : i32
    %eq3A_585 = vector.broadcast %eq3A_584 : i32 to vector<128x32xi32>
    %eq3A_586 = arith.cmpi eq, %iota3A_31, %eq3A_585 : vector<128x32xi32>
    %broadcast_in_dim3A_587 = vector.shape_cast %broadcast_in_dim3A_569 : vector<128x1xf32> to vector<128x1xf32>
    %broadcast_in_dim3A_588 = vector.broadcast %broadcast_in_dim3A_587 : vector<128x1xf32> to vector<128x32xf32>
    %select_n3A_589 = arith.select %eq3A_586, %broadcast_in_dim3A_588, %select_n3A_561 : vector<128x32xi1>, vector<128x32xf32>
    %eq3A_590 = vector.broadcast %broadcast_in_dim3A_577 : vector<128x1xi32> to vector<128x1024xi32>
    %eq3A_591 = arith.cmpi eq, %iota3A, %eq3A_590 : vector<128x1024xi32>
    %jit3A_592 = arith.constant 1.000000e+10 : f32
    %broadcast_in_dim3A_593 = vector.broadcast %jit3A_592 : f32 to vector<128x1024xf32>
    %select_n3A_594 = arith.select %eq3A_591, %broadcast_in_dim3A_593, %select_n3A_566 : vector<128x1024xi1>, vector<128x1024xf32>
    %reduce_min3A_595 = arith.constant dense<0x7F800000> : vector<128xf32>
    %reduce_min3A_596 = vector.multi_reduction <minimumf>, %select_n3A_594, %reduce_min3A_595 [1] : vector<128x1024xf32> to vector<128xf32>
    %broadcast_in_dim3A_597 = vector.shape_cast %reduce_min3A_596 : vector<128xf32> to vector<128x1xf32>
    %eq3A_598 = vector.broadcast %broadcast_in_dim3A_597 : vector<128x1xf32> to vector<128x1024xf32>
    %eq3A_599 = arith.cmpf oeq, %select_n3A_594, %eq3A_598 : vector<128x1024xf32>
    %jit3A_600 = arith.constant 1024 : i32
    %broadcast_in_dim3A_601 = vector.broadcast %jit3A_600 : i32 to vector<128x1024xi32>
    %select_n3A_602 = arith.select %eq3A_599, %iota3A, %broadcast_in_dim3A_601 : vector<128x1024xi1>, vector<128x1024xi32>
    %reduce_min3A_603 = arith.constant dense<2147483647> : vector<128xi32>
    %reduce_min3A_604 = vector.multi_reduction <minsi>, %select_n3A_602, %reduce_min3A_603 [1] : vector<128x1024xi32> to vector<128xi32>
    %broadcast_in_dim3A_605 = vector.shape_cast %reduce_min3A_604 : vector<128xi32> to vector<128x1xi32>
    %eq3A_606 = arith.constant 20 : i32
    %eq3A_607 = vector.broadcast %eq3A_606 : i32 to vector<128x32xi32>
    %eq3A_608 = arith.cmpi eq, %iota3A_31, %eq3A_607 : vector<128x32xi32>
    %broadcast_in_dim3A_609 = vector.shape_cast %broadcast_in_dim3A_605 : vector<128x1xi32> to vector<128x1xi32>
    %broadcast_in_dim3A_610 = vector.broadcast %broadcast_in_dim3A_609 : vector<128x1xi32> to vector<128x32xi32>
    %select_n3A_611 = arith.select %eq3A_608, %broadcast_in_dim3A_610, %select_n3A_583 : vector<128x32xi1>, vector<128x32xi32>
    %eq3A_612 = arith.constant 20 : i32
    %eq3A_613 = vector.broadcast %eq3A_612 : i32 to vector<128x32xi32>
    %eq3A_614 = arith.cmpi eq, %iota3A_31, %eq3A_613 : vector<128x32xi32>
    %broadcast_in_dim3A_615 = vector.shape_cast %broadcast_in_dim3A_597 : vector<128x1xf32> to vector<128x1xf32>
    %broadcast_in_dim3A_616 = vector.broadcast %broadcast_in_dim3A_615 : vector<128x1xf32> to vector<128x32xf32>
    %select_n3A_617 = arith.select %eq3A_614, %broadcast_in_dim3A_616, %select_n3A_589 : vector<128x32xi1>, vector<128x32xf32>
    %eq3A_618 = vector.broadcast %broadcast_in_dim3A_605 : vector<128x1xi32> to vector<128x1024xi32>
    %eq3A_619 = arith.cmpi eq, %iota3A, %eq3A_618 : vector<128x1024xi32>
    %jit3A_620 = arith.constant 1.000000e+10 : f32
    %broadcast_in_dim3A_621 = vector.broadcast %jit3A_620 : f32 to vector<128x1024xf32>
    %select_n3A_622 = arith.select %eq3A_619, %broadcast_in_dim3A_621, %select_n3A_594 : vector<128x1024xi1>, vector<128x1024xf32>
    %reduce_min3A_623 = arith.constant dense<0x7F800000> : vector<128xf32>
    %reduce_min3A_624 = vector.multi_reduction <minimumf>, %select_n3A_622, %reduce_min3A_623 [1] : vector<128x1024xf32> to vector<128xf32>
    %broadcast_in_dim3A_625 = vector.shape_cast %reduce_min3A_624 : vector<128xf32> to vector<128x1xf32>
    %eq3A_626 = vector.broadcast %broadcast_in_dim3A_625 : vector<128x1xf32> to vector<128x1024xf32>
    %eq3A_627 = arith.cmpf oeq, %select_n3A_622, %eq3A_626 : vector<128x1024xf32>
    %jit3A_628 = arith.constant 1024 : i32
    %broadcast_in_dim3A_629 = vector.broadcast %jit3A_628 : i32 to vector<128x1024xi32>
    %select_n3A_630 = arith.select %eq3A_627, %iota3A, %broadcast_in_dim3A_629 : vector<128x1024xi1>, vector<128x1024xi32>
    %reduce_min3A_631 = arith.constant dense<2147483647> : vector<128xi32>
    %reduce_min3A_632 = vector.multi_reduction <minsi>, %select_n3A_630, %reduce_min3A_631 [1] : vector<128x1024xi32> to vector<128xi32>
    %broadcast_in_dim3A_633 = vector.shape_cast %reduce_min3A_632 : vector<128xi32> to vector<128x1xi32>
    %eq3A_634 = arith.constant 21 : i32
    %eq3A_635 = vector.broadcast %eq3A_634 : i32 to vector<128x32xi32>
    %eq3A_636 = arith.cmpi eq, %iota3A_31, %eq3A_635 : vector<128x32xi32>
    %broadcast_in_dim3A_637 = vector.shape_cast %broadcast_in_dim3A_633 : vector<128x1xi32> to vector<128x1xi32>
    %broadcast_in_dim3A_638 = vector.broadcast %broadcast_in_dim3A_637 : vector<128x1xi32> to vector<128x32xi32>
    %select_n3A_639 = arith.select %eq3A_636, %broadcast_in_dim3A_638, %select_n3A_611 : vector<128x32xi1>, vector<128x32xi32>
    %eq3A_640 = arith.constant 21 : i32
    %eq3A_641 = vector.broadcast %eq3A_640 : i32 to vector<128x32xi32>
    %eq3A_642 = arith.cmpi eq, %iota3A_31, %eq3A_641 : vector<128x32xi32>
    %broadcast_in_dim3A_643 = vector.shape_cast %broadcast_in_dim3A_625 : vector<128x1xf32> to vector<128x1xf32>
    %broadcast_in_dim3A_644 = vector.broadcast %broadcast_in_dim3A_643 : vector<128x1xf32> to vector<128x32xf32>
    %select_n3A_645 = arith.select %eq3A_642, %broadcast_in_dim3A_644, %select_n3A_617 : vector<128x32xi1>, vector<128x32xf32>
    %eq3A_646 = vector.broadcast %broadcast_in_dim3A_633 : vector<128x1xi32> to vector<128x1024xi32>
    %eq3A_647 = arith.cmpi eq, %iota3A, %eq3A_646 : vector<128x1024xi32>
    %jit3A_648 = arith.constant 1.000000e+10 : f32
    %broadcast_in_dim3A_649 = vector.broadcast %jit3A_648 : f32 to vector<128x1024xf32>
    %select_n3A_650 = arith.select %eq3A_647, %broadcast_in_dim3A_649, %select_n3A_622 : vector<128x1024xi1>, vector<128x1024xf32>
    %reduce_min3A_651 = arith.constant dense<0x7F800000> : vector<128xf32>
    %reduce_min3A_652 = vector.multi_reduction <minimumf>, %select_n3A_650, %reduce_min3A_651 [1] : vector<128x1024xf32> to vector<128xf32>
    %broadcast_in_dim3A_653 = vector.shape_cast %reduce_min3A_652 : vector<128xf32> to vector<128x1xf32>
    %eq3A_654 = vector.broadcast %broadcast_in_dim3A_653 : vector<128x1xf32> to vector<128x1024xf32>
    %eq3A_655 = arith.cmpf oeq, %select_n3A_650, %eq3A_654 : vector<128x1024xf32>
    %jit3A_656 = arith.constant 1024 : i32
    %broadcast_in_dim3A_657 = vector.broadcast %jit3A_656 : i32 to vector<128x1024xi32>
    %select_n3A_658 = arith.select %eq3A_655, %iota3A, %broadcast_in_dim3A_657 : vector<128x1024xi1>, vector<128x1024xi32>
    %reduce_min3A_659 = arith.constant dense<2147483647> : vector<128xi32>
    %reduce_min3A_660 = vector.multi_reduction <minsi>, %select_n3A_658, %reduce_min3A_659 [1] : vector<128x1024xi32> to vector<128xi32>
    %broadcast_in_dim3A_661 = vector.shape_cast %reduce_min3A_660 : vector<128xi32> to vector<128x1xi32>
    %eq3A_662 = arith.constant 22 : i32
    %eq3A_663 = vector.broadcast %eq3A_662 : i32 to vector<128x32xi32>
    %eq3A_664 = arith.cmpi eq, %iota3A_31, %eq3A_663 : vector<128x32xi32>
    %broadcast_in_dim3A_665 = vector.shape_cast %broadcast_in_dim3A_661 : vector<128x1xi32> to vector<128x1xi32>
    %broadcast_in_dim3A_666 = vector.broadcast %broadcast_in_dim3A_665 : vector<128x1xi32> to vector<128x32xi32>
    %select_n3A_667 = arith.select %eq3A_664, %broadcast_in_dim3A_666, %select_n3A_639 : vector<128x32xi1>, vector<128x32xi32>
    %eq3A_668 = arith.constant 22 : i32
    %eq3A_669 = vector.broadcast %eq3A_668 : i32 to vector<128x32xi32>
    %eq3A_670 = arith.cmpi eq, %iota3A_31, %eq3A_669 : vector<128x32xi32>
    %broadcast_in_dim3A_671 = vector.shape_cast %broadcast_in_dim3A_653 : vector<128x1xf32> to vector<128x1xf32>
    %broadcast_in_dim3A_672 = vector.broadcast %broadcast_in_dim3A_671 : vector<128x1xf32> to vector<128x32xf32>
    %select_n3A_673 = arith.select %eq3A_670, %broadcast_in_dim3A_672, %select_n3A_645 : vector<128x32xi1>, vector<128x32xf32>
    %eq3A_674 = vector.broadcast %broadcast_in_dim3A_661 : vector<128x1xi32> to vector<128x1024xi32>
    %eq3A_675 = arith.cmpi eq, %iota3A, %eq3A_674 : vector<128x1024xi32>
    %jit3A_676 = arith.constant 1.000000e+10 : f32
    %broadcast_in_dim3A_677 = vector.broadcast %jit3A_676 : f32 to vector<128x1024xf32>
    %select_n3A_678 = arith.select %eq3A_675, %broadcast_in_dim3A_677, %select_n3A_650 : vector<128x1024xi1>, vector<128x1024xf32>
    %reduce_min3A_679 = arith.constant dense<0x7F800000> : vector<128xf32>
    %reduce_min3A_680 = vector.multi_reduction <minimumf>, %select_n3A_678, %reduce_min3A_679 [1] : vector<128x1024xf32> to vector<128xf32>
    %broadcast_in_dim3A_681 = vector.shape_cast %reduce_min3A_680 : vector<128xf32> to vector<128x1xf32>
    %eq3A_682 = vector.broadcast %broadcast_in_dim3A_681 : vector<128x1xf32> to vector<128x1024xf32>
    %eq3A_683 = arith.cmpf oeq, %select_n3A_678, %eq3A_682 : vector<128x1024xf32>
    %jit3A_684 = arith.constant 1024 : i32
    %broadcast_in_dim3A_685 = vector.broadcast %jit3A_684 : i32 to vector<128x1024xi32>
    %select_n3A_686 = arith.select %eq3A_683, %iota3A, %broadcast_in_dim3A_685 : vector<128x1024xi1>, vector<128x1024xi32>
    %reduce_min3A_687 = arith.constant dense<2147483647> : vector<128xi32>
    %reduce_min3A_688 = vector.multi_reduction <minsi>, %select_n3A_686, %reduce_min3A_687 [1] : vector<128x1024xi32> to vector<128xi32>
    %broadcast_in_dim3A_689 = vector.shape_cast %reduce_min3A_688 : vector<128xi32> to vector<128x1xi32>
    %eq3A_690 = arith.constant 23 : i32
    %eq3A_691 = vector.broadcast %eq3A_690 : i32 to vector<128x32xi32>
    %eq3A_692 = arith.cmpi eq, %iota3A_31, %eq3A_691 : vector<128x32xi32>
    %broadcast_in_dim3A_693 = vector.shape_cast %broadcast_in_dim3A_689 : vector<128x1xi32> to vector<128x1xi32>
    %broadcast_in_dim3A_694 = vector.broadcast %broadcast_in_dim3A_693 : vector<128x1xi32> to vector<128x32xi32>
    %select_n3A_695 = arith.select %eq3A_692, %broadcast_in_dim3A_694, %select_n3A_667 : vector<128x32xi1>, vector<128x32xi32>
    %eq3A_696 = arith.constant 23 : i32
    %eq3A_697 = vector.broadcast %eq3A_696 : i32 to vector<128x32xi32>
    %eq3A_698 = arith.cmpi eq, %iota3A_31, %eq3A_697 : vector<128x32xi32>
    %broadcast_in_dim3A_699 = vector.shape_cast %broadcast_in_dim3A_681 : vector<128x1xf32> to vector<128x1xf32>
    %broadcast_in_dim3A_700 = vector.broadcast %broadcast_in_dim3A_699 : vector<128x1xf32> to vector<128x32xf32>
    %select_n3A_701 = arith.select %eq3A_698, %broadcast_in_dim3A_700, %select_n3A_673 : vector<128x32xi1>, vector<128x32xf32>
    %eq3A_702 = vector.broadcast %broadcast_in_dim3A_689 : vector<128x1xi32> to vector<128x1024xi32>
    %eq3A_703 = arith.cmpi eq, %iota3A, %eq3A_702 : vector<128x1024xi32>
    %jit3A_704 = arith.constant 1.000000e+10 : f32
    %broadcast_in_dim3A_705 = vector.broadcast %jit3A_704 : f32 to vector<128x1024xf32>
    %select_n3A_706 = arith.select %eq3A_703, %broadcast_in_dim3A_705, %select_n3A_678 : vector<128x1024xi1>, vector<128x1024xf32>
    %reduce_min3A_707 = arith.constant dense<0x7F800000> : vector<128xf32>
    %reduce_min3A_708 = vector.multi_reduction <minimumf>, %select_n3A_706, %reduce_min3A_707 [1] : vector<128x1024xf32> to vector<128xf32>
    %broadcast_in_dim3A_709 = vector.shape_cast %reduce_min3A_708 : vector<128xf32> to vector<128x1xf32>
    %eq3A_710 = vector.broadcast %broadcast_in_dim3A_709 : vector<128x1xf32> to vector<128x1024xf32>
    %eq3A_711 = arith.cmpf oeq, %select_n3A_706, %eq3A_710 : vector<128x1024xf32>
    %jit3A_712 = arith.constant 1024 : i32
    %broadcast_in_dim3A_713 = vector.broadcast %jit3A_712 : i32 to vector<128x1024xi32>
    %select_n3A_714 = arith.select %eq3A_711, %iota3A, %broadcast_in_dim3A_713 : vector<128x1024xi1>, vector<128x1024xi32>
    %reduce_min3A_715 = arith.constant dense<2147483647> : vector<128xi32>
    %reduce_min3A_716 = vector.multi_reduction <minsi>, %select_n3A_714, %reduce_min3A_715 [1] : vector<128x1024xi32> to vector<128xi32>
    %broadcast_in_dim3A_717 = vector.shape_cast %reduce_min3A_716 : vector<128xi32> to vector<128x1xi32>
    %eq3A_718 = arith.constant 24 : i32
    %eq3A_719 = vector.broadcast %eq3A_718 : i32 to vector<128x32xi32>
    %eq3A_720 = arith.cmpi eq, %iota3A_31, %eq3A_719 : vector<128x32xi32>
    %broadcast_in_dim3A_721 = vector.shape_cast %broadcast_in_dim3A_717 : vector<128x1xi32> to vector<128x1xi32>
    %broadcast_in_dim3A_722 = vector.broadcast %broadcast_in_dim3A_721 : vector<128x1xi32> to vector<128x32xi32>
    %select_n3A_723 = arith.select %eq3A_720, %broadcast_in_dim3A_722, %select_n3A_695 : vector<128x32xi1>, vector<128x32xi32>
    %eq3A_724 = arith.constant 24 : i32
    %eq3A_725 = vector.broadcast %eq3A_724 : i32 to vector<128x32xi32>
    %eq3A_726 = arith.cmpi eq, %iota3A_31, %eq3A_725 : vector<128x32xi32>
    %broadcast_in_dim3A_727 = vector.shape_cast %broadcast_in_dim3A_709 : vector<128x1xf32> to vector<128x1xf32>
    %broadcast_in_dim3A_728 = vector.broadcast %broadcast_in_dim3A_727 : vector<128x1xf32> to vector<128x32xf32>
    %select_n3A_729 = arith.select %eq3A_726, %broadcast_in_dim3A_728, %select_n3A_701 : vector<128x32xi1>, vector<128x32xf32>
    %eq3A_730 = vector.broadcast %broadcast_in_dim3A_717 : vector<128x1xi32> to vector<128x1024xi32>
    %eq3A_731 = arith.cmpi eq, %iota3A, %eq3A_730 : vector<128x1024xi32>
    %jit3A_732 = arith.constant 1.000000e+10 : f32
    %broadcast_in_dim3A_733 = vector.broadcast %jit3A_732 : f32 to vector<128x1024xf32>
    %select_n3A_734 = arith.select %eq3A_731, %broadcast_in_dim3A_733, %select_n3A_706 : vector<128x1024xi1>, vector<128x1024xf32>
    %reduce_min3A_735 = arith.constant dense<0x7F800000> : vector<128xf32>
    %reduce_min3A_736 = vector.multi_reduction <minimumf>, %select_n3A_734, %reduce_min3A_735 [1] : vector<128x1024xf32> to vector<128xf32>
    %broadcast_in_dim3A_737 = vector.shape_cast %reduce_min3A_736 : vector<128xf32> to vector<128x1xf32>
    %eq3A_738 = vector.broadcast %broadcast_in_dim3A_737 : vector<128x1xf32> to vector<128x1024xf32>
    %eq3A_739 = arith.cmpf oeq, %select_n3A_734, %eq3A_738 : vector<128x1024xf32>
    %jit3A_740 = arith.constant 1024 : i32
    %broadcast_in_dim3A_741 = vector.broadcast %jit3A_740 : i32 to vector<128x1024xi32>
    %select_n3A_742 = arith.select %eq3A_739, %iota3A, %broadcast_in_dim3A_741 : vector<128x1024xi1>, vector<128x1024xi32>
    %reduce_min3A_743 = arith.constant dense<2147483647> : vector<128xi32>
    %reduce_min3A_744 = vector.multi_reduction <minsi>, %select_n3A_742, %reduce_min3A_743 [1] : vector<128x1024xi32> to vector<128xi32>
    %broadcast_in_dim3A_745 = vector.shape_cast %reduce_min3A_744 : vector<128xi32> to vector<128x1xi32>
    %eq3A_746 = arith.constant 25 : i32
    %eq3A_747 = vector.broadcast %eq3A_746 : i32 to vector<128x32xi32>
    %eq3A_748 = arith.cmpi eq, %iota3A_31, %eq3A_747 : vector<128x32xi32>
    %broadcast_in_dim3A_749 = vector.shape_cast %broadcast_in_dim3A_745 : vector<128x1xi32> to vector<128x1xi32>
    %broadcast_in_dim3A_750 = vector.broadcast %broadcast_in_dim3A_749 : vector<128x1xi32> to vector<128x32xi32>
    %select_n3A_751 = arith.select %eq3A_748, %broadcast_in_dim3A_750, %select_n3A_723 : vector<128x32xi1>, vector<128x32xi32>
    %eq3A_752 = arith.constant 25 : i32
    %eq3A_753 = vector.broadcast %eq3A_752 : i32 to vector<128x32xi32>
    %eq3A_754 = arith.cmpi eq, %iota3A_31, %eq3A_753 : vector<128x32xi32>
    %broadcast_in_dim3A_755 = vector.shape_cast %broadcast_in_dim3A_737 : vector<128x1xf32> to vector<128x1xf32>
    %broadcast_in_dim3A_756 = vector.broadcast %broadcast_in_dim3A_755 : vector<128x1xf32> to vector<128x32xf32>
    %select_n3A_757 = arith.select %eq3A_754, %broadcast_in_dim3A_756, %select_n3A_729 : vector<128x32xi1>, vector<128x32xf32>
    %eq3A_758 = vector.broadcast %broadcast_in_dim3A_745 : vector<128x1xi32> to vector<128x1024xi32>
    %eq3A_759 = arith.cmpi eq, %iota3A, %eq3A_758 : vector<128x1024xi32>
    %jit3A_760 = arith.constant 1.000000e+10 : f32
    %broadcast_in_dim3A_761 = vector.broadcast %jit3A_760 : f32 to vector<128x1024xf32>
    %select_n3A_762 = arith.select %eq3A_759, %broadcast_in_dim3A_761, %select_n3A_734 : vector<128x1024xi1>, vector<128x1024xf32>
    %reduce_min3A_763 = arith.constant dense<0x7F800000> : vector<128xf32>
    %reduce_min3A_764 = vector.multi_reduction <minimumf>, %select_n3A_762, %reduce_min3A_763 [1] : vector<128x1024xf32> to vector<128xf32>
    %broadcast_in_dim3A_765 = vector.shape_cast %reduce_min3A_764 : vector<128xf32> to vector<128x1xf32>
    %eq3A_766 = vector.broadcast %broadcast_in_dim3A_765 : vector<128x1xf32> to vector<128x1024xf32>
    %eq3A_767 = arith.cmpf oeq, %select_n3A_762, %eq3A_766 : vector<128x1024xf32>
    %jit3A_768 = arith.constant 1024 : i32
    %broadcast_in_dim3A_769 = vector.broadcast %jit3A_768 : i32 to vector<128x1024xi32>
    %select_n3A_770 = arith.select %eq3A_767, %iota3A, %broadcast_in_dim3A_769 : vector<128x1024xi1>, vector<128x1024xi32>
    %reduce_min3A_771 = arith.constant dense<2147483647> : vector<128xi32>
    %reduce_min3A_772 = vector.multi_reduction <minsi>, %select_n3A_770, %reduce_min3A_771 [1] : vector<128x1024xi32> to vector<128xi32>
    %broadcast_in_dim3A_773 = vector.shape_cast %reduce_min3A_772 : vector<128xi32> to vector<128x1xi32>
    %eq3A_774 = arith.constant 26 : i32
    %eq3A_775 = vector.broadcast %eq3A_774 : i32 to vector<128x32xi32>
    %eq3A_776 = arith.cmpi eq, %iota3A_31, %eq3A_775 : vector<128x32xi32>
    %broadcast_in_dim3A_777 = vector.shape_cast %broadcast_in_dim3A_773 : vector<128x1xi32> to vector<128x1xi32>
    %broadcast_in_dim3A_778 = vector.broadcast %broadcast_in_dim3A_777 : vector<128x1xi32> to vector<128x32xi32>
    %select_n3A_779 = arith.select %eq3A_776, %broadcast_in_dim3A_778, %select_n3A_751 : vector<128x32xi1>, vector<128x32xi32>
    %eq3A_780 = arith.constant 26 : i32
    %eq3A_781 = vector.broadcast %eq3A_780 : i32 to vector<128x32xi32>
    %eq3A_782 = arith.cmpi eq, %iota3A_31, %eq3A_781 : vector<128x32xi32>
    %broadcast_in_dim3A_783 = vector.shape_cast %broadcast_in_dim3A_765 : vector<128x1xf32> to vector<128x1xf32>
    %broadcast_in_dim3A_784 = vector.broadcast %broadcast_in_dim3A_783 : vector<128x1xf32> to vector<128x32xf32>
    %select_n3A_785 = arith.select %eq3A_782, %broadcast_in_dim3A_784, %select_n3A_757 : vector<128x32xi1>, vector<128x32xf32>
    %eq3A_786 = vector.broadcast %broadcast_in_dim3A_773 : vector<128x1xi32> to vector<128x1024xi32>
    %eq3A_787 = arith.cmpi eq, %iota3A, %eq3A_786 : vector<128x1024xi32>
    %jit3A_788 = arith.constant 1.000000e+10 : f32
    %broadcast_in_dim3A_789 = vector.broadcast %jit3A_788 : f32 to vector<128x1024xf32>
    %select_n3A_790 = arith.select %eq3A_787, %broadcast_in_dim3A_789, %select_n3A_762 : vector<128x1024xi1>, vector<128x1024xf32>
    %reduce_min3A_791 = arith.constant dense<0x7F800000> : vector<128xf32>
    %reduce_min3A_792 = vector.multi_reduction <minimumf>, %select_n3A_790, %reduce_min3A_791 [1] : vector<128x1024xf32> to vector<128xf32>
    %broadcast_in_dim3A_793 = vector.shape_cast %reduce_min3A_792 : vector<128xf32> to vector<128x1xf32>
    %eq3A_794 = vector.broadcast %broadcast_in_dim3A_793 : vector<128x1xf32> to vector<128x1024xf32>
    %eq3A_795 = arith.cmpf oeq, %select_n3A_790, %eq3A_794 : vector<128x1024xf32>
    %jit3A_796 = arith.constant 1024 : i32
    %broadcast_in_dim3A_797 = vector.broadcast %jit3A_796 : i32 to vector<128x1024xi32>
    %select_n3A_798 = arith.select %eq3A_795, %iota3A, %broadcast_in_dim3A_797 : vector<128x1024xi1>, vector<128x1024xi32>
    %reduce_min3A_799 = arith.constant dense<2147483647> : vector<128xi32>
    %reduce_min3A_800 = vector.multi_reduction <minsi>, %select_n3A_798, %reduce_min3A_799 [1] : vector<128x1024xi32> to vector<128xi32>
    %broadcast_in_dim3A_801 = vector.shape_cast %reduce_min3A_800 : vector<128xi32> to vector<128x1xi32>
    %eq3A_802 = arith.constant 27 : i32
    %eq3A_803 = vector.broadcast %eq3A_802 : i32 to vector<128x32xi32>
    %eq3A_804 = arith.cmpi eq, %iota3A_31, %eq3A_803 : vector<128x32xi32>
    %broadcast_in_dim3A_805 = vector.shape_cast %broadcast_in_dim3A_801 : vector<128x1xi32> to vector<128x1xi32>
    %broadcast_in_dim3A_806 = vector.broadcast %broadcast_in_dim3A_805 : vector<128x1xi32> to vector<128x32xi32>
    %select_n3A_807 = arith.select %eq3A_804, %broadcast_in_dim3A_806, %select_n3A_779 : vector<128x32xi1>, vector<128x32xi32>
    %eq3A_808 = arith.constant 27 : i32
    %eq3A_809 = vector.broadcast %eq3A_808 : i32 to vector<128x32xi32>
    %eq3A_810 = arith.cmpi eq, %iota3A_31, %eq3A_809 : vector<128x32xi32>
    %broadcast_in_dim3A_811 = vector.shape_cast %broadcast_in_dim3A_793 : vector<128x1xf32> to vector<128x1xf32>
    %broadcast_in_dim3A_812 = vector.broadcast %broadcast_in_dim3A_811 : vector<128x1xf32> to vector<128x32xf32>
    %select_n3A_813 = arith.select %eq3A_810, %broadcast_in_dim3A_812, %select_n3A_785 : vector<128x32xi1>, vector<128x32xf32>
    %eq3A_814 = vector.broadcast %broadcast_in_dim3A_801 : vector<128x1xi32> to vector<128x1024xi32>
    %eq3A_815 = arith.cmpi eq, %iota3A, %eq3A_814 : vector<128x1024xi32>
    %jit3A_816 = arith.constant 1.000000e+10 : f32
    %broadcast_in_dim3A_817 = vector.broadcast %jit3A_816 : f32 to vector<128x1024xf32>
    %select_n3A_818 = arith.select %eq3A_815, %broadcast_in_dim3A_817, %select_n3A_790 : vector<128x1024xi1>, vector<128x1024xf32>
    %reduce_min3A_819 = arith.constant dense<0x7F800000> : vector<128xf32>
    %reduce_min3A_820 = vector.multi_reduction <minimumf>, %select_n3A_818, %reduce_min3A_819 [1] : vector<128x1024xf32> to vector<128xf32>
    %broadcast_in_dim3A_821 = vector.shape_cast %reduce_min3A_820 : vector<128xf32> to vector<128x1xf32>
    %eq3A_822 = vector.broadcast %broadcast_in_dim3A_821 : vector<128x1xf32> to vector<128x1024xf32>
    %eq3A_823 = arith.cmpf oeq, %select_n3A_818, %eq3A_822 : vector<128x1024xf32>
    %jit3A_824 = arith.constant 1024 : i32
    %broadcast_in_dim3A_825 = vector.broadcast %jit3A_824 : i32 to vector<128x1024xi32>
    %select_n3A_826 = arith.select %eq3A_823, %iota3A, %broadcast_in_dim3A_825 : vector<128x1024xi1>, vector<128x1024xi32>
    %reduce_min3A_827 = arith.constant dense<2147483647> : vector<128xi32>
    %reduce_min3A_828 = vector.multi_reduction <minsi>, %select_n3A_826, %reduce_min3A_827 [1] : vector<128x1024xi32> to vector<128xi32>
    %broadcast_in_dim3A_829 = vector.shape_cast %reduce_min3A_828 : vector<128xi32> to vector<128x1xi32>
    %eq3A_830 = arith.constant 28 : i32
    %eq3A_831 = vector.broadcast %eq3A_830 : i32 to vector<128x32xi32>
    %eq3A_832 = arith.cmpi eq, %iota3A_31, %eq3A_831 : vector<128x32xi32>
    %broadcast_in_dim3A_833 = vector.shape_cast %broadcast_in_dim3A_829 : vector<128x1xi32> to vector<128x1xi32>
    %broadcast_in_dim3A_834 = vector.broadcast %broadcast_in_dim3A_833 : vector<128x1xi32> to vector<128x32xi32>
    %select_n3A_835 = arith.select %eq3A_832, %broadcast_in_dim3A_834, %select_n3A_807 : vector<128x32xi1>, vector<128x32xi32>
    %eq3A_836 = arith.constant 28 : i32
    %eq3A_837 = vector.broadcast %eq3A_836 : i32 to vector<128x32xi32>
    %eq3A_838 = arith.cmpi eq, %iota3A_31, %eq3A_837 : vector<128x32xi32>
    %broadcast_in_dim3A_839 = vector.shape_cast %broadcast_in_dim3A_821 : vector<128x1xf32> to vector<128x1xf32>
    %broadcast_in_dim3A_840 = vector.broadcast %broadcast_in_dim3A_839 : vector<128x1xf32> to vector<128x32xf32>
    %select_n3A_841 = arith.select %eq3A_838, %broadcast_in_dim3A_840, %select_n3A_813 : vector<128x32xi1>, vector<128x32xf32>
    %eq3A_842 = vector.broadcast %broadcast_in_dim3A_829 : vector<128x1xi32> to vector<128x1024xi32>
    %eq3A_843 = arith.cmpi eq, %iota3A, %eq3A_842 : vector<128x1024xi32>
    %jit3A_844 = arith.constant 1.000000e+10 : f32
    %broadcast_in_dim3A_845 = vector.broadcast %jit3A_844 : f32 to vector<128x1024xf32>
    %select_n3A_846 = arith.select %eq3A_843, %broadcast_in_dim3A_845, %select_n3A_818 : vector<128x1024xi1>, vector<128x1024xf32>
    %reduce_min3A_847 = arith.constant dense<0x7F800000> : vector<128xf32>
    %reduce_min3A_848 = vector.multi_reduction <minimumf>, %select_n3A_846, %reduce_min3A_847 [1] : vector<128x1024xf32> to vector<128xf32>
    %broadcast_in_dim3A_849 = vector.shape_cast %reduce_min3A_848 : vector<128xf32> to vector<128x1xf32>
    %eq3A_850 = vector.broadcast %broadcast_in_dim3A_849 : vector<128x1xf32> to vector<128x1024xf32>
    %eq3A_851 = arith.cmpf oeq, %select_n3A_846, %eq3A_850 : vector<128x1024xf32>
    %jit3A_852 = arith.constant 1024 : i32
    %broadcast_in_dim3A_853 = vector.broadcast %jit3A_852 : i32 to vector<128x1024xi32>
    %select_n3A_854 = arith.select %eq3A_851, %iota3A, %broadcast_in_dim3A_853 : vector<128x1024xi1>, vector<128x1024xi32>
    %reduce_min3A_855 = arith.constant dense<2147483647> : vector<128xi32>
    %reduce_min3A_856 = vector.multi_reduction <minsi>, %select_n3A_854, %reduce_min3A_855 [1] : vector<128x1024xi32> to vector<128xi32>
    %broadcast_in_dim3A_857 = vector.shape_cast %reduce_min3A_856 : vector<128xi32> to vector<128x1xi32>
    %eq3A_858 = arith.constant 29 : i32
    %eq3A_859 = vector.broadcast %eq3A_858 : i32 to vector<128x32xi32>
    %eq3A_860 = arith.cmpi eq, %iota3A_31, %eq3A_859 : vector<128x32xi32>
    %broadcast_in_dim3A_861 = vector.shape_cast %broadcast_in_dim3A_857 : vector<128x1xi32> to vector<128x1xi32>
    %broadcast_in_dim3A_862 = vector.broadcast %broadcast_in_dim3A_861 : vector<128x1xi32> to vector<128x32xi32>
    %select_n3A_863 = arith.select %eq3A_860, %broadcast_in_dim3A_862, %select_n3A_835 : vector<128x32xi1>, vector<128x32xi32>
    %eq3A_864 = arith.constant 29 : i32
    %eq3A_865 = vector.broadcast %eq3A_864 : i32 to vector<128x32xi32>
    %eq3A_866 = arith.cmpi eq, %iota3A_31, %eq3A_865 : vector<128x32xi32>
    %broadcast_in_dim3A_867 = vector.shape_cast %broadcast_in_dim3A_849 : vector<128x1xf32> to vector<128x1xf32>
    %broadcast_in_dim3A_868 = vector.broadcast %broadcast_in_dim3A_867 : vector<128x1xf32> to vector<128x32xf32>
    %select_n3A_869 = arith.select %eq3A_866, %broadcast_in_dim3A_868, %select_n3A_841 : vector<128x32xi1>, vector<128x32xf32>
    %eq3A_870 = vector.broadcast %broadcast_in_dim3A_857 : vector<128x1xi32> to vector<128x1024xi32>
    %eq3A_871 = arith.cmpi eq, %iota3A, %eq3A_870 : vector<128x1024xi32>
    %jit3A_872 = arith.constant 1.000000e+10 : f32
    %broadcast_in_dim3A_873 = vector.broadcast %jit3A_872 : f32 to vector<128x1024xf32>
    %select_n3A_874 = arith.select %eq3A_871, %broadcast_in_dim3A_873, %select_n3A_846 : vector<128x1024xi1>, vector<128x1024xf32>
    %reduce_min3A_875 = arith.constant dense<0x7F800000> : vector<128xf32>
    %reduce_min3A_876 = vector.multi_reduction <minimumf>, %select_n3A_874, %reduce_min3A_875 [1] : vector<128x1024xf32> to vector<128xf32>
    %broadcast_in_dim3A_877 = vector.shape_cast %reduce_min3A_876 : vector<128xf32> to vector<128x1xf32>
    %eq3A_878 = vector.broadcast %broadcast_in_dim3A_877 : vector<128x1xf32> to vector<128x1024xf32>
    %eq3A_879 = arith.cmpf oeq, %select_n3A_874, %eq3A_878 : vector<128x1024xf32>
    %jit3A_880 = arith.constant 1024 : i32
    %broadcast_in_dim3A_881 = vector.broadcast %jit3A_880 : i32 to vector<128x1024xi32>
    %select_n3A_882 = arith.select %eq3A_879, %iota3A, %broadcast_in_dim3A_881 : vector<128x1024xi1>, vector<128x1024xi32>
    %reduce_min3A_883 = arith.constant dense<2147483647> : vector<128xi32>
    %reduce_min3A_884 = vector.multi_reduction <minsi>, %select_n3A_882, %reduce_min3A_883 [1] : vector<128x1024xi32> to vector<128xi32>
    %broadcast_in_dim3A_885 = vector.shape_cast %reduce_min3A_884 : vector<128xi32> to vector<128x1xi32>
    %eq3A_886 = arith.constant 30 : i32
    %eq3A_887 = vector.broadcast %eq3A_886 : i32 to vector<128x32xi32>
    %eq3A_888 = arith.cmpi eq, %iota3A_31, %eq3A_887 : vector<128x32xi32>
    %broadcast_in_dim3A_889 = vector.shape_cast %broadcast_in_dim3A_885 : vector<128x1xi32> to vector<128x1xi32>
    %broadcast_in_dim3A_890 = vector.broadcast %broadcast_in_dim3A_889 : vector<128x1xi32> to vector<128x32xi32>
    %select_n3A_891 = arith.select %eq3A_888, %broadcast_in_dim3A_890, %select_n3A_863 : vector<128x32xi1>, vector<128x32xi32>
    %eq3A_892 = arith.constant 30 : i32
    %eq3A_893 = vector.broadcast %eq3A_892 : i32 to vector<128x32xi32>
    %eq3A_894 = arith.cmpi eq, %iota3A_31, %eq3A_893 : vector<128x32xi32>
    %broadcast_in_dim3A_895 = vector.shape_cast %broadcast_in_dim3A_877 : vector<128x1xf32> to vector<128x1xf32>
    %broadcast_in_dim3A_896 = vector.broadcast %broadcast_in_dim3A_895 : vector<128x1xf32> to vector<128x32xf32>
    %select_n3A_897 = arith.select %eq3A_894, %broadcast_in_dim3A_896, %select_n3A_869 : vector<128x32xi1>, vector<128x32xf32>
    %eq3A_898 = vector.broadcast %broadcast_in_dim3A_885 : vector<128x1xi32> to vector<128x1024xi32>
    %eq3A_899 = arith.cmpi eq, %iota3A, %eq3A_898 : vector<128x1024xi32>
    %jit3A_900 = arith.constant 1.000000e+10 : f32
    %broadcast_in_dim3A_901 = vector.broadcast %jit3A_900 : f32 to vector<128x1024xf32>
    %select_n3A_902 = arith.select %eq3A_899, %broadcast_in_dim3A_901, %select_n3A_874 : vector<128x1024xi1>, vector<128x1024xf32>
    %reduce_min3A_903 = arith.constant dense<0x7F800000> : vector<128xf32>
    %reduce_min3A_904 = vector.multi_reduction <minimumf>, %select_n3A_902, %reduce_min3A_903 [1] : vector<128x1024xf32> to vector<128xf32>
    %broadcast_in_dim3A_905 = vector.shape_cast %reduce_min3A_904 : vector<128xf32> to vector<128x1xf32>
    %eq3A_906 = vector.broadcast %broadcast_in_dim3A_905 : vector<128x1xf32> to vector<128x1024xf32>
    %eq3A_907 = arith.cmpf oeq, %select_n3A_902, %eq3A_906 : vector<128x1024xf32>
    %jit3A_908 = arith.constant 1024 : i32
    %broadcast_in_dim3A_909 = vector.broadcast %jit3A_908 : i32 to vector<128x1024xi32>
    %select_n3A_910 = arith.select %eq3A_907, %iota3A, %broadcast_in_dim3A_909 : vector<128x1024xi1>, vector<128x1024xi32>
    %reduce_min3A_911 = arith.constant dense<2147483647> : vector<128xi32>
    %reduce_min3A_912 = vector.multi_reduction <minsi>, %select_n3A_910, %reduce_min3A_911 [1] : vector<128x1024xi32> to vector<128xi32>
    %broadcast_in_dim3A_913 = vector.shape_cast %reduce_min3A_912 : vector<128xi32> to vector<128x1xi32>
    %eq3A_914 = arith.constant 31 : i32
    %eq3A_915 = vector.broadcast %eq3A_914 : i32 to vector<128x32xi32>
    %eq3A_916 = arith.cmpi eq, %iota3A_31, %eq3A_915 : vector<128x32xi32>
    %broadcast_in_dim3A_917 = vector.shape_cast %broadcast_in_dim3A_913 : vector<128x1xi32> to vector<128x1xi32>
    %broadcast_in_dim3A_918 = vector.broadcast %broadcast_in_dim3A_917 : vector<128x1xi32> to vector<128x32xi32>
    %select_n3A_919 = arith.select %eq3A_916, %broadcast_in_dim3A_918, %select_n3A_891 : vector<128x32xi1>, vector<128x32xi32>
    %eq3A_920 = arith.constant 31 : i32
    %eq3A_921 = vector.broadcast %eq3A_920 : i32 to vector<128x32xi32>
    %eq3A_922 = arith.cmpi eq, %iota3A_31, %eq3A_921 : vector<128x32xi32>
    %broadcast_in_dim3A_923 = vector.shape_cast %broadcast_in_dim3A_905 : vector<128x1xf32> to vector<128x1xf32>
    %broadcast_in_dim3A_924 = vector.broadcast %broadcast_in_dim3A_923 : vector<128x1xf32> to vector<128x32xf32>
    %select_n3A_925 = arith.select %eq3A_922, %broadcast_in_dim3A_924, %select_n3A_897 : vector<128x32xi1>, vector<128x32xf32>
    %swap3A = arith.constant 0 : index
    %swap3A_926 = arith.constant 0 : index
    %swap3A_927 = vector.load %arg5[%swap3A, %swap3A_926] : memref<128x32xi32, #tpu.memory_space<vmem>>, vector<128x32xi32>
    tpu.vector_store %arg5[%swap3A, %swap3A_926], %select_n3A_919 {strides = array<i32>} : memref<128x32xi32, #tpu.memory_space<vmem>>, vector<128x32xi32>,
    %lt3A = arith.constant 2.500000e+01 : f32
    %lt3A_928 = vector.broadcast %lt3A : f32 to vector<128x32xf32>
    %lt3A_929 = arith.cmpf olt, %select_n3A_925, %lt3A_928 : vector<128x32xf32>
    %convert_element_type3A = arith.extui %lt3A_929 : vector<128x32xi1> to vector<128x32xi32>
    %convert_element_type3A_930 = arith.sitofp %convert_element_type3A : vector<128x32xi32> to vector<128x32xf32>
    %swap3A_931 = arith.constant 0 : index
    %swap3A_932 = arith.constant 0 : index
    %swap3A_933 = vector.load %arg6[%swap3A_931, %swap3A_932] : memref<128x32xf32, #tpu.memory_space<vmem>>, vector<128x32xf32>
    tpu.vector_store %arg6[%swap3A_931, %swap3A_932], %convert_element_type3A_930 {strides = array<i32>} : memref<128x32xf32, #tpu.memory_space<vmem>>, vector<128x32xf32>,
    return
  }
  func.func @transform_0(%arg0: i32) -> (i32, i32) {
    %c0_i32 = arith.constant 0 : i32
    %c0_i32_0 = arith.constant 0 : i32
    return %arg0, %c0_i32 : i32, i32
  }
  func.func @transform_1(%arg0: i32) -> (i32, i32) {
    %c0_i32 = arith.constant 0 : i32
    %c0_i32_0 = arith.constant 0 : i32
    return %arg0, %c0_i32 : i32, i32
  }
  func.func @transform_2(%arg0: i32) -> (i32, i32) {
    %c0_i32 = arith.constant 0 : i32
    %c0_i32_0 = arith.constant 0 : i32
    %c0_i32_1 = arith.constant 0 : i32
    return %c0_i32, %c0_i32_0 : i32, i32
  }
  func.func @transform_3(%arg0: i32) -> (i32, i32) {
    %c0_i32 = arith.constant 0 : i32
    %c0_i32_0 = arith.constant 0 : i32
    %c0_i32_1 = arith.constant 0 : i32
    return %c0_i32, %c0_i32_0 : i32, i32
  }
  func.func @transform_4(%arg0: i32) -> (i32, i32) {
    %c0_i32 = arith.constant 0 : i32
    %c0_i32_0 = arith.constant 0 : i32
    return %arg0, %c0_i32 : i32, i32
  }
  func.func @transform_5(%arg0: i32) -> (i32, i32) {
    %c0_i32 = arith.constant 0 : i32
    %c0_i32_0 = arith.constant 0 : i32
    return %arg0, %c0_i32 : i32, i32
  }
}

module attributes {stable_mosaic.version = 14 : i64} {
  func.func @_mid_body(%arg0: i32, %arg1: memref<1024x1xi32, #tpu.memory_space<vmem>>, %arg2: memref<1024x1xf32, #tpu.memory_space<vmem>>, %arg3: memref<1024x16xf32, #tpu.memory_space<vmem>>, %arg4: memref<1024x256xf32, #tpu.memory_space<vmem>>, %arg5: memref<1024x3xf32, #tpu.memory_space<vmem>>, %arg6: memref<1024x3xf32, #tpu.memory_space<vmem>>, %arg7: memref<1024x128xf32, #tpu.memory_space<vmem>>, %arg8: memref<1024x128xf32, #tpu.memory_space<vmem>>, %arg9: memref<1024x128xf32, #tpu.memory_space<vmem>>, %arg10: memref<32x256xf32, #tpu.memory_space<vmem>>, %arg11: memref<32x3xf32, #tpu.memory_space<vmem>>, %arg12: memref<32x3xf32, #tpu.memory_space<vmem>>, %arg13: memref<16x256xf32, #tpu.memory_space<vmem>>, %arg14: memref<2x256xf32, #tpu.memory_space<vmem>>, %arg15: memref<256x512xf32, #tpu.memory_space<vmem>>, %arg16: memref<1x512xf32, #tpu.memory_space<vmem>>, %arg17: memref<256x1xf32, #tpu.memory_space<vmem>>, %arg18: memref<1x1xf32, #tpu.memory_space<vmem>>, %arg19: memref<32x256xf32, #tpu.memory_space<vmem>>, %arg20: memref<32x384xf32, #tpu.memory_space<vmem>>, %arg21: memref<32x3xf32, #tpu.memory_space<vmem>>) attributes {dimension_semantics = [#tpu.dimension_semantics<arbitrary>], iteration_bounds = array<i64: 32>, scalar_prefetch = 0 : i64, scratch_operands = 0 : i64, tpu.core_type = #tpu.core_type<tc>, window_params = [{transform_indices = @transform_0, window_bounds = array<i64: 1024, 1>}, {transform_indices = @transform_1, window_bounds = array<i64: 1024, 1>}, {transform_indices = @transform_2, window_bounds = array<i64: 1024, 16>}, {pipeline_mode = #tpu.pipeline_mode<synchronous>, transform_indices = @transform_3, window_bounds = array<i64: 1024, 256>}, {pipeline_mode = #tpu.pipeline_mode<synchronous>, transform_indices = @transform_4, window_bounds = array<i64: 1024, 3>}, {pipeline_mode = #tpu.pipeline_mode<synchronous>, transform_indices = @transform_5, window_bounds = array<i64: 1024, 3>}, {pipeline_mode = #tpu.pipeline_mode<synchronous>, transform_indices = @transform_6, window_bounds = array<i64: 1024, 128>}, {pipeline_mode = #tpu.pipeline_mode<synchronous>, transform_indices = @transform_7, window_bounds = array<i64: 1024, 128>}, {pipeline_mode = #tpu.pipeline_mode<synchronous>, transform_indices = @transform_8, window_bounds = array<i64: 1024, 128>}, {transform_indices = @transform_9, window_bounds = array<i64: 32, 256>}, {transform_indices = @transform_10, window_bounds = array<i64: 32, 3>}, {transform_indices = @transform_11, window_bounds = array<i64: 32, 3>}, {pipeline_mode = #tpu.pipeline_mode<synchronous>, transform_indices = @transform_12, window_bounds = array<i64: 16, 256>}, {pipeline_mode = #tpu.pipeline_mode<synchronous>, transform_indices = @transform_13, window_bounds = array<i64: 2, 256>}, {pipeline_mode = #tpu.pipeline_mode<synchronous>, transform_indices = @transform_14, window_bounds = array<i64: 256, 512>}, {pipeline_mode = #tpu.pipeline_mode<synchronous>, transform_indices = @transform_15, window_bounds = array<i64: 1, 512>}, {pipeline_mode = #tpu.pipeline_mode<synchronous>, transform_indices = @transform_16, window_bounds = array<i64: 256, 1>}, {pipeline_mode = #tpu.pipeline_mode<synchronous>, transform_indices = @transform_17, window_bounds = array<i64: 1, 1>}, {transform_indices = @transform_18, window_bounds = array<i64: 32, 256>}, {transform_indices = @transform_19, window_bounds = array<i64: 32, 384>}, {transform_indices = @transform_20, window_bounds = array<i64: 32, 3>}]} {
    %get3A = arith.constant 0 : index
    %get3A_0 = arith.constant 0 : index
    %get3A_1 = vector.load %arg1[%get3A, %get3A_0] : memref<1024x1xi32, #tpu.memory_space<vmem>>, vector<1024x1xi32>
    %iota3A = tpu.iota {dimensions = array<i32: 1>} : vector<1024x1024xi32>
    %eq3A = vector.broadcast %get3A_1 : vector<1024x1xi32> to vector<1024x1024xi32>
    %eq3A_2 = arith.cmpi eq, %eq3A, %iota3A : vector<1024x1024xi32>
    %convert_element_type3A = arith.extui %eq3A_2 : vector<1024x1024xi1> to vector<1024x1024xi32>
    %convert_element_type3A_3 = arith.sitofp %convert_element_type3A : vector<1024x1024xi32> to vector<1024x1024xf32>
    %eq3A_4 = vector.broadcast %get3A_1 : vector<1024x1xi32> to vector<1024x1024xi32>
    %eq3A_5 = arith.cmpi eq, %eq3A_4, %iota3A : vector<1024x1024xi32>
    %convert_element_type3A_6 = arith.extui %eq3A_5 : vector<1024x1024xi1> to vector<1024x1024xi32>
    %convert_element_type3A_7 = arith.sitofp %convert_element_type3A_6 : vector<1024x1024xi32> to vector<1024x1024xf32>
    %convert_element_type3A_8 = arith.truncf %convert_element_type3A_7 : vector<1024x1024xf32> to vector<1024x1024xbf16>
    %get3A_9 = arith.constant 0 : index
    %get3A_10 = arith.constant 0 : index
    %get3A_11 = vector.load %arg4[%get3A_9, %get3A_10] : memref<1024x256xf32, #tpu.memory_space<vmem>>, vector<1024x256xf32>
    %convert_element_type3A_12 = arith.truncf %get3A_11 : vector<1024x256xf32> to vector<1024x256xbf16>
    %dot_general3A = arith.constant dense<0.000000e+00> : vector<1024x256xf32>
    %dot_general3A_13 = tpu.matmul %convert_element_type3A_8, %convert_element_type3A_12, %dot_general3A {dimension_numbers = #tpu.dot_dimension_numbers<[1], [0], [0], [1], [0, 0, 1, 1], [], []>, transpose_lhs_hint = false} : vector<1024x1024xbf16>, vector<1024x256xbf16>, vector<1024x256xf32> -> vector<1024x256xf32>
    %get3A_14 = arith.constant 0 : index
    %get3A_15 = arith.constant 0 : index
    %get3A_16 = vector.load %arg5[%get3A_14, %get3A_15] : memref<1024x3xf32, #tpu.memory_space<vmem>>, vector<1024x3xf32>
    %dot_general3A_17 = arith.constant dense<0.000000e+00> : vector<1024x3xf32>
    %dot_general3A_18 = tpu.matmul %convert_element_type3A_3, %get3A_16, %dot_general3A_17 {dimension_numbers = #tpu.dot_dimension_numbers<[1], [0], [0], [1], [0, 0, 1, 1], [], []>, precision = #tpu.contract_precision<fp32>, transpose_lhs_hint = false} : vector<1024x1024xf32>, vector<1024x3xf32>, vector<1024x3xf32> -> vector<1024x3xf32>
    %get3A_19 = arith.constant 0 : index
    %get3A_20 = arith.constant 0 : index
    %get3A_21 = vector.load %arg6[%get3A_19, %get3A_20] : memref<1024x3xf32, #tpu.memory_space<vmem>>, vector<1024x3xf32>
    %dot_general3A_22 = arith.constant dense<0.000000e+00> : vector<1024x3xf32>
    %dot_general3A_23 = tpu.matmul %convert_element_type3A_3, %get3A_21, %dot_general3A_22 {dimension_numbers = #tpu.dot_dimension_numbers<[1], [0], [0], [1], [0, 0, 1, 1], [], []>, precision = #tpu.contract_precision<fp32>, transpose_lhs_hint = false} : vector<1024x1024xf32>, vector<1024x3xf32>, vector<1024x3xf32> -> vector<1024x3xf32>
    %get3A_24 = arith.constant 0 : index
    %get3A_25 = arith.constant 0 : index
    %get3A_26 = vector.load %arg7[%get3A_24, %get3A_25] : memref<1024x128xf32, #tpu.memory_space<vmem>>, vector<1024x128xf32>
    %convert_element_type3A_27 = arith.truncf %get3A_26 : vector<1024x128xf32> to vector<1024x128xbf16>
    %dot_general3A_28 = arith.constant dense<0.000000e+00> : vector<1024x128xf32>
    %dot_general3A_29 = tpu.matmul %convert_element_type3A_8, %convert_element_type3A_27, %dot_general3A_28 {dimension_numbers = #tpu.dot_dimension_numbers<[1], [0], [0], [1], [0, 0, 1, 1], [], []>, transpose_lhs_hint = false} : vector<1024x1024xbf16>, vector<1024x128xbf16>, vector<1024x128xf32> -> vector<1024x128xf32>
    %get3A_30 = arith.constant 0 : index
    %get3A_31 = arith.constant 0 : index
    %get3A_32 = vector.load %arg8[%get3A_30, %get3A_31] : memref<1024x128xf32, #tpu.memory_space<vmem>>, vector<1024x128xf32>
    %convert_element_type3A_33 = arith.truncf %get3A_32 : vector<1024x128xf32> to vector<1024x128xbf16>
    %dot_general3A_34 = arith.constant dense<0.000000e+00> : vector<1024x128xf32>
    %dot_general3A_35 = tpu.matmul %convert_element_type3A_8, %convert_element_type3A_33, %dot_general3A_34 {dimension_numbers = #tpu.dot_dimension_numbers<[1], [0], [0], [1], [0, 0, 1, 1], [], []>, transpose_lhs_hint = false} : vector<1024x1024xbf16>, vector<1024x128xbf16>, vector<1024x128xf32> -> vector<1024x128xf32>
    %get3A_36 = arith.constant 0 : index
    %get3A_37 = arith.constant 0 : index
    %get3A_38 = vector.load %arg9[%get3A_36, %get3A_37] : memref<1024x128xf32, #tpu.memory_space<vmem>>, vector<1024x128xf32>
    %convert_element_type3A_39 = arith.truncf %get3A_38 : vector<1024x128xf32> to vector<1024x128xbf16>
    %dot_general3A_40 = arith.constant dense<0.000000e+00> : vector<1024x128xf32>
    %dot_general3A_41 = tpu.matmul %convert_element_type3A_8, %convert_element_type3A_39, %dot_general3A_40 {dimension_numbers = #tpu.dot_dimension_numbers<[1], [0], [0], [1], [0, 0, 1, 1], [], []>, transpose_lhs_hint = false} : vector<1024x1024xbf16>, vector<1024x128xbf16>, vector<1024x128xf32> -> vector<1024x128xf32>
    %iota3A_42 = tpu.iota {dimensions = array<i32: 1>} : vector<1024x32xi32>
    %iota3A_43 = tpu.iota {dimensions = array<i32: 0>} : vector<1024x32xi32>
    %jit3A = arith.constant 32 : i32
    %div3A = vector.broadcast %jit3A : i32 to vector<1024x32xi32>
    %div3A_44 = arith.divsi %iota3A_43, %div3A : vector<1024x32xi32>
    %sign3A = arith.constant 0 : i32
    %sign3A_45 = vector.broadcast %sign3A : i32 to vector<1024x32xi32>
    %sign3A_46 = arith.cmpi sgt, %iota3A_43, %sign3A_45 : vector<1024x32xi32>
    %sign3A_47 = arith.extui %sign3A_46 : vector<1024x32xi1> to vector<1024x32xi32>
    %sign3A_48 = arith.constant 0 : i32
    %sign3A_49 = vector.broadcast %sign3A_48 : i32 to vector<1024x32xi32>
    %sign3A_50 = arith.cmpi slt, %iota3A_43, %sign3A_49 : vector<1024x32xi32>
    %sign3A_51 = arith.extui %sign3A_50 : vector<1024x32xi1> to vector<1024x32xi32>
    %sign3A_52 = arith.subi %sign3A_47, %sign3A_51 : vector<1024x32xi32>
    %sign3A_53 = arith.constant 0 : i32
    %sign3A_54 = arith.cmpi sgt, %jit3A, %sign3A_53 : i32
    %sign3A_55 = arith.extui %sign3A_54 : i1 to i32
    %sign3A_56 = arith.constant 0 : i32
    %sign3A_57 = arith.cmpi slt, %jit3A, %sign3A_56 : i32
    %sign3A_58 = arith.extui %sign3A_57 : i1 to i32
    %sign3A_59 = arith.subi %sign3A_55, %sign3A_58 : i32
    %ne3A = vector.broadcast %sign3A_59 : i32 to vector<1024x32xi32>
    %ne3A_60 = arith.cmpi ne, %sign3A_52, %ne3A : vector<1024x32xi32>
    %rem3A = vector.broadcast %jit3A : i32 to vector<1024x32xi32>
    %rem3A_61 = arith.remsi %iota3A_43, %rem3A : vector<1024x32xi32>
    %ne3A_62 = arith.constant 0 : i32
    %ne3A_63 = vector.broadcast %ne3A_62 : i32 to vector<1024x32xi32>
    %ne3A_64 = arith.cmpi ne, %rem3A_61, %ne3A_63 : vector<1024x32xi32>
    %and3A = arith.andi %ne3A_60, %ne3A_64 : vector<1024x32xi1>
    %sub3A = arith.constant 1 : i32
    %sub3A_65 = vector.broadcast %sub3A : i32 to vector<1024x32xi32>
    %sub3A_66 = arith.subi %div3A_44, %sub3A_65 : vector<1024x32xi32>
    %select_n3A = arith.select %and3A, %sub3A_66, %div3A_44 : vector<1024x32xi1>, vector<1024x32xi32>
    %eq3A_67 = arith.cmpi eq, %iota3A_42, %select_n3A : vector<1024x32xi32>
    %convert_element_type3A_68 = arith.extui %eq3A_67 : vector<1024x32xi1> to vector<1024x32xi32>
    %convert_element_type3A_69 = arith.sitofp %convert_element_type3A_68 : vector<1024x32xi32> to vector<1024x32xf32>
    %get3A_70 = arith.constant 0 : index
    %get3A_71 = arith.constant 0 : index
    %get3A_72 = vector.load %arg10[%get3A_70, %get3A_71] : memref<32x256xf32, #tpu.memory_space<vmem>>, vector<32x256xf32>
    %dot_general3A_73 = arith.constant dense<0.000000e+00> : vector<1024x256xf32>
    %dot_general3A_74 = tpu.matmul %convert_element_type3A_69, %get3A_72, %dot_general3A_73 {dimension_numbers = #tpu.dot_dimension_numbers<[1], [0], [0], [1], [0, 0, 1, 1], [], []>, transpose_lhs_hint = false} : vector<1024x32xf32>, vector<32x256xf32>, vector<1024x256xf32> -> vector<1024x256xf32>
    %get3A_75 = arith.constant 0 : index
    %get3A_76 = arith.constant 0 : index
    %get3A_77 = vector.load %arg11[%get3A_75, %get3A_76] : memref<32x3xf32, #tpu.memory_space<vmem>>, vector<32x3xf32>
    %dot_general3A_78 = arith.constant dense<0.000000e+00> : vector<1024x3xf32>
    %dot_general3A_79 = tpu.matmul %convert_element_type3A_69, %get3A_77, %dot_general3A_78 {dimension_numbers = #tpu.dot_dimension_numbers<[1], [0], [0], [1], [0, 0, 1, 1], [], []>, precision = #tpu.contract_precision<fp32>, transpose_lhs_hint = false} : vector<1024x32xf32>, vector<32x3xf32>, vector<1024x3xf32> -> vector<1024x3xf32>
    %get3A_80 = arith.constant 0 : index
    %get3A_81 = arith.constant 0 : index
    %get3A_82 = vector.load %arg12[%get3A_80, %get3A_81] : memref<32x3xf32, #tpu.memory_space<vmem>>, vector<32x3xf32>
    %dot_general3A_83 = arith.constant dense<0.000000e+00> : vector<1024x3xf32>
    %dot_general3A_84 = tpu.matmul %convert_element_type3A_69, %get3A_82, %dot_general3A_83 {dimension_numbers = #tpu.dot_dimension_numbers<[1], [0], [0], [1], [0, 0, 1, 1], [], []>, precision = #tpu.contract_precision<fp32>, transpose_lhs_hint = false} : vector<1024x32xf32>, vector<32x3xf32>, vector<1024x3xf32> -> vector<1024x3xf32>
    %sub3A_85 = arith.subf %dot_general3A_79, %dot_general3A_18 : vector<1024x3xf32>
    %mul3A = arith.mulf %sub3A_85, %sub3A_85 : vector<1024x3xf32>
    %reduce_sum3A = arith.constant dense<0.000000e+00> : vector<1024xf32>
    %reduce_sum3A_86 = vector.multi_reduction <add>, %mul3A, %reduce_sum3A [1] : vector<1024x3xf32> to vector<1024xf32>
    %broadcast_in_dim3A = vector.shape_cast %reduce_sum3A_86 : vector<1024xf32> to vector<1024x1xf32>
    %jit3A_87 = arith.constant 9.99999997E-7 : f32
    %max3A = vector.broadcast %jit3A_87 : f32 to vector<1024x1xf32>
    %max3A_88 = arith.maximumf %max3A, %broadcast_in_dim3A : vector<1024x1xf32>
    %sqrt3A = math.sqrt %max3A_88 : vector<1024x1xf32>
    %mul3A_89 = arith.mulf %dot_general3A_84, %dot_general3A_23 : vector<1024x3xf32>
    %reduce_sum3A_90 = arith.constant dense<0.000000e+00> : vector<1024xf32>
    %reduce_sum3A_91 = vector.multi_reduction <add>, %mul3A_89, %reduce_sum3A_90 [1] : vector<1024x3xf32> to vector<1024xf32>
    %broadcast_in_dim3A_92 = vector.shape_cast %reduce_sum3A_91 : vector<1024xf32> to vector<1024x1xf32>
    %add3A = arith.constant 1.000000e+00 : f32
    %add3A_93 = vector.broadcast %add3A : f32 to vector<1024x1xf32>
    %add3A_94 = arith.addf %add3A_93, %sqrt3A : vector<1024x1xf32>
    %div3A_95 = vector.broadcast %add3A_94 : vector<1024x1xf32> to vector<1024x3xf32>
    %div3A_96 = arith.divf %sub3A_85, %div3A_95 : vector<1024x3xf32>
    %get3A_97 = arith.constant 0 : index
    %get3A_98 = arith.constant 0 : index
    %get3A_99 = vector.load %arg3[%get3A_97, %get3A_98] : memref<1024x16xf32, #tpu.memory_space<vmem>>, vector<1024x16xf32>
    %get3A_100 = arith.constant 0 : index
    %get3A_101 = arith.constant 0 : index
    %get3A_102 = vector.load %arg13[%get3A_100, %get3A_101] : memref<16x256xf32, #tpu.memory_space<vmem>>, vector<16x256xf32>
    %dot_general3A_103 = arith.constant dense<0.000000e+00> : vector<1024x256xf32>
    %dot_general3A_104 = tpu.matmul %get3A_99, %get3A_102, %dot_general3A_103 {dimension_numbers = #tpu.dot_dimension_numbers<[1], [0], [0], [1], [0, 0, 1, 1], [], []>, transpose_lhs_hint = false} : vector<1024x16xf32>, vector<16x256xf32>, vector<1024x256xf32> -> vector<1024x256xf32>
    %get3A_105 = arith.constant 0 : index
    %get3A_106 = arith.constant 0 : index
    %get3A_107 = vector.load %arg14[%get3A_105, %get3A_106] : memref<2x256xf32, #tpu.memory_space<vmem>>, vector<1x256xf32>
    %get3A_108 = arith.constant 1 : index
    %get3A_109 = arith.constant 0 : index
    %get3A_110 = vector.load %arg14[%get3A_108, %get3A_109] : memref<2x256xf32, #tpu.memory_space<vmem>>, vector<1x256xf32>
    %add3A_111 = arith.addf %dot_general3A_13, %dot_general3A_74 : vector<1024x256xf32>
    %add3A_112 = arith.addf %add3A_111, %dot_general3A_104 : vector<1024x256xf32>
    %mul3A_113 = vector.broadcast %sqrt3A : vector<1024x1xf32> to vector<1024x256xf32>
    %mul3A_114 = vector.broadcast %get3A_107 : vector<1x256xf32> to vector<1024x256xf32>
    %mul3A_115 = arith.mulf %mul3A_113, %mul3A_114 : vector<1024x256xf32>
    %add3A_116 = arith.addf %add3A_112, %mul3A_115 : vector<1024x256xf32>
    %mul3A_117 = vector.broadcast %broadcast_in_dim3A_92 : vector<1024x1xf32> to vector<1024x256xf32>
    %mul3A_118 = vector.broadcast %get3A_110 : vector<1x256xf32> to vector<1024x256xf32>
    %mul3A_119 = arith.mulf %mul3A_117, %mul3A_118 : vector<1024x256xf32>
    %add3A_120 = arith.addf %add3A_116, %mul3A_119 : vector<1024x256xf32>
    %logistic3A = arith.negf %add3A_120 : vector<1024x256xf32>
    %logistic3A_121 = math.exp %logistic3A : vector<1024x256xf32>
    %logistic3A_122 = arith.constant 1.000000e+00 : f32
    %logistic3A_123 = vector.broadcast %logistic3A_122 : f32 to vector<1024x256xf32>
    %logistic3A_124 = arith.addf %logistic3A_123, %logistic3A_121 : vector<1024x256xf32>
    %logistic3A_125 = arith.divf %logistic3A_123, %logistic3A_124 : vector<1024x256xf32>
    %mul3A_126 = arith.mulf %add3A_120, %logistic3A_125 : vector<1024x256xf32>
    %get3A_127 = arith.constant 0 : index
    %get3A_128 = arith.constant 0 : index
    %get3A_129 = vector.load %arg15[%get3A_127, %get3A_128] : memref<256x512xf32, #tpu.memory_space<vmem>>, vector<256x512xf32>
    %dot_general3A_130 = arith.constant dense<0.000000e+00> : vector<1024x512xf32>
    %dot_general3A_131 = tpu.matmul %mul3A_126, %get3A_129, %dot_general3A_130 {dimension_numbers = #tpu.dot_dimension_numbers<[1], [0], [0], [1], [0, 0, 1, 1], [], []>, transpose_lhs_hint = false} : vector<1024x256xf32>, vector<256x512xf32>, vector<1024x512xf32> -> vector<1024x512xf32>
    %get3A_132 = arith.constant 0 : index
    %get3A_133 = arith.constant 0 : index
    %get3A_134 = vector.load %arg16[%get3A_132, %get3A_133] : memref<1x512xf32, #tpu.memory_space<vmem>>, vector<1x512xf32>
    %add3A_135 = vector.broadcast %get3A_134 : vector<1x512xf32> to vector<1024x512xf32>
    %add3A_136 = arith.addf %dot_general3A_131, %add3A_135 : vector<1024x512xf32>
    %slice3A = vector.extract_strided_slice %add3A_136 {offsets = [0, 0], sizes = [1024, 256], strides = [1, 1]} : vector<1024x512xf32> to vector<1024x256xf32>
    %slice3A_137 = vector.extract_strided_slice %add3A_136 {offsets = [0, 256], sizes = [1024, 128], strides = [1, 1]} : vector<1024x512xf32> to vector<1024x128xf32>
    %slice3A_138 = vector.extract_strided_slice %add3A_136 {offsets = [0, 384], sizes = [1024, 128], strides = [1, 1]} : vector<1024x512xf32> to vector<1024x128xf32>
    %get3A_139 = arith.constant 0 : index
    %get3A_140 = arith.constant 0 : index
    %get3A_141 = vector.load %arg17[%get3A_139, %get3A_140] : memref<256x1xf32, #tpu.memory_space<vmem>>, vector<256x1xf32>
    %dot_general3A_142 = arith.constant dense<0.000000e+00> : vector<1024x1xf32>
    %dot_general3A_143 = tpu.matmul %mul3A_126, %get3A_141, %dot_general3A_142 {dimension_numbers = #tpu.dot_dimension_numbers<[1], [0], [0], [1], [0, 0, 1, 1], [], []>, transpose_lhs_hint = false} : vector<1024x256xf32>, vector<256x1xf32>, vector<1024x1xf32> -> vector<1024x1xf32>
    %get3A_144 = arith.constant 0 : index
    %get3A_145 = arith.constant 0 : index
    %get3A_146 = vector.load %arg18[%get3A_144, %get3A_145] : memref<1x1xf32, #tpu.memory_space<vmem>>, vector<1x1xf32>
    %add3A_147 = vector.broadcast %get3A_146 : vector<1x1xf32> to vector<1024x1xf32>
    %add3A_148 = arith.addf %dot_general3A_143, %add3A_147 : vector<1024x1xf32>
    %min3A = arith.constant 5.000000e+00 : f32
    %min3A_149 = vector.broadcast %min3A : f32 to vector<1024x1xf32>
    %min3A_150 = arith.minimumf %sqrt3A, %min3A_149 : vector<1024x1xf32>
    %mul3A_151 = arith.constant 3.14159274 : f32
    %mul3A_152 = vector.broadcast %mul3A_151 : f32 to vector<1024x1xf32>
    %mul3A_153 = arith.mulf %mul3A_152, %min3A_150 : vector<1024x1xf32>
    %div3A_154 = arith.constant 5.000000e+00 : f32
    %div3A_155 = vector.broadcast %div3A_154 : f32 to vector<1024x1xf32>
    %div3A_156 = arith.divf %mul3A_153, %div3A_155 : vector<1024x1xf32>
    %cos3A = math.cos %div3A_156 : vector<1024x1xf32>
    %add3A_157 = arith.constant 1.000000e+00 : f32
    %add3A_158 = vector.broadcast %add3A_157 : f32 to vector<1024x1xf32>
    %add3A_159 = arith.addf %cos3A, %add3A_158 : vector<1024x1xf32>
    %mul3A_160 = arith.constant 5.000000e-01 : f32
    %mul3A_161 = vector.broadcast %mul3A_160 : f32 to vector<1024x1xf32>
    %mul3A_162 = arith.mulf %mul3A_161, %add3A_159 : vector<1024x1xf32>
    %lt3A = arith.constant 5.000000e+00 : f32
    %lt3A_163 = vector.broadcast %lt3A : f32 to vector<1024x1xf32>
    %lt3A_164 = arith.cmpf olt, %sqrt3A, %lt3A_163 : vector<1024x1xf32>
    %convert_element_type3A_165 = arith.extui %lt3A_164 : vector<1024x1xi1> to vector<1024x1xi32>
    %convert_element_type3A_166 = arith.sitofp %convert_element_type3A_165 : vector<1024x1xi32> to vector<1024x1xf32>
    %mul3A_167 = arith.mulf %mul3A_162, %convert_element_type3A_166 : vector<1024x1xf32>
    %get3A_168 = arith.constant 0 : index
    %get3A_169 = arith.constant 0 : index
    %get3A_170 = vector.load %arg2[%get3A_168, %get3A_169] : memref<1024x1xf32, #tpu.memory_space<vmem>>, vector<1024x1xf32>
    %mul3A_171 = arith.mulf %mul3A_167, %get3A_170 : vector<1024x1xf32>
    %iota3A_172 = tpu.iota {dimensions = array<i32: 1>} : vector<1x3xi32>
    %eq3A_173 = arith.constant 0 : i32
    %eq3A_174 = vector.broadcast %eq3A_173 : i32 to vector<1x3xi32>
    %eq3A_175 = arith.cmpi eq, %iota3A_172, %eq3A_174 : vector<1x3xi32>
    %convert_element_type3A_176 = arith.extui %eq3A_175 : vector<1x3xi1> to vector<1x3xi32>
    %convert_element_type3A_177 = arith.sitofp %convert_element_type3A_176 : vector<1x3xi32> to vector<1x3xf32>
    %mul3A_178 = vector.broadcast %convert_element_type3A_177 : vector<1x3xf32> to vector<1024x3xf32>
    %mul3A_179 = arith.mulf %div3A_96, %mul3A_178 : vector<1024x3xf32>
    %reduce_sum3A_180 = arith.constant dense<0.000000e+00> : vector<1024xf32>
    %reduce_sum3A_181 = vector.multi_reduction <add>, %mul3A_179, %reduce_sum3A_180 [1] : vector<1024x3xf32> to vector<1024xf32>
    %broadcast_in_dim3A_182 = vector.shape_cast %reduce_sum3A_181 : vector<1024xf32> to vector<1024x1xf32>
    %mul3A_183 = vector.broadcast %broadcast_in_dim3A_182 : vector<1024x1xf32> to vector<1024x128xf32>
    %mul3A_184 = arith.mulf %slice3A_138, %mul3A_183 : vector<1024x128xf32>
    %mul3A_185 = arith.mulf %slice3A_137, %dot_general3A_29 : vector<1024x128xf32>
    %add3A_186 = arith.addf %mul3A_184, %mul3A_185 : vector<1024x128xf32>
    %iota3A_187 = tpu.iota {dimensions = array<i32: 1>} : vector<1x3xi32>
    %eq3A_188 = arith.constant 1 : i32
    %eq3A_189 = vector.broadcast %eq3A_188 : i32 to vector<1x3xi32>
    %eq3A_190 = arith.cmpi eq, %iota3A_187, %eq3A_189 : vector<1x3xi32>
    %convert_element_type3A_191 = arith.extui %eq3A_190 : vector<1x3xi1> to vector<1x3xi32>
    %convert_element_type3A_192 = arith.sitofp %convert_element_type3A_191 : vector<1x3xi32> to vector<1x3xf32>
    %mul3A_193 = vector.broadcast %convert_element_type3A_192 : vector<1x3xf32> to vector<1024x3xf32>
    %mul3A_194 = arith.mulf %div3A_96, %mul3A_193 : vector<1024x3xf32>
    %reduce_sum3A_195 = arith.constant dense<0.000000e+00> : vector<1024xf32>
    %reduce_sum3A_196 = vector.multi_reduction <add>, %mul3A_194, %reduce_sum3A_195 [1] : vector<1024x3xf32> to vector<1024xf32>
    %broadcast_in_dim3A_197 = vector.shape_cast %reduce_sum3A_196 : vector<1024xf32> to vector<1024x1xf32>
    %mul3A_198 = vector.broadcast %broadcast_in_dim3A_197 : vector<1024x1xf32> to vector<1024x128xf32>
    %mul3A_199 = arith.mulf %slice3A_138, %mul3A_198 : vector<1024x128xf32>
    %mul3A_200 = arith.mulf %slice3A_137, %dot_general3A_35 : vector<1024x128xf32>
    %add3A_201 = arith.addf %mul3A_199, %mul3A_200 : vector<1024x128xf32>
    %iota3A_202 = tpu.iota {dimensions = array<i32: 1>} : vector<1x3xi32>
    %eq3A_203 = arith.constant 2 : i32
    %eq3A_204 = vector.broadcast %eq3A_203 : i32 to vector<1x3xi32>
    %eq3A_205 = arith.cmpi eq, %iota3A_202, %eq3A_204 : vector<1x3xi32>
    %convert_element_type3A_206 = arith.extui %eq3A_205 : vector<1x3xi1> to vector<1x3xi32>
    %convert_element_type3A_207 = arith.sitofp %convert_element_type3A_206 : vector<1x3xi32> to vector<1x3xf32>
    %mul3A_208 = vector.broadcast %convert_element_type3A_207 : vector<1x3xf32> to vector<1024x3xf32>
    %mul3A_209 = arith.mulf %div3A_96, %mul3A_208 : vector<1024x3xf32>
    %reduce_sum3A_210 = arith.constant dense<0.000000e+00> : vector<1024xf32>
    %reduce_sum3A_211 = vector.multi_reduction <add>, %mul3A_209, %reduce_sum3A_210 [1] : vector<1024x3xf32> to vector<1024xf32>
    %broadcast_in_dim3A_212 = vector.shape_cast %reduce_sum3A_211 : vector<1024xf32> to vector<1024x1xf32>
    %mul3A_213 = vector.broadcast %broadcast_in_dim3A_212 : vector<1024x1xf32> to vector<1024x128xf32>
    %mul3A_214 = arith.mulf %slice3A_138, %mul3A_213 : vector<1024x128xf32>
    %mul3A_215 = arith.mulf %slice3A_137, %dot_general3A_41 : vector<1024x128xf32>
    %add3A_216 = arith.addf %mul3A_214, %mul3A_215 : vector<1024x128xf32>
    %iota3A_217 = tpu.iota {dimensions = array<i32: 0>} : vector<32x1024xi32>
    %iota3A_218 = tpu.iota {dimensions = array<i32: 1>} : vector<32x1024xi32>
    %jit3A_219 = arith.constant 32 : i32
    %div3A_220 = vector.broadcast %jit3A_219 : i32 to vector<32x1024xi32>
    %div3A_221 = arith.divsi %iota3A_218, %div3A_220 : vector<32x1024xi32>
    %sign3A_222 = arith.constant 0 : i32
    %sign3A_223 = vector.broadcast %sign3A_222 : i32 to vector<32x1024xi32>
    %sign3A_224 = arith.cmpi sgt, %iota3A_218, %sign3A_223 : vector<32x1024xi32>
    %sign3A_225 = arith.extui %sign3A_224 : vector<32x1024xi1> to vector<32x1024xi32>
    %sign3A_226 = arith.constant 0 : i32
    %sign3A_227 = vector.broadcast %sign3A_226 : i32 to vector<32x1024xi32>
    %sign3A_228 = arith.cmpi slt, %iota3A_218, %sign3A_227 : vector<32x1024xi32>
    %sign3A_229 = arith.extui %sign3A_228 : vector<32x1024xi1> to vector<32x1024xi32>
    %sign3A_230 = arith.subi %sign3A_225, %sign3A_229 : vector<32x1024xi32>
    %sign3A_231 = arith.constant 0 : i32
    %sign3A_232 = arith.cmpi sgt, %jit3A_219, %sign3A_231 : i32
    %sign3A_233 = arith.extui %sign3A_232 : i1 to i32
    %sign3A_234 = arith.constant 0 : i32
    %sign3A_235 = arith.cmpi slt, %jit3A_219, %sign3A_234 : i32
    %sign3A_236 = arith.extui %sign3A_235 : i1 to i32
    %sign3A_237 = arith.subi %sign3A_233, %sign3A_236 : i32
    %ne3A_238 = vector.broadcast %sign3A_237 : i32 to vector<32x1024xi32>
    %ne3A_239 = arith.cmpi ne, %sign3A_230, %ne3A_238 : vector<32x1024xi32>
    %rem3A_240 = vector.broadcast %jit3A_219 : i32 to vector<32x1024xi32>
    %rem3A_241 = arith.remsi %iota3A_218, %rem3A_240 : vector<32x1024xi32>
    %ne3A_242 = arith.constant 0 : i32
    %ne3A_243 = vector.broadcast %ne3A_242 : i32 to vector<32x1024xi32>
    %ne3A_244 = arith.cmpi ne, %rem3A_241, %ne3A_243 : vector<32x1024xi32>
    %and3A_245 = arith.andi %ne3A_239, %ne3A_244 : vector<32x1024xi1>
    %sub3A_246 = arith.constant 1 : i32
    %sub3A_247 = vector.broadcast %sub3A_246 : i32 to vector<32x1024xi32>
    %sub3A_248 = arith.subi %div3A_221, %sub3A_247 : vector<32x1024xi32>
    %select_n3A_249 = arith.select %and3A_245, %sub3A_248, %div3A_221 : vector<32x1024xi1>, vector<32x1024xi32>
    %eq3A_250 = arith.cmpi eq, %iota3A_217, %select_n3A_249 : vector<32x1024xi32>
    %convert_element_type3A_251 = arith.extui %eq3A_250 : vector<32x1024xi1> to vector<32x1024xi32>
    %convert_element_type3A_252 = arith.sitofp %convert_element_type3A_251 : vector<32x1024xi32> to vector<32x1024xf32>
    %mul3A_253 = vector.broadcast %mul3A_171 : vector<1024x1xf32> to vector<1024x256xf32>
    %mul3A_254 = arith.mulf %slice3A, %mul3A_253 : vector<1024x256xf32>
    %dot_general3A_255 = arith.constant dense<0.000000e+00> : vector<32x256xf32>
    %dot_general3A_256 = tpu.matmul %convert_element_type3A_252, %mul3A_254, %dot_general3A_255 {dimension_numbers = #tpu.dot_dimension_numbers<[1], [0], [0], [1], [0, 0, 1, 1], [], []>, transpose_lhs_hint = false} : vector<32x1024xf32>, vector<1024x256xf32>, vector<32x256xf32> -> vector<32x256xf32>
    %dot_general3A_257 = arith.constant dense<0.000000e+00> : vector<32x1xf32>
    %dot_general3A_258 = tpu.matmul %convert_element_type3A_252, %mul3A_171, %dot_general3A_257 {dimension_numbers = #tpu.dot_dimension_numbers<[1], [0], [0], [1], [0, 0, 1, 1], [], []>, transpose_lhs_hint = false} : vector<32x1024xf32>, vector<1024x1xf32>, vector<32x1xf32> -> vector<32x1xf32>
    %add3A_259 = arith.constant 9.99999997E-7 : f32
    %add3A_260 = vector.broadcast %add3A_259 : f32 to vector<32x1xf32>
    %add3A_261 = arith.addf %dot_general3A_258, %add3A_260 : vector<32x1xf32>
    %swap3A = arith.constant 0 : index
    %swap3A_262 = arith.constant 0 : index
    %swap3A_263 = vector.load %arg19[%swap3A, %swap3A_262] : memref<32x256xf32, #tpu.memory_space<vmem>>, vector<32x256xf32>
    tpu.vector_store %arg19[%swap3A, %swap3A_262], %dot_general3A_256 {strides = array<i32>} : memref<32x256xf32, #tpu.memory_space<vmem>>, vector<32x256xf32>,
    %mul3A_264 = vector.broadcast %mul3A_171 : vector<1024x1xf32> to vector<1024x128xf32>
    %mul3A_265 = arith.mulf %add3A_186, %mul3A_264 : vector<1024x128xf32>
    %dot_general3A_266 = arith.constant dense<0.000000e+00> : vector<32x128xf32>
    %dot_general3A_267 = tpu.matmul %convert_element_type3A_252, %mul3A_265, %dot_general3A_266 {dimension_numbers = #tpu.dot_dimension_numbers<[1], [0], [0], [1], [0, 0, 1, 1], [], []>, transpose_lhs_hint = false} : vector<32x1024xf32>, vector<1024x128xf32>, vector<32x128xf32> -> vector<32x128xf32>
    %div3A_268 = vector.broadcast %add3A_261 : vector<32x1xf32> to vector<32x128xf32>
    %div3A_269 = arith.divf %dot_general3A_267, %div3A_268 : vector<32x128xf32>
    %swap3A_270 = arith.constant 0 : index
    %swap3A_271 = arith.constant 0 : index
    %swap3A_272 = vector.load %arg20[%swap3A_270, %swap3A_271] : memref<32x384xf32, #tpu.memory_space<vmem>>, vector<32x128xf32>
    tpu.vector_store %arg20[%swap3A_270, %swap3A_271], %div3A_269 {strides = array<i32>} : memref<32x384xf32, #tpu.memory_space<vmem>>, vector<32x128xf32>,
    %mul3A_273 = vector.broadcast %mul3A_171 : vector<1024x1xf32> to vector<1024x128xf32>
    %mul3A_274 = arith.mulf %add3A_201, %mul3A_273 : vector<1024x128xf32>
    %dot_general3A_275 = arith.constant dense<0.000000e+00> : vector<32x128xf32>
    %dot_general3A_276 = tpu.matmul %convert_element_type3A_252, %mul3A_274, %dot_general3A_275 {dimension_numbers = #tpu.dot_dimension_numbers<[1], [0], [0], [1], [0, 0, 1, 1], [], []>, transpose_lhs_hint = false} : vector<32x1024xf32>, vector<1024x128xf32>, vector<32x128xf32> -> vector<32x128xf32>
    %div3A_277 = vector.broadcast %add3A_261 : vector<32x1xf32> to vector<32x128xf32>
    %div3A_278 = arith.divf %dot_general3A_276, %div3A_277 : vector<32x128xf32>
    %swap3A_279 = arith.constant 0 : index
    %swap3A_280 = arith.constant 128 : index
    %swap3A_281 = vector.load %arg20[%swap3A_279, %swap3A_280] : memref<32x384xf32, #tpu.memory_space<vmem>>, vector<32x128xf32>
    tpu.vector_store %arg20[%swap3A_279, %swap3A_280], %div3A_278 {strides = array<i32>} : memref<32x384xf32, #tpu.memory_space<vmem>>, vector<32x128xf32>,
    %mul3A_282 = vector.broadcast %mul3A_171 : vector<1024x1xf32> to vector<1024x128xf32>
    %mul3A_283 = arith.mulf %add3A_216, %mul3A_282 : vector<1024x128xf32>
    %dot_general3A_284 = arith.constant dense<0.000000e+00> : vector<32x128xf32>
    %dot_general3A_285 = tpu.matmul %convert_element_type3A_252, %mul3A_283, %dot_general3A_284 {dimension_numbers = #tpu.dot_dimension_numbers<[1], [0], [0], [1], [0, 0, 1, 1], [], []>, transpose_lhs_hint = false} : vector<32x1024xf32>, vector<1024x128xf32>, vector<32x128xf32> -> vector<32x128xf32>
    %div3A_286 = vector.broadcast %add3A_261 : vector<32x1xf32> to vector<32x128xf32>
    %div3A_287 = arith.divf %dot_general3A_285, %div3A_286 : vector<32x128xf32>
    %swap3A_288 = arith.constant 0 : index
    %swap3A_289 = arith.constant 256 : index
    %swap3A_290 = vector.load %arg20[%swap3A_288, %swap3A_289] : memref<32x384xf32, #tpu.memory_space<vmem>>, vector<32x128xf32>
    tpu.vector_store %arg20[%swap3A_288, %swap3A_289], %div3A_287 {strides = array<i32>} : memref<32x384xf32, #tpu.memory_space<vmem>>, vector<32x128xf32>,
    %mul3A_291 = arith.mulf %add3A_148, %mul3A_171 : vector<1024x1xf32>
    %mul3A_292 = vector.broadcast %mul3A_291 : vector<1024x1xf32> to vector<1024x3xf32>
    %mul3A_293 = arith.mulf %div3A_96, %mul3A_292 : vector<1024x3xf32>
    %dot_general3A_294 = arith.constant dense<0.000000e+00> : vector<32x3xf32>
    %dot_general3A_295 = tpu.matmul %convert_element_type3A_252, %mul3A_293, %dot_general3A_294 {dimension_numbers = #tpu.dot_dimension_numbers<[1], [0], [0], [1], [0, 0, 1, 1], [], []>, transpose_lhs_hint = false} : vector<32x1024xf32>, vector<1024x3xf32>, vector<32x3xf32> -> vector<32x3xf32>
    %div3A_296 = vector.broadcast %add3A_261 : vector<32x1xf32> to vector<32x3xf32>
    %div3A_297 = arith.divf %dot_general3A_295, %div3A_296 : vector<32x3xf32>
    %swap3A_298 = arith.constant 0 : index
    %swap3A_299 = arith.constant 0 : index
    %swap3A_300 = vector.load %arg21[%swap3A_298, %swap3A_299] : memref<32x3xf32, #tpu.memory_space<vmem>>, vector<32x3xf32>
    tpu.vector_store %arg21[%swap3A_298, %swap3A_299], %div3A_297 {strides = array<i32>} : memref<32x3xf32, #tpu.memory_space<vmem>>, vector<32x3xf32>,
    return
  }
  func.func @transform_0(%arg0: i32) -> (i32, i32) {
    %c0_i32 = arith.constant 0 : i32
    %c0_i32_0 = arith.constant 0 : i32
    return %arg0, %c0_i32 : i32, i32
  }
  func.func @transform_1(%arg0: i32) -> (i32, i32) {
    %c0_i32 = arith.constant 0 : i32
    %c0_i32_0 = arith.constant 0 : i32
    return %arg0, %c0_i32 : i32, i32
  }
  func.func @transform_2(%arg0: i32) -> (i32, i32) {
    %c0_i32 = arith.constant 0 : i32
    %c0_i32_0 = arith.constant 0 : i32
    return %arg0, %c0_i32 : i32, i32
  }
  func.func @transform_3(%arg0: i32) -> (i32, i32) {
    %c0_i32 = arith.constant 0 : i32
    %c0_i32_0 = arith.constant 0 : i32
    %c0_i32_1 = arith.constant 0 : i32
    return %c0_i32, %c0_i32_0 : i32, i32
  }
  func.func @transform_4(%arg0: i32) -> (i32, i32) {
    %c0_i32 = arith.constant 0 : i32
    %c0_i32_0 = arith.constant 0 : i32
    %c0_i32_1 = arith.constant 0 : i32
    return %c0_i32, %c0_i32_0 : i32, i32
  }
  func.func @transform_5(%arg0: i32) -> (i32, i32) {
    %c0_i32 = arith.constant 0 : i32
    %c0_i32_0 = arith.constant 0 : i32
    %c0_i32_1 = arith.constant 0 : i32
    return %c0_i32, %c0_i32_0 : i32, i32
  }
  func.func @transform_6(%arg0: i32) -> (i32, i32) {
    %c0_i32 = arith.constant 0 : i32
    %c0_i32_0 = arith.constant 0 : i32
    %c0_i32_1 = arith.constant 0 : i32
    return %c0_i32, %c0_i32_0 : i32, i32
  }
  func.func @transform_7(%arg0: i32) -> (i32, i32) {
    %c0_i32 = arith.constant 0 : i32
    %c0_i32_0 = arith.constant 0 : i32
    %c0_i32_1 = arith.constant 0 : i32
    return %c0_i32, %c0_i32_0 : i32, i32
  }
  func.func @transform_8(%arg0: i32) -> (i32, i32) {
    %c0_i32 = arith.constant 0 : i32
    %c0_i32_0 = arith.constant 0 : i32
    %c0_i32_1 = arith.constant 0 : i32
    return %c0_i32, %c0_i32_0 : i32, i32
  }
  func.func @transform_9(%arg0: i32) -> (i32, i32) {
    %c0_i32 = arith.constant 0 : i32
    %c0_i32_0 = arith.constant 0 : i32
    return %arg0, %c0_i32 : i32, i32
  }
  func.func @transform_10(%arg0: i32) -> (i32, i32) {
    %c0_i32 = arith.constant 0 : i32
    %c0_i32_0 = arith.constant 0 : i32
    return %arg0, %c0_i32 : i32, i32
  }
  func.func @transform_11(%arg0: i32) -> (i32, i32) {
    %c0_i32 = arith.constant 0 : i32
    %c0_i32_0 = arith.constant 0 : i32
    return %arg0, %c0_i32 : i32, i32
  }
  func.func @transform_12(%arg0: i32) -> (i32, i32) {
    %c0_i32 = arith.constant 0 : i32
    %c0_i32_0 = arith.constant 0 : i32
    %c0_i32_1 = arith.constant 0 : i32
    return %c0_i32, %c0_i32_0 : i32, i32
  }
  func.func @transform_13(%arg0: i32) -> (i32, i32) {
    %c0_i32 = arith.constant 0 : i32
    %c0_i32_0 = arith.constant 0 : i32
    %c0_i32_1 = arith.constant 0 : i32
    return %c0_i32, %c0_i32_0 : i32, i32
  }
  func.func @transform_14(%arg0: i32) -> (i32, i32) {
    %c0_i32 = arith.constant 0 : i32
    %c0_i32_0 = arith.constant 0 : i32
    %c0_i32_1 = arith.constant 0 : i32
    return %c0_i32, %c0_i32_0 : i32, i32
  }
  func.func @transform_15(%arg0: i32) -> (i32, i32) {
    %c0_i32 = arith.constant 0 : i32
    %c0_i32_0 = arith.constant 0 : i32
    %c0_i32_1 = arith.constant 0 : i32
    return %c0_i32, %c0_i32_0 : i32, i32
  }
  func.func @transform_16(%arg0: i32) -> (i32, i32) {
    %c0_i32 = arith.constant 0 : i32
    %c0_i32_0 = arith.constant 0 : i32
    %c0_i32_1 = arith.constant 0 : i32
    return %c0_i32, %c0_i32_0 : i32, i32
  }
  func.func @transform_17(%arg0: i32) -> (i32, i32) {
    %c0_i32 = arith.constant 0 : i32
    %c0_i32_0 = arith.constant 0 : i32
    %c0_i32_1 = arith.constant 0 : i32
    return %c0_i32, %c0_i32_0 : i32, i32
  }
  func.func @transform_18(%arg0: i32) -> (i32, i32) {
    %c0_i32 = arith.constant 0 : i32
    %c0_i32_0 = arith.constant 0 : i32
    return %arg0, %c0_i32 : i32, i32
  }
  func.func @transform_19(%arg0: i32) -> (i32, i32) {
    %c0_i32 = arith.constant 0 : i32
    %c0_i32_0 = arith.constant 0 : i32
    return %arg0, %c0_i32 : i32, i32
  }
  func.func @transform_20(%arg0: i32) -> (i32, i32) {
    %c0_i32 = arith.constant 0 : i32
    %c0_i32_0 = arith.constant 0 : i32
    return %arg0, %c0_i32 : i32, i32
  }
}

</mosaic_0001>

<sc_bundles>
// kernel: gather_offload_async_start.1
scs
__scs_entry_jumppad:
0x0: {  	(pc) =	sbr.rel $0x88, $3  }
0x1: {  	(tag) =	ssettag $0x0;
	lr =	simm.s32 $0x1  }
0x2: {  	[smem:$0x3F61] =	sst lr;
	_ =	strace $0xD0000000  }
0x3: {  	_ = 	snop  }
0x4: {  	_ = 	snop  }
0x5: {  	_ = 	snop  }
0x6: {  	_ = 	snop  }
0x7: {  	_ = 	snop  }
__scs_overlays_trampoline_lowered:
0x8: {  	[smem:$0x3F70] =	sst s0  }
0x9: {  	[smem:$0x3F71] =	sst s1  }
0xa: {  	[smem:$0x3F72] =	sst s2  }
0xb: {  	[smem:$0x3F73] =	sst s3  }
0xc: {  	[smem:$0x3F74] =	sst s4  }
0xd: {  	[smem:$0x3F75] =	sst s5  }
0xe: {  	[smem:$0x3F76] =	sst s6  }
0xf: {  	[smem:$0x3F77] =	sst s7  }
0x10: {  	[smem:$0x3F78] =	sst s8  }
0x11: {  	[smem:$0x3F79] =	sst s9;
	s0 =	simm.s32 @!p0 $0x0  }
0x12: {  	s1 =	sld [smem:$0x3F5F];
	s0 =	simm.s32 @p0 $0x1  }
0x13: {  	[smem:$0x3F7A] =	sst s0;
	s0 =	simm.s32 @!p1 $0x0  }
0x14: {  	s2 =	sld [smem:$0x3F5E];
	s0 =	simm.s32 @p1 $0x1  }
0x15: {  	[smem:$0x3F7B] =	sst s0;
	s0 =	simm.s32 @!p2 $0x0  }
0x16: {  	s3 =	sld [smem:$0x3FDB];
	s0 =	simm.s32 @p2 $0x1  }
0x17: {  	s4 =	simm.s32 $0x1BF5;
	[smem:$0x3F7D] =	sst s0  }
0x18: {  	s0 =	sld [smem:$0x3F60];
	_ =	swait.ge [sflag:s4], $0x0  }
0x19: {  	s7 =	sld [smem:$0x3F61]  }
0x1a: {  	s8 =	sadd.s32 $0xFFFFE003, lr  }
0x1b: {  	s9 =	sadd.s32 $0xFFFFFEF7, lr;
	s5 =	simm.s32 $0xFFFFFFFF;
	p2 =	slt.u32 s8, $0xFFFFF086  }
0x1c: {  	p1 =	slt.u32 s9, $0xF7A;
	s5 =	simm.s32 @!p2 $0x0  }
0x1d: {  	s5 =	simm.s32 @p1 $0x1;
	p0 =	seq.s32 s7, s2  }
0x1e: {  	s7 =	smul.u32 @!p0 $0xF7A, s2;
	p2 =	seq.s32 @!p0 s5, $0x0  }
0x1f: {  	s9 =	smul.u32 $0xF7A, s1;
	s8 =	simm.s32 @!p0 $0x1BF5;
	p2 =	por !p2, p0  }
0x20: {  	[sflag:s8] =	ssyncset.s32 @!p0 $0xFFFFF086;
	s6 =	sadd.s32 @!p0 s3, s7;
	s7 =	simm.s32 @!p0 $0x108  }
0x21: {  	s3 =	sadd.s32 s3, s9;
	s6 =	sadd.s32 @!p0 $0x88, s6;
	s7 =	simm.s32 @p2 $0x1082  }
0x22: {  	[simem:s7], [sflag:s8] =	dma.local @!p0 [hbm:s6], $0xF7A  }
0x23: {  	s9 =	sor.u32 $0xD0000000, s2;
	s6 =	simm.s32 $0x108;
	_ =	swait.ge @!p0 [sflag:s8], $0x0  }
0x24: {  	s3 =	sadd.s32 $0x88, s3;
	s6 =	simm.s32 @!p1 $0x1082;
	[sflag:s4] =	ssyncset.s32 $0xFFFFF086  }
0x25: {  	[simem:s6], [sflag:s4] =	dma.local [hbm:s3], $0xF7A  }
0x26: {  	[smem:$0x3F61] =	sst s1;
	(tag) =	ssettag s2;
	_ =	strace s9  }
0x27: {  	s1 =	sld [smem:$0x3F71]  }
0x28: {  	s2 =	sld [smem:$0x3F72]  }
0x29: {  	s4 =	sld [smem:$0x3F74]  }
0x2a: {  	p0 =	seq.s32 s5, $0x0;
	s5 =	sld [smem:$0x3F75]  }
0x2b: {  	s6 =	sld [smem:$0x3F76]  }
0x2c: {  	s7 =	sld [smem:$0x3F77]  }
0x2d: {  	s3 =	simm.s32 $0x108;
	s8 =	sld [smem:$0x3F78]  }
0x2e: {  	s3 =	simm.s32 @!p0 $0x1082;
	s9 =	sld [smem:$0x3F79]  }
0x2f: {  	lr =	sadd.s32 s0, s3;
	s0 =	sld [smem:$0x3F70]  }
0x30: {  	s3 =	sld [smem:$0x3F73]  }
0x31: {  	[smem:$0x3F7C] =	sst s10  }
0x32: {  	s10 =	sld [smem:$0x3F7A];
	_ =	sdelay $0x3  }
0x33: {  	p0 =	seq.s32 s10, $0x1;
	s10 =	sld [smem:$0x3F7C];
	_ =	sdelay $0x3  }
0x34: {  	[smem:$0x3F7C] =	sst s10  }
0x35: {  	s10 =	sld [smem:$0x3F7B];
	_ =	sdelay $0x3  }
0x36: {  	p1 =	seq.s32 s10, $0x1;
	s10 =	sld [smem:$0x3F7C];
	_ =	sdelay $0x3  }
0x37: {  	[smem:$0x3F7C] =	sst s10  }
0x38: {  	s10 =	sld [smem:$0x3F7D]  }
0x39: {  	_ = 	snop;
	(pc) =	sbr.ind lr, $3  }
0x3a: {  	_ = 	snop  }
0x3b: {  	_ = 	snop  }
0x3c: {  	p2 =	seq.s32 s10, $0x1;
	s10 =	sld [smem:$0x3F7C]  }
0x3d: {  	_ =	shalt  }
0x3e: {  	_ =	shalt  }
0x3f: {  	_ =	shalt  }
0x40: {  	_ =	shalt  }
0x41: {  	_ =	shalt  }
0x42: {  	_ =	shalt  }
0x43: {  	_ =	shalt  }
0x44: {  	_ =	shalt  }
0x45: {  	_ =	shalt  }
0x46: {  	_ =	shalt  }
0x47: {  	_ =	shalt  }
0x48: {  	_ =	shalt  }
0x49: {  	_ =	shalt  }
0x4a: {  	_ =	shalt  }
0x4b: {  	_ =	shalt  }
0x4c: {  	_ =	shalt  }
0x4d: {  	_ =	shalt  }
0x4e: {  	_ =	shalt  }
0x4f: {  	_ =	shalt  }
0x50: {  	_ =	shalt  }
0x51: {  	_ =	shalt  }
0x52: {  	_ =	shalt  }
0x53: {  	_ =	shalt  }
0x54: {  	_ =	shalt  }
0x55: {  	_ =	shalt  }
0x56: {  	_ =	shalt  }
0x57: {  	_ =	shalt  }
0x58: {  	_ =	shalt  }
0x59: {  	_ =	shalt  }
0x5a: {  	_ =	shalt  }
0x5b: {  	_ =	shalt  }
0x5c: {  	_ =	shalt  }
0x5d: {  	_ =	shalt  }
0x5e: {  	_ =	shalt  }
0x5f: {  	_ =	shalt  }
0x60: {  	_ =	shalt  }
0x61: {  	_ =	shalt  }
0x62: {  	_ =	shalt  }
0x63: {  	_ =	shalt  }
0x64: {  	_ =	shalt  }
0x65: {  	_ =	shalt  }
0x66: {  	_ =	shalt  }
0x67: {  	_ =	shalt  }
0x68: {  	_ =	shalt  }
0x69: {  	_ =	shalt  }
0x6a: {  	_ =	shalt  }
0x6b: {  	_ =	shalt  }
0x6c: {  	_ =	shalt  }
0x6d: {  	_ =	shalt  }
0x6e: {  	_ =	shalt  }
0x6f: {  	_ =	shalt  }
0x70: {  	_ =	shalt  }
0x71: {  	_ =	shalt  }
0x72: {  	_ =	shalt  }
0x73: {  	_ =	shalt  }
0x74: {  	_ =	shalt  }
0x75: {  	_ =	shalt  }
0x76: {  	_ =	shalt  }
0x77: {  	_ =	shalt  }
0x78: {  	_ =	shalt  }
0x79: {  	_ =	shalt  }
0x7a: {  	_ =	shalt  }
0x7b: {  	_ =	shalt  }
0x7c: {  	_ =	shalt  }
0x7d: {  	_ =	shalt  }
0x7e: {  	_ =	shalt  }
0x7f: {  	_ =	shalt  }
0x80: {  	_ =	shalt  }
0x81: {  	_ =	shalt  }
0x82: {  	_ =	shalt  }
0x83: {  	_ =	shalt  }
0x84: {  	_ =	shalt  }
0x85: {  	_ =	shalt  }
0x86: {  	_ =	shalt  }
0x87: {  	_ =	shalt  }
.Lfunc_end0:
.L_simem_size_0:
called_computation.1_lowered:
.L_overlay_start_0:
0x88: {  	s2 =	sld [smem:$0x3FD9]  }
0x89: {  	s3 =	sld [smem:$0x3FFE];
	_ =	sdelay $0x1  }
0x8a: {  	s1 =	srdreg.scid  }
0x8b: {  	s0 =	sand.u32 $0x1, s1  }
0x8c: {  	s16 =	sshll.u32 s0, $0xA;
	s2 =	sadd.s32 s3, s2  }
0x8d: {  	s2 =	sadd.s32 s2, s16  }
0x8e: {  	[smem:$0x3F88] =	sst s2  }
0x8f: {  	_ = 	snop  }
0x90: {  	(tm) =	ssettm $0x1  }
0x91: {  	s17 =	sld [smem:$0x3FFB];
	_ =	sdelay $0x3  }
0x92: {  	_ =	strace s17  }
0x93: {  	s2 =	sld [smem:$0x3FFC];
	_ =	sdelay $0x3  }
0x94: {  	_ =	strace s2  }
0x95: {  	s2 =	sld [smem:$0x3FFD];
	_ =	sdelay $0x3  }
0x96: {  	_ =	strace s2  }
0x97: {  	_ =	strace $0x8FFFFFFF  }
0x98: {  	s18 =	sld [smem:$0x3FDB];
	_ =	sdelay $0x1  }
0x99: {  	s19 =	simm.s32 $_scs_section_size  }
0x9a: {  	s4 =	simm.s32 $_size__tile_overlayer_lowered;
	s5 =	simm.s32 $_tile_overlayer_lowered  }
0x9b: {  	s22 =	simm.s32 $0x1BFF;
	s21 =	sshll.u32 s5, $0x1;
	s2 =	sadd.s32 s19, s18  }
0x9c: {  	s6 =	simm.s32 $0x0;
	s20 =	sshll.u32 s4, $0x1;
	s4 =	sadd.s32 s21, s2  }
0x9d: {  	[timem:s6], [sflag:s22] =	dma.local [hbm:s4], s20  }
0x9e: {  	_ =	swait.ge [sflag:s22], s20  }
0x9f: {  	s3 =	ssub.s32 $0x0, s20;
	[sflag:s22] =	ssyncset.done $0x0  }
0xa0: {  	[sflag:s22] =	ssyncadd.s32 s3;
	_ =	sdelay $0x1  }
0xa1: {  	s23 =	simm.s32 $0x1B8B  }
0xa2: {  	_ =	swait.ge [sflag:s23], $0x1  }
0xa3: {  	[sflag:s23] =	ssyncset.done $0x0  }
0xa4: {  	s25 =	simm.s32 $0x1B8E;
	s24 =	sld [smem:$0x3FFE];
	[sflag:s23] =	ssyncadd.s32 $0xFFFFFFFF  }
0xa5: {  	s26 =	simm.s32 $execute0_lowered;
	[smem:$0x3FD2] =	sst s25  }
0xa6: {  	s4 =	sshll.u32 s26, $0x1;
	_ =	strace $0x80000049;
	[dreg:$0x1] =	wrdreg $0xFFFFFFFF  }
0xa7: {  	s28 =	simm.s32 $_size_execute0_lowered;
	s2 =	sadd.s32 s2, s4;
	[dreg:$0x0] =	wrdreg $0x0  }
0xa8: {  	s4 =	sshll.u32 s28, $0x1;
	[dreg:$0x2] =	wrdreg s2  }
0xa9: {  	[dreg:$0x3] =	wrdreg s4  }
0xaa: {  	[dreg:$0x4] =	wrdreg $0xC0  }
0xab: {  	_ =	task [dreg:s6], $0x5FFFF  }
0xac: {  	[dreg:$0x1] =	wrdreg $0xFFFFFFFF  }
0xad: {  	[dreg:$0x0] =	wrdreg $0x60  }
0xae: {  	[dreg:$0x2] =	wrdreg s24  }
0xaf: {  	[dreg:$0x3] =	wrdreg $0x9  }
0xb0: {  	_ =	task.clear_ibuf [dreg:s6], $0x4FFFF;
	_ =	strace $0x90000049  }
0xb1: {  	s29 =	simm.s32 $0x9;
	_ =	strace $0x8000004B  }
0xb2: {  	_ =	swait.ge [sflag:s29], $0x1  }
0xb3: {  	[sflag:s29] =	ssyncadd.s32 $0xFFFFFFFF  }
0xb4: {  	_ =	strace $0x9000004B  }
0xb5: {  	_ =	sfence  }
0xb6: {  	s30 =	sld [smem:$0x0];
	_ =	sdelay $0x2  }
0xb7: {  	s31 =	sshll.u32 s1, $0xD;
	s1 =	sshrl.u32 s1, $0x2  }
0xb8: {  	s3 =	sand.u32 $0x4000, s31;
	s1 =	sadd.s32 s1, s30  }
0xb9: {  	s0 =	sor.u32 s3, s0;
	s1 =	sshll.u32 s1, $0x11  }
0xba: {  	s0 =	sor.u32 s1, s0  }
0xbb: {  	s0 =	sadd.s32 $0x8F2B, s0  }
0xbc: {  	[sflag:s0] =	ssyncadd.remote.s32 $0x1  }
0xbd: {  	_ =	sfence.sel $0xFFFF  }
0xbe: {  	[dreg:$0x0] =	wrdreg $0xFFFFFFFF;
	(pc) =	sbr.abs _section_cstart, $3  }
0xbf: {  	[dreg:$0x1] =	wrdreg $0xFFFFFFFF  }
0xc0: {  	_ =	task.clear_ibuf [dreg:s6], $0x2FFFF;
	_ =	strace $0x9FFFFFFF  }
0xc1: {  	(tm) =	ssettm $0x7FFFFFFF  }
tec
execute0_lowered:
.L_overlay_start_1:
0x0: {  	(tag) =	ssettag $0x1  }
0x1: {  	s7 =	rddreg [dreg:$0x0]  }
0x2: {  	s0 =	rddreg [dreg:$0x1];
	_ =	strace $0x8000004A  }
0x3: {  	s1 =	srdreg.scid;
	s4 =	simm.s32 $0x1;
	s9 =	simm.s32 $0x3  }
0x4: {  	s11 =	simm.s32 $0x0;
	p0 =	por $0x0, $0x0;
	s5 =	sshll.u32 s1, $0x4  }
.Ltmp0:
0x5: {  	s1 =	stileid.u32;
	s5 =	sand.u32 $0x10, s5;
	(pc) =	sbr.rel .LBB2_1-.Ltmp0, $4  }
0x6: {  	s2 =	sadd.s32 $0x193A00, s7;
	s3 =	sadd.s32 $0x229C00, s7;
	s6 =	sor.u32 s1, s5  }
0x7: {  	[sflag:s4] =	ssyncpa.u1 $0x0;
	s5 =	simm.s32 $0x2;
	s6 =	sshll.u32 s6, $0xA  }
0x8: {  	s7 =	sadd.s32 $0x26BA00, s7;
	[sflag:s5] =	ssyncpa.u1 $0x0;
	s8 =	sadd.s32 $0x400, s6  }
0x9: {  	vm0 =	vmmov $0xff;
	vm1 =	vcmask $0x3F20;
	[sflag:s9] =	ssyncpa.u1 $0x0;
	s10 =	smov.u32 s6;
	s9 =	simm.s32 $0x0  }
.LBB2_7:
0xa: {  	p1 =	slt.u32 s9, $0x2;
	s11 =	sadd.s32 $0x100, s10  }
0xb: {  	s13 =	smov.u32 s6;
	s9 =	sadd.s32 $0x1, s9;
	p2 =	slt.s32 s11, s8  }
0xc: {  	s13 =	smov.u32 @p2 s11;
	p2 =	sne.s32 s9, $0x6  }
.Ltmp1:
0xd: {  	_ = 	snop;
	(pc) =	sbr.rel @!p2 .LBB2_8-.Ltmp1, $4  }
0xe: {  	s12 =	simm.s32 @!p1 $0x3  }
0xf: {  	_ =	swait.ge @!p1 [sflag:s12], $0x8000  }
0x10: {  	p0 =	por !p0, !p0;
	[sflag:s12] =	ssyncset.done @!p1 $0x0  }
0x11: {  	s11 =	smov.u32 s10;
	s10 =	smov.u32 s13;
	[sflag:s12] =	ssyncadd.s32 @!p1 $0xFFFF8000  }
.LBB2_1:
0x12: {  	p1 =	sgt.u32 s9, $0x3  }
0x13: {  	s12 =	sxor.u32 @!p1 $0xFFFFFFFF, s9  }
0x14: {  	s13 =	sshrl.u32 @!p1 s10, $0x3;
	s12 =	sshll.u32 @!p1 s12, $0x8  }
0x15: {  	s14 =	sand.u32 @!p1 $0x7, s10;
	s13 =	sadd.s32 @!p1 s3, s13;
	s12 =	sand.u32 @!p1 $0x100, s12  }
0x16: {  	[tilespmem:s12], [sflag:$0x2] =	stream.linear.gather @!p1 [hbm4b:s13+s14], $0x100, $0x38;
	[tilespmem:$0x10200] =	vst v63  }
0x17: {  	p1 =	seq.s32 s9, $0x0  }
0x18: {  	p2 =	seq.s32 @!p1 s9, $0x5  }
0x19: {  	p1 =	por p1, p2  }
.Ltmp2:
0x1a: {  	_ = 	snop;
	(pc) =	sbr.rel @p1 .LBB2_7-.Ltmp2, $1  }
0x1b: {  	_ =	sdelay $0x3  }
0x1c: {  	s12 =	simm.s32 $0x1  }
0x1d: {  	_ =	swait.ge [sflag:s5], $0x100;
	s12 =	simm.s32 @!p0 $0x0  }
0x1e: {  	[sflag:s5] =	ssyncset.done $0x0;
	s14 =	sshll.u32 s12, $0x8  }
0x1f: {  	[sflag:s5] =	ssyncadd.s32 $0xFFFFFF00;
	s13 =	sadd.s32 $0x0, s14  }
0x20: {  	v0 =	vld.msk [tilespmem:s13+$0x0 ss:$0x1], $0xffff;
	_ =	sdelay $0x4  }
0x21: {  	vm2 =	vgt.s32 v0, $0x0  }
0x22: {  	v0 =	vnsel vm2, $0x0, v0  }
0x23: {  	v0 =	vmin.u32 v0, $0x8007  }
0x24: {  	v0 =	vshll.u32 v0, $0x4;
	_ =	sdelay $0x2  }
0x25: {  	s12 =	sshll.u32 s12, $0xF  }
0x26: {  	s12 =	sor.u32 $0x200, s12  }
0x27: {  	[tilespmem:s12], [sflag:$0x1] =	stream.indirect_vreg.gather [hbm:s2], $0x80, v0, vm0, $0x38;
	[tilespmem:$0x10200] =	vst v63  }
0x28: {  	s15 =	sadd.s32 $0x10, s14;
	s13 =	sadd.s32 $0x400, s12  }
0x29: {  	[tilespmem:s13], [sflag:$0x1] =	stream.indirect_vreg.gather [hbm:s2], $0x80, v0, vm1, $0x38;
	[tilespmem:$0x10200] =	vst v63  }
0x2a: {  	s16 =	simm.s32 $0x80;
	v0 =	vld.msk [tilespmem:s15+$0x0 ss:$0x1], $0xffff;
	s15 =	smov.u32 s12  }
.LBB2_3:
0x2b: {  	p1 =	sne.s32 s16, $0x3C0;
	_ =	sdelay $0x4  }
0x2c: {  	vm2 =	vgt.s32 v0, $0x0  }
0x2d: {  	v0 =	vnsel vm2, $0x0, v0  }
0x2e: {  	v0 =	vmin.u32 v0, $0x8007  }
0x2f: {  	v0 =	vshll.u32 v0, $0x4;
	_ =	sdelay $0x3  }
.Ltmp3:
0x30: {  	s17 =	sshra.s32 s16, $0x2;
	s15 =	sadd.s32 $0x800, s15;
	(pc) =	sbr.rel @p1 .LBB2_3-.Ltmp3, $4  }
0x31: {  	[tilespmem:s15], [sflag:$0x1] =	stream.indirect_vreg.gather [hbm:s2], $0x80, v0, vm0, $0x38;
	[tilespmem:$0x10200] =	vst v63  }
0x32: {  	s17 =	sadd.s32 s17, s14;
	s18 =	sadd.s32 $0x400, s15  }
0x33: {  	[tilespmem:s18], [sflag:$0x1] =	stream.indirect_vreg.gather [hbm:s2], $0x80, v0, vm1, $0x38;
	[tilespmem:$0x10200] =	vst v63  }
0x34: {  	s16 =	sadd.s32 $0x40, s16;
	v0 =	vld.msk [tilespmem:s17+$0x0 ss:$0x1], $0xffff  }
0x35: {  	_ =	sdelay $0x3  }
0x36: {  	vm2 =	vgt.s32 v0, $0x0  }
0x37: {  	v0 =	vnsel vm2, $0x0, v0  }
0x38: {  	v0 =	vmin.u32 v0, $0x8007  }
0x39: {  	v0 =	vshll.u32 v0, $0x4;
	_ =	sdelay $0x3  }
0x3a: {  	s14 =	sadd.s32 $0x800, s15  }
0x3b: {  	[tilespmem:s14], [sflag:$0x1] =	stream.indirect_vreg.gather [hbm:s2], $0x80, v0, vm0, $0x38;
	[tilespmem:$0x10200] =	vst v63  }
0x3c: {  	s14 =	sadd.s32 $0x400, s14  }
0x3d: {  	[tilespmem:s14], [sflag:$0x1] =	stream.indirect_vreg.gather [hbm:s2], $0x80, v0, vm1, $0x38;
	[tilespmem:$0x10200] =	vst v63  }
0x3e: {  	s11 =	sshll.u32 s11, $0x4;
	_ =	swait.ge [sflag:s4], $0x8000  }
0x3f: {  	s11 =	sadd.s32 s11, s7;
	[sflag:s4] =	ssyncset.done $0x0  }
0x40: {  	s15 =	sadd.s32 $0x0, s11;
	s14 =	simm.s32 $0x80;
	[sflag:s4] =	ssyncadd.s32 $0xFFFF8000  }
.LBB2_5:
0x41: {  	[hbm:s15] =	stream.linear.scatter [tilespmem:s12], [sflag:$0x3], $0x400, $0x38;
	[tilespmem:$0x10200] =	vst v63  }
0x42: {  	s15 =	smov.u32 s14;
	s12 =	smov.u32 s13;
	p1 =	sne.s32 s14, $0xF80  }
.Ltmp4:
0x43: {  	s14 =	sadd.s32 $0x80, s14;
	(pc) =	sbr.rel @p1 .LBB2_5-.Ltmp4, $2  }
0x44: {  	_ =	sdelay $0x2  }
0x45: {  	s13 =	sadd.s32 $0x400, s13;
	s15 =	sadd.s32 s15, s11  }
.Ltmp5:
0x46: {  	(pc) =	sbr.rel .LBB2_7-.Ltmp5, $2  }
0x47: {  	_ =	sdelay $0x2  }
0x48: {  	[hbm:s15] =	stream.linear.scatter [tilespmem:s12], [sflag:$0x3], $0x400, $0x38;
	[tilespmem:$0x10200] =	vst v63  }
.LBB2_8:
0x49: {  	_ =	sfence.sel $0x180000  }
0x4a: {  	s2 =	simm.s32 $0x2;
	[bflag:$0x0] =	sbarrier.arrive $0xFFFF  }
0x4b: {  	s30 =	simm.s32 $0x3;
	[sflag:s2] =	ssyncpa.u1 $0x1  }
0x4c: {  	s31 =	simm.s32 $0x1;
	[sflag:s30] =	ssyncpa.u1 $0x1  }
0x4d: {  	[sflag:s31] =	ssyncpa.u1 $0x1  }
0x4e: {  	p0 =	sne.s32 s1, $0x0;
	_ =	strace $0x9000004A  }
0x4f: {  	s0 =	sadd.s32 @!p0 $0x100000, s0;
	[bflag:$0x2] =	sbarrier.arrive $0xFFFF  }
0x50: {  	[sflag:s0] =	ssyncadd.tile.s32 @!p0 $0x1;
	_ =	shalt  }
.Lfunc_end2:
_tile_overlayer_lowered:
.L_overlay_start_2:
0x51: {  	(tag) =	ssettag $0x2  }
0x52: {  	s0 =	rddreg [dreg:$0x0];
	s2 =	stileid.u32  }
0x53: {  	s1 =	rddreg [dreg:$0x1];
	p0 =	sne.s32 s2, $0x0  }
0x54: {  	s3 =	rddreg [dreg:$0x2];
	[bflag:$0x3] =	sbarrier.arrive $0xFFFF;
	s2 =	simm.s32 @!p0 $0x1C01  }
0x55: {  	[timem:s3], [sflag:s2] =	dma.local @!p0 [hbm:s0], s1  }
0x56: {  	s0 =	simm.s32 @!p0 $0x1  }
0x57: {  	_ =	swait.ge @!p0 [sflag:s0], s1  }
0x58: {  	s1 =	ssub.s32 @!p0 $0x0, s1;
	[sflag:s0] =	ssyncset.done @!p0 $0x0  }
0x59: {  	[sflag:s0] =	ssyncadd.s32 @!p0 s1  }
0x5a: {  	[bflag:$0x3] =	sbarrier.arrive $0xFFFF  }
0x5b: {  	_ =	shalt  }

// kernel: gather_offload_async_start.2
scs
__scs_entry_jumppad:
0x0: {  	(pc) =	sbr.rel $0x88, $3  }
0x1: {  	(tag) =	ssettag $0x0;
	lr =	simm.s32 $0x1  }
0x2: {  	[smem:$0x3F61] =	sst lr;
	_ =	strace $0xD0000000  }
0x3: {  	_ = 	snop  }
0x4: {  	_ = 	snop  }
0x5: {  	_ = 	snop  }
0x6: {  	_ = 	snop  }
0x7: {  	_ = 	snop  }
__scs_overlays_trampoline_lowered:
0x8: {  	[smem:$0x3F70] =	sst s0  }
0x9: {  	[smem:$0x3F71] =	sst s1  }
0xa: {  	[smem:$0x3F72] =	sst s2  }
0xb: {  	[smem:$0x3F73] =	sst s3  }
0xc: {  	[smem:$0x3F74] =	sst s4  }
0xd: {  	[smem:$0x3F75] =	sst s5  }
0xe: {  	[smem:$0x3F76] =	sst s6  }
0xf: {  	[smem:$0x3F77] =	sst s7  }
0x10: {  	[smem:$0x3F78] =	sst s8  }
0x11: {  	[smem:$0x3F79] =	sst s9;
	s0 =	simm.s32 @!p0 $0x0  }
0x12: {  	s1 =	sld [smem:$0x3F5F];
	s0 =	simm.s32 @p0 $0x1  }
0x13: {  	[smem:$0x3F7A] =	sst s0;
	s0 =	simm.s32 @!p1 $0x0  }
0x14: {  	s2 =	sld [smem:$0x3F5E];
	s0 =	simm.s32 @p1 $0x1  }
0x15: {  	[smem:$0x3F7B] =	sst s0;
	s0 =	simm.s32 @!p2 $0x0  }
0x16: {  	s3 =	sld [smem:$0x3FDB];
	s0 =	simm.s32 @p2 $0x1  }
0x17: {  	s4 =	simm.s32 $0x1BF5;
	[smem:$0x3F7D] =	sst s0  }
0x18: {  	s0 =	sld [smem:$0x3F60];
	_ =	swait.ge [sflag:s4], $0x0  }
0x19: {  	s7 =	sld [smem:$0x3F61]  }
0x1a: {  	s8 =	sadd.s32 $0xFFFFE003, lr  }
0x1b: {  	s9 =	sadd.s32 $0xFFFFFEF7, lr;
	s5 =	simm.s32 $0xFFFFFFFF;
	p2 =	slt.u32 s8, $0xFFFFF086  }
0x1c: {  	p1 =	slt.u32 s9, $0xF7A;
	s5 =	simm.s32 @!p2 $0x0  }
0x1d: {  	s5 =	simm.s32 @p1 $0x1;
	p0 =	seq.s32 s7, s2  }
0x1e: {  	s7 =	smul.u32 @!p0 $0xF7A, s2;
	p2 =	seq.s32 @!p0 s5, $0x0  }
0x1f: {  	s9 =	smul.u32 $0xF7A, s1;
	s8 =	simm.s32 @!p0 $0x1BF5;
	p2 =	por !p2, p0  }
0x20: {  	[sflag:s8] =	ssyncset.s32 @!p0 $0xFFFFF086;
	s6 =	sadd.s32 @!p0 s3, s7;
	s7 =	simm.s32 @!p0 $0x108  }
0x21: {  	s3 =	sadd.s32 s3, s9;
	s6 =	sadd.s32 @!p0 $0x88, s6;
	s7 =	simm.s32 @p2 $0x1082  }
0x22: {  	[simem:s7], [sflag:s8] =	dma.local @!p0 [hbm:s6], $0xF7A  }
0x23: {  	s9 =	sor.u32 $0xD0000000, s2;
	s6 =	simm.s32 $0x108;
	_ =	swait.ge @!p0 [sflag:s8], $0x0  }
0x24: {  	s3 =	sadd.s32 $0x88, s3;
	s6 =	simm.s32 @!p1 $0x1082;
	[sflag:s4] =	ssyncset.s32 $0xFFFFF086  }
0x25: {  	[simem:s6], [sflag:s4] =	dma.local [hbm:s3], $0xF7A  }
0x26: {  	[smem:$0x3F61] =	sst s1;
	(tag) =	ssettag s2;
	_ =	strace s9  }
0x27: {  	s1 =	sld [smem:$0x3F71]  }
0x28: {  	s2 =	sld [smem:$0x3F72]  }
0x29: {  	s4 =	sld [smem:$0x3F74]  }
0x2a: {  	p0 =	seq.s32 s5, $0x0;
	s5 =	sld [smem:$0x3F75]  }
0x2b: {  	s6 =	sld [smem:$0x3F76]  }
0x2c: {  	s7 =	sld [smem:$0x3F77]  }
0x2d: {  	s3 =	simm.s32 $0x108;
	s8 =	sld [smem:$0x3F78]  }
0x2e: {  	s3 =	simm.s32 @!p0 $0x1082;
	s9 =	sld [smem:$0x3F79]  }
0x2f: {  	lr =	sadd.s32 s0, s3;
	s0 =	sld [smem:$0x3F70]  }
0x30: {  	s3 =	sld [smem:$0x3F73]  }
0x31: {  	[smem:$0x3F7C] =	sst s10  }
0x32: {  	s10 =	sld [smem:$0x3F7A];
	_ =	sdelay $0x3  }
0x33: {  	p0 =	seq.s32 s10, $0x1;
	s10 =	sld [smem:$0x3F7C];
	_ =	sdelay $0x3  }
0x34: {  	[smem:$0x3F7C] =	sst s10  }
0x35: {  	s10 =	sld [smem:$0x3F7B];
	_ =	sdelay $0x3  }
0x36: {  	p1 =	seq.s32 s10, $0x1;
	s10 =	sld [smem:$0x3F7C];
	_ =	sdelay $0x3  }
0x37: {  	[smem:$0x3F7C] =	sst s10  }
0x38: {  	s10 =	sld [smem:$0x3F7D]  }
0x39: {  	_ = 	snop;
	(pc) =	sbr.ind lr, $3  }
0x3a: {  	_ = 	snop  }
0x3b: {  	_ = 	snop  }
0x3c: {  	p2 =	seq.s32 s10, $0x1;
	s10 =	sld [smem:$0x3F7C]  }
0x3d: {  	_ =	shalt  }
0x3e: {  	_ =	shalt  }
0x3f: {  	_ =	shalt  }
0x40: {  	_ =	shalt  }
0x41: {  	_ =	shalt  }
0x42: {  	_ =	shalt  }
0x43: {  	_ =	shalt  }
0x44: {  	_ =	shalt  }
0x45: {  	_ =	shalt  }
0x46: {  	_ =	shalt  }
0x47: {  	_ =	shalt  }
0x48: {  	_ =	shalt  }
0x49: {  	_ =	shalt  }
0x4a: {  	_ =	shalt  }
0x4b: {  	_ =	shalt  }
0x4c: {  	_ =	shalt  }
0x4d: {  	_ =	shalt  }
0x4e: {  	_ =	shalt  }
0x4f: {  	_ =	shalt  }
0x50: {  	_ =	shalt  }
0x51: {  	_ =	shalt  }
0x52: {  	_ =	shalt  }
0x53: {  	_ =	shalt  }
0x54: {  	_ =	shalt  }
0x55: {  	_ =	shalt  }
0x56: {  	_ =	shalt  }
0x57: {  	_ =	shalt  }
0x58: {  	_ =	shalt  }
0x59: {  	_ =	shalt  }
0x5a: {  	_ =	shalt  }
0x5b: {  	_ =	shalt  }
0x5c: {  	_ =	shalt  }
0x5d: {  	_ =	shalt  }
0x5e: {  	_ =	shalt  }
0x5f: {  	_ =	shalt  }
0x60: {  	_ =	shalt  }
0x61: {  	_ =	shalt  }
0x62: {  	_ =	shalt  }
0x63: {  	_ =	shalt  }
0x64: {  	_ =	shalt  }
0x65: {  	_ =	shalt  }
0x66: {  	_ =	shalt  }
0x67: {  	_ =	shalt  }
0x68: {  	_ =	shalt  }
0x69: {  	_ =	shalt  }
0x6a: {  	_ =	shalt  }
0x6b: {  	_ =	shalt  }
0x6c: {  	_ =	shalt  }
0x6d: {  	_ =	shalt  }
0x6e: {  	_ =	shalt  }
0x6f: {  	_ =	shalt  }
0x70: {  	_ =	shalt  }
0x71: {  	_ =	shalt  }
0x72: {  	_ =	shalt  }
0x73: {  	_ =	shalt  }
0x74: {  	_ =	shalt  }
0x75: {  	_ =	shalt  }
0x76: {  	_ =	shalt  }
0x77: {  	_ =	shalt  }
0x78: {  	_ =	shalt  }
0x79: {  	_ =	shalt  }
0x7a: {  	_ =	shalt  }
0x7b: {  	_ =	shalt  }
0x7c: {  	_ =	shalt  }
0x7d: {  	_ =	shalt  }
0x7e: {  	_ =	shalt  }
0x7f: {  	_ =	shalt  }
0x80: {  	_ =	shalt  }
0x81: {  	_ =	shalt  }
0x82: {  	_ =	shalt  }
0x83: {  	_ =	shalt  }
0x84: {  	_ =	shalt  }
0x85: {  	_ =	shalt  }
0x86: {  	_ =	shalt  }
0x87: {  	_ =	shalt  }
.Lfunc_end0:
.L_simem_size_0:
called_computation.2_lowered:
.L_overlay_start_0:
0x88: {  	s2 =	sld [smem:$0x3FD9]  }
0x89: {  	s3 =	sld [smem:$0x3FFE];
	_ =	sdelay $0x1  }
0x8a: {  	s1 =	srdreg.scid  }
0x8b: {  	s0 =	sand.u32 $0x1, s1  }
0x8c: {  	s16 =	sshll.u32 s0, $0xA;
	s2 =	sadd.s32 s3, s2  }
0x8d: {  	s2 =	sadd.s32 s2, s16  }
0x8e: {  	[smem:$0x3F88] =	sst s2  }
0x8f: {  	_ = 	snop  }
0x90: {  	(tm) =	ssettm $0x1  }
0x91: {  	s17 =	sld [smem:$0x3FFB];
	_ =	sdelay $0x3  }
0x92: {  	_ =	strace s17  }
0x93: {  	s2 =	sld [smem:$0x3FFC];
	_ =	sdelay $0x3  }
0x94: {  	_ =	strace s2  }
0x95: {  	s2 =	sld [smem:$0x3FFD];
	_ =	sdelay $0x3  }
0x96: {  	_ =	strace s2  }
0x97: {  	_ =	strace $0x8FFFFFFF  }
0x98: {  	s18 =	sld [smem:$0x3FDB];
	_ =	sdelay $0x1  }
0x99: {  	s19 =	simm.s32 $_scs_section_size  }
0x9a: {  	s4 =	simm.s32 $_size__tile_overlayer_lowered;
	s5 =	simm.s32 $_tile_overlayer_lowered  }
0x9b: {  	s22 =	simm.s32 $0x1BFF;
	s21 =	sshll.u32 s5, $0x1;
	s2 =	sadd.s32 s19, s18  }
0x9c: {  	s6 =	simm.s32 $0x0;
	s20 =	sshll.u32 s4, $0x1;
	s4 =	sadd.s32 s21, s2  }
0x9d: {  	[timem:s6], [sflag:s22] =	dma.local [hbm:s4], s20  }
0x9e: {  	_ =	swait.ge [sflag:s22], s20  }
0x9f: {  	s3 =	ssub.s32 $0x0, s20;
	[sflag:s22] =	ssyncset.done $0x0  }
0xa0: {  	[sflag:s22] =	ssyncadd.s32 s3;
	_ =	sdelay $0x1  }
0xa1: {  	s23 =	simm.s32 $0x1B8B  }
0xa2: {  	_ =	swait.ge [sflag:s23], $0x1  }
0xa3: {  	[sflag:s23] =	ssyncset.done $0x0  }
0xa4: {  	s25 =	simm.s32 $0x1B8E;
	s24 =	sld [smem:$0x3FFE];
	[sflag:s23] =	ssyncadd.s32 $0xFFFFFFFF  }
0xa5: {  	s26 =	simm.s32 $execute0_lowered;
	[smem:$0x3FD2] =	sst s25  }
0xa6: {  	s4 =	sshll.u32 s26, $0x1;
	_ =	strace $0x8000004C;
	[dreg:$0x1] =	wrdreg $0xFFFFFFFF  }
0xa7: {  	s28 =	simm.s32 $_size_execute0_lowered;
	s2 =	sadd.s32 s2, s4;
	[dreg:$0x0] =	wrdreg $0x0  }
0xa8: {  	s4 =	sshll.u32 s28, $0x1;
	[dreg:$0x2] =	wrdreg s2  }
0xa9: {  	[dreg:$0x3] =	wrdreg s4  }
0xaa: {  	[dreg:$0x4] =	wrdreg $0xC0  }
0xab: {  	_ =	task [dreg:s6], $0x5FFFF  }
0xac: {  	[dreg:$0x1] =	wrdreg $0xFFFFFFFF  }
0xad: {  	[dreg:$0x0] =	wrdreg $0x60  }
0xae: {  	[dreg:$0x2] =	wrdreg s24  }
0xaf: {  	[dreg:$0x3] =	wrdreg $0x9  }
0xb0: {  	_ =	task.clear_ibuf [dreg:s6], $0x4FFFF;
	_ =	strace $0x9000004C  }
0xb1: {  	s29 =	simm.s32 $0x9;
	_ =	strace $0x8000004E  }
0xb2: {  	_ =	swait.ge [sflag:s29], $0x1  }
0xb3: {  	[sflag:s29] =	ssyncadd.s32 $0xFFFFFFFF  }
0xb4: {  	_ =	strace $0x9000004E  }
0xb5: {  	_ =	sfence  }
0xb6: {  	s30 =	sld [smem:$0x0];
	_ =	sdelay $0x2  }
0xb7: {  	s31 =	sshll.u32 s1, $0xD;
	s1 =	sshrl.u32 s1, $0x2  }
0xb8: {  	s3 =	sand.u32 $0x4000, s31;
	s1 =	sadd.s32 s1, s30  }
0xb9: {  	s0 =	sor.u32 s3, s0;
	s1 =	sshll.u32 s1, $0x11  }
0xba: {  	s0 =	sor.u32 s1, s0  }
0xbb: {  	s0 =	sadd.s32 $0x8F2B, s0  }
0xbc: {  	[sflag:s0] =	ssyncadd.remote.s32 $0x1  }
0xbd: {  	_ =	sfence.sel $0xFFFF  }
0xbe: {  	[dreg:$0x0] =	wrdreg $0xFFFFFFFF;
	(pc) =	sbr.abs _section_cstart, $3  }
0xbf: {  	[dreg:$0x1] =	wrdreg $0xFFFFFFFF  }
0xc0: {  	_ =	task.clear_ibuf [dreg:s6], $0x2FFFF;
	_ =	strace $0x9FFFFFFF  }
0xc1: {  	(tm) =	ssettm $0x7FFFFFFF  }
tec
execute0_lowered:
.L_overlay_start_1:
0x0: {  	(tag) =	ssettag $0x1  }
0x1: {  	s0 =	srdreg.scid;
	s5 =	rddreg [dreg:$0x0]  }
0x2: {  	s1 =	stileid.u32;
	s6 =	simm.s32 $0x1;
	s9 =	simm.s32 $0x1  }
0x3: {  	s10 =	simm.s32 $0x3;
	s13 =	simm.s32 $0x0;
	s2 =	sshll.u32 s0, $0x9  }
0x4: {  	s12 =	simm.s32 $0x0;
	s3 =	sshll.u32 s1, $0xA;
	s4 =	sand.u32 $0x200, s2  }
0x5: {  	s0 =	rddreg [dreg:$0x1];
	_ =	strace $0x8000004D;
	s3 =	sor.u32 s3, s4  }
0x6: {  	s2 =	sadd.s32 $0x24BA00, s5;
	[sflag:s6] =	ssyncpa.u1 $0x0;
	s8 =	ssub.s32 $0x8000, s3  }
.Ltmp0:
0x7: {  	s4 =	sadd.s32 $0x229C00, s5;
	s7 =	sand.u32 $0x3E00, s8;
	(pc) =	sbr.rel .LBB2_1-.Ltmp0, $4  }
0x8: {  	s5 =	sadd.s32 $0x22B600, s5;
	s11 =	smov.u32 s3;
	p0 =	sne.s32 s7, $0x0  }
0x9: {  	s8 =	sshrl.u32 s8, $0xE;
	s7 =	simm.s32 $0x2;
	s9 =	simm.s32 @!p0 $0x0  }
0xa: {  	[sflag:s7] =	ssyncpa.u1 $0x0;
	p0 =	por $0x0, $0x0;
	s8 =	sadd.s32 s9, s8  }
0xb: {  	vm0 =	vmmov $0xffff;
	[sflag:s10] =	ssyncpa.u1 $0x0;
	s10 =	simm.s32 $0x0;
	s9 =	sadd.s32 $0x1, s8  }
.LBB2_4:
0xc: {  	v2 =	vnsel vm1, $0x0, v2  }
0xd: {  	vm1 =	vgt.s32 v0, $0x0;
	v2 =	vmin.u32 v2, $0xFFFFF  }
0xe: {  	v0 =	vnsel vm1, $0x0, v0  }
0xf: {  	v0 =	vmin.u32 v0, $0xFFFFF  }
0x10: {  	[tilespmem:s15], [sflag:$0x1] =	stream.indirect_vreg.gather [hbm4b:s2+s10], $0x1, v1, vm0, $0x4038;
	[tilespmem:$0x800] =	vst v63  }
0x11: {  	(ifvalue) =	ssetifvalue $0x7FFFFFFF  }
0x12: {  	[tilespmem:s16], [sflag:$0x1] =	stream.indirect_vreg.gather [hbm4b:s2+s10], $0x1, v2, vm0, $0x4038;
	[tilespmem:$0x800] =	vst v63  }
0x13: {  	s29 =	sadd.s32 $0x10, s16;
	(ifvalue) =	ssetifvalue $0x7FFFFFFF  }
0x14: {  	[tilespmem:s29], [sflag:$0x1] =	stream.indirect_vreg.gather [hbm4b:s2+s10], $0x1, v0, vm0, $0x4038;
	[tilespmem:$0x800] =	vst v63  }
0x15: {  	_ =	swait.ge [sflag:s6], $0x200  }
0x16: {  	s30 =	sshrl.u32 s13, $0x3;
	[sflag:s6] =	ssyncset.done $0x0  }
0x17: {  	s31 =	sand.u32 $0x7, s13;
	s15 =	sadd.s32 s5, s30;
	[sflag:s6] =	ssyncadd.s32 $0xFFFFFE00  }
0x18: {  	[hbm4b:s15+s31] =	stream.linear.scatter [tilespmem:s14], [sflag:$0x3], $0x200, $0x38;
	[tilespmem:$0x800] =	vst v63  }
.LBB2_5:
0x19: {  	s15 =	sadd.s32 $0x4000, s11  }
0x1a: {  	p2 =	sgt.s32 s15, $0x7FFF  }
0x1b: {  	s15 =	smov.u32 @p2 s3;
	p2 =	sne.s32 s12, s9  }
.Ltmp1:
0x1c: {  	p1 =	slt.u32 s12, $0x2;
	(pc) =	sbr.rel @!p2 .LBB2_6-.Ltmp1, $4  }
0x1d: {  	s14 =	simm.s32 @!p1 $0x3  }
0x1e: {  	s16 =	sadd.s32 $0x1, s12;
	_ =	swait.ge @!p1 [sflag:s14], $0x200  }
0x1f: {  	s13 =	smov.u32 s11;
	p0 =	por !p0, !p0;
	[sflag:s14] =	ssyncset.done @!p1 $0x0  }
0x20: {  	s12 =	smov.u32 s16;
	s11 =	smov.u32 s15;
	[sflag:s14] =	ssyncadd.s32 @!p1 $0xFFFFFE00  }
.LBB2_1:
0x21: {  	p1 =	sge.u32 s12, s8  }
0x22: {  	s14 =	sxor.u32 @!p1 $0xFFFFFFFF, s12  }
0x23: {  	s31 =	sadd.s32 $0xFFFFFFFF, s12;
	s15 =	sshrl.u32 @!p1 s11, $0x3;
	s14 =	sshll.u32 @!p1 s14, $0x9  }
0x24: {  	s16 =	sand.u32 @!p1 $0x7, s11;
	s15 =	sadd.s32 @!p1 s4, s15;
	s14 =	sand.u32 @!p1 $0x200, s14  }
0x25: {  	[tilespmem:s14], [sflag:$0x2] =	stream.linear.gather @!p1 [hbm4b:s15+s16], $0x200, $0x38;
	[tilespmem:$0x800] =	vst v63  }
0x26: {  	p1 =	sge.u32 s31, s8  }
.Ltmp2:
0x27: {  	_ = 	snop;
	(pc) =	sbr.rel @p1 .LBB2_5-.Ltmp2, $1  }
0x28: {  	_ =	sdelay $0x3  }
0x29: {  	s14 =	simm.s32 $0x1  }
0x2a: {  	_ =	swait.ge [sflag:s7], $0x200;
	s14 =	simm.s32 @!p0 $0x0  }
0x2b: {  	[sflag:s7] =	ssyncset.done $0x0;
	s14 =	sshll.u32 s14, $0x9  }
0x2c: {  	[sflag:s7] =	ssyncadd.s32 $0xFFFFFE00;
	(ifvalue) =	ssetifvalue $0x7FFFFFFF;
	v0 =	vld.msk [tilespmem:s14+$0x0 ss:$0x1], $0xffff;
	_ =	sdelay $0x4  }
0x2d: {  	s15 =	sadd.s32 $0x10, s14;
	vm1 =	vgt.s32 v0, $0x0  }
0x2e: {  	v2 =	vld.msk [tilespmem:s15+$0x0 ss:$0x1], $0xffff;
	v1 =	vnsel vm1, $0x0, v0  }
0x2f: {  	v1 =	vmin.u32 v1, $0xFFFFF;
	_ =	sdelay $0x1  }
0x30: {  	s16 =	sshll.u32 s12, $0x9;
	s18 =	simm.s32 $0x20  }
0x31: {  	s16 =	sand.u32 $0x200, s16;
	s17 =	sadd.s32 $0x10, s15;
	s15 =	sor.u32 $0x400, s14  }
0x32: {  	s14 =	sor.u32 $0x400, s16;
	s16 =	sadd.s32 $0x10, s15;
	v0 =	vld.msk [tilespmem:s17+$0x0 ss:$0x1], $0xffff;
	vm1 =	vgt.s32 v2, $0x0;
	(ifvalue) =	ssetifvalue $0x7FFFFFFF  }
.LBB2_3:
0x33: {  	[tilespmem:s15], [sflag:$0x1] =	stream.indirect_vreg.gather [hbm4b:s2+s10], $0x1, v1, vm0, $0x4038;
	[tilespmem:$0x800] =	vst v63  }
0x34: {  	s18 =	sadd.s32 $0x10, s18  }
0x35: {  	v2 =	vnsel vm1, $0x0, v2;
	p1 =	slt.u32 s18, $0x1F0  }
.Ltmp3:
0x36: {  	s15 =	smov.u32 s16;
	v1 =	vmin.u32 v2, $0xFFFFF;
	(pc) =	sbr.rel @p1 .LBB2_3-.Ltmp3, $3  }
0x37: {  	_ =	sdelay $0x1  }
0x38: {  	s17 =	sadd.s32 $0x10, s17  }
0x39: {  	vm1 =	vgt.s32 v0, $0x0;
	s16 =	sadd.s32 $0x10, s16;
	v2 =	vmov v0;
	(ifvalue) =	ssetifvalue $0x7FFFFFFF;
	v0 =	vld.msk [tilespmem:s17+$0x0 ss:$0x1], $0xffff  }
.Ltmp4:
0x3a: {  	_ = 	snop;
	(pc) =	sbr.rel .LBB2_4-.Ltmp4, $1  }
0x3b: {  	_ =	sdelay $0x3  }
.LBB2_6:
0x3c: {  	_ =	sfence.sel $0x180000  }
0x3d: {  	s2 =	simm.s32 $0x2;
	[bflag:$0x0] =	sbarrier.arrive $0xFFFF  }
0x3e: {  	s30 =	simm.s32 $0x3;
	[sflag:s2] =	ssyncpa.u1 $0x1  }
0x3f: {  	s31 =	simm.s32 $0x1;
	[sflag:s30] =	ssyncpa.u1 $0x1  }
0x40: {  	[sflag:s31] =	ssyncpa.u1 $0x1  }
0x41: {  	p0 =	sne.s32 s1, $0x0;
	_ =	strace $0x9000004D  }
0x42: {  	s0 =	sadd.s32 @!p0 $0x100000, s0;
	[bflag:$0x2] =	sbarrier.arrive $0xFFFF  }
0x43: {  	[sflag:s0] =	ssyncadd.tile.s32 @!p0 $0x1;
	_ =	shalt  }
.Lfunc_end2:
_tile_overlayer_lowered:
.L_overlay_start_2:
0x44: {  	(tag) =	ssettag $0x2  }
0x45: {  	s0 =	rddreg [dreg:$0x0];
	s2 =	stileid.u32  }
0x46: {  	s1 =	rddreg [dreg:$0x1];
	p0 =	sne.s32 s2, $0x0  }
0x47: {  	s3 =	rddreg [dreg:$0x2];
	[bflag:$0x3] =	sbarrier.arrive $0xFFFF;
	s2 =	simm.s32 @!p0 $0x1C01  }
0x48: {  	[timem:s3], [sflag:s2] =	dma.local @!p0 [hbm:s0], s1  }
0x49: {  	s0 =	simm.s32 @!p0 $0x1  }
0x4a: {  	_ =	swait.ge @!p0 [sflag:s0], s1  }
0x4b: {  	s1 =	ssub.s32 @!p0 $0x0, s1;
	[sflag:s0] =	ssyncset.done @!p0 $0x0  }
0x4c: {  	[sflag:s0] =	ssyncadd.s32 @!p0 s1  }
0x4d: {  	[bflag:$0x3] =	sbarrier.arrive $0xFFFF  }
0x4e: {  	_ =	shalt  }

// kernel: gather_offload_async_start.3
scs
__scs_entry_jumppad:
0x0: {  	(pc) =	sbr.rel $0x88, $3  }
0x1: {  	(tag) =	ssettag $0x0;
	lr =	simm.s32 $0x1  }
0x2: {  	[smem:$0x3F61] =	sst lr;
	_ =	strace $0xD0000000  }
0x3: {  	_ = 	snop  }
0x4: {  	_ = 	snop  }
0x5: {  	_ = 	snop  }
0x6: {  	_ = 	snop  }
0x7: {  	_ = 	snop  }
__scs_overlays_trampoline_lowered:
0x8: {  	[smem:$0x3F70] =	sst s0  }
0x9: {  	[smem:$0x3F71] =	sst s1  }
0xa: {  	[smem:$0x3F72] =	sst s2  }
0xb: {  	[smem:$0x3F73] =	sst s3  }
0xc: {  	[smem:$0x3F74] =	sst s4  }
0xd: {  	[smem:$0x3F75] =	sst s5  }
0xe: {  	[smem:$0x3F76] =	sst s6  }
0xf: {  	[smem:$0x3F77] =	sst s7  }
0x10: {  	[smem:$0x3F78] =	sst s8  }
0x11: {  	[smem:$0x3F79] =	sst s9;
	s0 =	simm.s32 @!p0 $0x0  }
0x12: {  	s1 =	sld [smem:$0x3F5F];
	s0 =	simm.s32 @p0 $0x1  }
0x13: {  	[smem:$0x3F7A] =	sst s0;
	s0 =	simm.s32 @!p1 $0x0  }
0x14: {  	s2 =	sld [smem:$0x3F5E];
	s0 =	simm.s32 @p1 $0x1  }
0x15: {  	[smem:$0x3F7B] =	sst s0;
	s0 =	simm.s32 @!p2 $0x0  }
0x16: {  	s3 =	sld [smem:$0x3FDB];
	s0 =	simm.s32 @p2 $0x1  }
0x17: {  	s4 =	simm.s32 $0x1BF5;
	[smem:$0x3F7D] =	sst s0  }
0x18: {  	s0 =	sld [smem:$0x3F60];
	_ =	swait.ge [sflag:s4], $0x0  }
0x19: {  	s7 =	sld [smem:$0x3F61]  }
0x1a: {  	s8 =	sadd.s32 $0xFFFFE003, lr  }
0x1b: {  	s9 =	sadd.s32 $0xFFFFFEF7, lr;
	s5 =	simm.s32 $0xFFFFFFFF;
	p2 =	slt.u32 s8, $0xFFFFF086  }
0x1c: {  	p1 =	slt.u32 s9, $0xF7A;
	s5 =	simm.s32 @!p2 $0x0  }
0x1d: {  	s5 =	simm.s32 @p1 $0x1;
	p0 =	seq.s32 s7, s2  }
0x1e: {  	s7 =	smul.u32 @!p0 $0xF7A, s2;
	p2 =	seq.s32 @!p0 s5, $0x0  }
0x1f: {  	s9 =	smul.u32 $0xF7A, s1;
	s8 =	simm.s32 @!p0 $0x1BF5;
	p2 =	por !p2, p0  }
0x20: {  	[sflag:s8] =	ssyncset.s32 @!p0 $0xFFFFF086;
	s6 =	sadd.s32 @!p0 s3, s7;
	s7 =	simm.s32 @!p0 $0x108  }
0x21: {  	s3 =	sadd.s32 s3, s9;
	s6 =	sadd.s32 @!p0 $0x88, s6;
	s7 =	simm.s32 @p2 $0x1082  }
0x22: {  	[simem:s7], [sflag:s8] =	dma.local @!p0 [hbm:s6], $0xF7A  }
0x23: {  	s9 =	sor.u32 $0xD0000000, s2;
	s6 =	simm.s32 $0x108;
	_ =	swait.ge @!p0 [sflag:s8], $0x0  }
0x24: {  	s3 =	sadd.s32 $0x88, s3;
	s6 =	simm.s32 @!p1 $0x1082;
	[sflag:s4] =	ssyncset.s32 $0xFFFFF086  }
0x25: {  	[simem:s6], [sflag:s4] =	dma.local [hbm:s3], $0xF7A  }
0x26: {  	[smem:$0x3F61] =	sst s1;
	(tag) =	ssettag s2;
	_ =	strace s9  }
0x27: {  	s1 =	sld [smem:$0x3F71]  }
0x28: {  	s2 =	sld [smem:$0x3F72]  }
0x29: {  	s4 =	sld [smem:$0x3F74]  }
0x2a: {  	p0 =	seq.s32 s5, $0x0;
	s5 =	sld [smem:$0x3F75]  }
0x2b: {  	s6 =	sld [smem:$0x3F76]  }
0x2c: {  	s7 =	sld [smem:$0x3F77]  }
0x2d: {  	s3 =	simm.s32 $0x108;
	s8 =	sld [smem:$0x3F78]  }
0x2e: {  	s3 =	simm.s32 @!p0 $0x1082;
	s9 =	sld [smem:$0x3F79]  }
0x2f: {  	lr =	sadd.s32 s0, s3;
	s0 =	sld [smem:$0x3F70]  }
0x30: {  	s3 =	sld [smem:$0x3F73]  }
0x31: {  	[smem:$0x3F7C] =	sst s10  }
0x32: {  	s10 =	sld [smem:$0x3F7A];
	_ =	sdelay $0x3  }
0x33: {  	p0 =	seq.s32 s10, $0x1;
	s10 =	sld [smem:$0x3F7C];
	_ =	sdelay $0x3  }
0x34: {  	[smem:$0x3F7C] =	sst s10  }
0x35: {  	s10 =	sld [smem:$0x3F7B];
	_ =	sdelay $0x3  }
0x36: {  	p1 =	seq.s32 s10, $0x1;
	s10 =	sld [smem:$0x3F7C];
	_ =	sdelay $0x3  }
0x37: {  	[smem:$0x3F7C] =	sst s10  }
0x38: {  	s10 =	sld [smem:$0x3F7D]  }
0x39: {  	_ = 	snop;
	(pc) =	sbr.ind lr, $3  }
0x3a: {  	_ = 	snop  }
0x3b: {  	_ = 	snop  }
0x3c: {  	p2 =	seq.s32 s10, $0x1;
	s10 =	sld [smem:$0x3F7C]  }
0x3d: {  	_ =	shalt  }
0x3e: {  	_ =	shalt  }
0x3f: {  	_ =	shalt  }
0x40: {  	_ =	shalt  }
0x41: {  	_ =	shalt  }
0x42: {  	_ =	shalt  }
0x43: {  	_ =	shalt  }
0x44: {  	_ =	shalt  }
0x45: {  	_ =	shalt  }
0x46: {  	_ =	shalt  }
0x47: {  	_ =	shalt  }
0x48: {  	_ =	shalt  }
0x49: {  	_ =	shalt  }
0x4a: {  	_ =	shalt  }
0x4b: {  	_ =	shalt  }
0x4c: {  	_ =	shalt  }
0x4d: {  	_ =	shalt  }
0x4e: {  	_ =	shalt  }
0x4f: {  	_ =	shalt  }
0x50: {  	_ =	shalt  }
0x51: {  	_ =	shalt  }
0x52: {  	_ =	shalt  }
0x53: {  	_ =	shalt  }
0x54: {  	_ =	shalt  }
0x55: {  	_ =	shalt  }
0x56: {  	_ =	shalt  }
0x57: {  	_ =	shalt  }
0x58: {  	_ =	shalt  }
0x59: {  	_ =	shalt  }
0x5a: {  	_ =	shalt  }
0x5b: {  	_ =	shalt  }
0x5c: {  	_ =	shalt  }
0x5d: {  	_ =	shalt  }
0x5e: {  	_ =	shalt  }
0x5f: {  	_ =	shalt  }
0x60: {  	_ =	shalt  }
0x61: {  	_ =	shalt  }
0x62: {  	_ =	shalt  }
0x63: {  	_ =	shalt  }
0x64: {  	_ =	shalt  }
0x65: {  	_ =	shalt  }
0x66: {  	_ =	shalt  }
0x67: {  	_ =	shalt  }
0x68: {  	_ =	shalt  }
0x69: {  	_ =	shalt  }
0x6a: {  	_ =	shalt  }
0x6b: {  	_ =	shalt  }
0x6c: {  	_ =	shalt  }
0x6d: {  	_ =	shalt  }
0x6e: {  	_ =	shalt  }
0x6f: {  	_ =	shalt  }
0x70: {  	_ =	shalt  }
0x71: {  	_ =	shalt  }
0x72: {  	_ =	shalt  }
0x73: {  	_ =	shalt  }
0x74: {  	_ =	shalt  }
0x75: {  	_ =	shalt  }
0x76: {  	_ =	shalt  }
0x77: {  	_ =	shalt  }
0x78: {  	_ =	shalt  }
0x79: {  	_ =	shalt  }
0x7a: {  	_ =	shalt  }
0x7b: {  	_ =	shalt  }
0x7c: {  	_ =	shalt  }
0x7d: {  	_ =	shalt  }
0x7e: {  	_ =	shalt  }
0x7f: {  	_ =	shalt  }
0x80: {  	_ =	shalt  }
0x81: {  	_ =	shalt  }
0x82: {  	_ =	shalt  }
0x83: {  	_ =	shalt  }
0x84: {  	_ =	shalt  }
0x85: {  	_ =	shalt  }
0x86: {  	_ =	shalt  }
0x87: {  	_ =	shalt  }
.Lfunc_end0:
.L_simem_size_0:
called_computation.3_lowered:
.L_overlay_start_0:
0x88: {  	s2 =	sld [smem:$0x3FD9]  }
0x89: {  	s3 =	sld [smem:$0x3FFE];
	_ =	sdelay $0x1  }
0x8a: {  	s1 =	srdreg.scid  }
0x8b: {  	s0 =	sand.u32 $0x1, s1  }
0x8c: {  	s16 =	sshll.u32 s0, $0xA;
	s2 =	sadd.s32 s3, s2  }
0x8d: {  	s2 =	sadd.s32 s2, s16  }
0x8e: {  	[smem:$0x3F88] =	sst s2  }
0x8f: {  	_ = 	snop  }
0x90: {  	(tm) =	ssettm $0x1  }
0x91: {  	s17 =	sld [smem:$0x3FFB];
	_ =	sdelay $0x3  }
0x92: {  	_ =	strace s17  }
0x93: {  	s2 =	sld [smem:$0x3FFC];
	_ =	sdelay $0x3  }
0x94: {  	_ =	strace s2  }
0x95: {  	s2 =	sld [smem:$0x3FFD];
	_ =	sdelay $0x3  }
0x96: {  	_ =	strace s2  }
0x97: {  	_ =	strace $0x8FFFFFFF  }
0x98: {  	s18 =	sld [smem:$0x3FDB];
	_ =	sdelay $0x1  }
0x99: {  	s19 =	simm.s32 $_scs_section_size  }
0x9a: {  	s4 =	simm.s32 $_size__tile_overlayer_lowered;
	s5 =	simm.s32 $_tile_overlayer_lowered  }
0x9b: {  	s22 =	simm.s32 $0x1BFF;
	s21 =	sshll.u32 s5, $0x1;
	s2 =	sadd.s32 s19, s18  }
0x9c: {  	s6 =	simm.s32 $0x0;
	s20 =	sshll.u32 s4, $0x1;
	s4 =	sadd.s32 s21, s2  }
0x9d: {  	[timem:s6], [sflag:s22] =	dma.local [hbm:s4], s20  }
0x9e: {  	_ =	swait.ge [sflag:s22], s20  }
0x9f: {  	s3 =	ssub.s32 $0x0, s20;
	[sflag:s22] =	ssyncset.done $0x0  }
0xa0: {  	[sflag:s22] =	ssyncadd.s32 s3;
	_ =	sdelay $0x1  }
0xa1: {  	s23 =	simm.s32 $0x1B8B  }
0xa2: {  	_ =	swait.ge [sflag:s23], $0x1  }
0xa3: {  	[sflag:s23] =	ssyncset.done $0x0  }
0xa4: {  	s25 =	simm.s32 $0x1B8E;
	s24 =	sld [smem:$0x3FFE];
	[sflag:s23] =	ssyncadd.s32 $0xFFFFFFFF  }
0xa5: {  	s26 =	simm.s32 $execute0_lowered;
	[smem:$0x3FD2] =	sst s25  }
0xa6: {  	s4 =	sshll.u32 s26, $0x1;
	_ =	strace $0x8000004F;
	[dreg:$0x1] =	wrdreg $0xFFFFFFFF  }
0xa7: {  	s28 =	simm.s32 $_size_execute0_lowered;
	s2 =	sadd.s32 s2, s4;
	[dreg:$0x0] =	wrdreg $0x0  }
0xa8: {  	s4 =	sshll.u32 s28, $0x1;
	[dreg:$0x2] =	wrdreg s2  }
0xa9: {  	[dreg:$0x3] =	wrdreg s4  }
0xaa: {  	[dreg:$0x4] =	wrdreg $0xC0  }
0xab: {  	_ =	task [dreg:s6], $0x5FFFF  }
0xac: {  	[dreg:$0x1] =	wrdreg $0xFFFFFFFF  }
0xad: {  	[dreg:$0x0] =	wrdreg $0x60  }
0xae: {  	[dreg:$0x2] =	wrdreg s24  }
0xaf: {  	[dreg:$0x3] =	wrdreg $0x9  }
0xb0: {  	_ =	task.clear_ibuf [dreg:s6], $0x4FFFF;
	_ =	strace $0x9000004F  }
0xb1: {  	s29 =	simm.s32 $0x9;
	_ =	strace $0x80000051  }
0xb2: {  	_ =	swait.ge [sflag:s29], $0x1  }
0xb3: {  	[sflag:s29] =	ssyncadd.s32 $0xFFFFFFFF  }
0xb4: {  	_ =	strace $0x90000051  }
0xb5: {  	_ =	sfence  }
0xb6: {  	s30 =	sld [smem:$0x0];
	_ =	sdelay $0x2  }
0xb7: {  	s31 =	sshll.u32 s1, $0xD;
	s1 =	sshrl.u32 s1, $0x2  }
0xb8: {  	s3 =	sand.u32 $0x4000, s31;
	s1 =	sadd.s32 s1, s30  }
0xb9: {  	s0 =	sor.u32 s3, s0;
	s1 =	sshll.u32 s1, $0x11  }
0xba: {  	s0 =	sor.u32 s1, s0  }
0xbb: {  	s0 =	sadd.s32 $0x8F2B, s0  }
0xbc: {  	[sflag:s0] =	ssyncadd.remote.s32 $0x1  }
0xbd: {  	_ =	sfence.sel $0xFFFF  }
0xbe: {  	[dreg:$0x0] =	wrdreg $0xFFFFFFFF;
	(pc) =	sbr.abs _section_cstart, $3  }
0xbf: {  	[dreg:$0x1] =	wrdreg $0xFFFFFFFF  }
0xc0: {  	_ =	task.clear_ibuf [dreg:s6], $0x2FFFF;
	_ =	strace $0x9FFFFFFF  }
0xc1: {  	(tm) =	ssettm $0x7FFFFFFF  }
tec
execute0_lowered:
.L_overlay_start_1:
0x0: {  	(tag) =	ssettag $0x1  }
0x1: {  	s7 =	rddreg [dreg:$0x0]  }
0x2: {  	s0 =	rddreg [dreg:$0x1];
	_ =	strace $0x80000050  }
0x3: {  	s1 =	srdreg.scid;
	s4 =	simm.s32 $0x1;
	s9 =	simm.s32 $0x3  }
0x4: {  	s11 =	simm.s32 $0x0;
	p0 =	por $0x0, $0x0;
	s5 =	sshll.u32 s1, $0x4  }
.Ltmp0:
0x5: {  	s1 =	stileid.u32;
	s5 =	sand.u32 $0x10, s5;
	(pc) =	sbr.rel .LBB2_1-.Ltmp0, $4  }
0x6: {  	s2 =	sadd.s32 $0x193A00, s7;
	s3 =	sadd.s32 $0x229C00, s7;
	s6 =	sor.u32 s1, s5  }
0x7: {  	[sflag:s4] =	ssyncpa.u1 $0x0;
	s5 =	simm.s32 $0x2;
	s6 =	sshll.u32 s6, $0xA  }
0x8: {  	s7 =	sadd.s32 $0x2EBA00, s7;
	[sflag:s5] =	ssyncpa.u1 $0x0;
	s8 =	sadd.s32 $0x400, s6  }
0x9: {  	vm0 =	vmmov $0xff;
	vm1 =	vcmask $0x3F20;
	[sflag:s9] =	ssyncpa.u1 $0x0;
	s10 =	smov.u32 s6;
	s9 =	simm.s32 $0x0  }
.LBB2_7:
0xa: {  	p1 =	slt.u32 s9, $0x2;
	s11 =	sadd.s32 $0x100, s10  }
0xb: {  	s13 =	smov.u32 s6;
	s9 =	sadd.s32 $0x1, s9;
	p2 =	slt.s32 s11, s8  }
0xc: {  	s13 =	smov.u32 @p2 s11;
	p2 =	sne.s32 s9, $0x6  }
.Ltmp1:
0xd: {  	_ = 	snop;
	(pc) =	sbr.rel @!p2 .LBB2_8-.Ltmp1, $4  }
0xe: {  	s12 =	simm.s32 @!p1 $0x3  }
0xf: {  	_ =	swait.ge @!p1 [sflag:s12], $0x8000  }
0x10: {  	p0 =	por !p0, !p0;
	[sflag:s12] =	ssyncset.done @!p1 $0x0  }
0x11: {  	s11 =	smov.u32 s10;
	s10 =	smov.u32 s13;
	[sflag:s12] =	ssyncadd.s32 @!p1 $0xFFFF8000  }
.LBB2_1:
0x12: {  	p1 =	sgt.u32 s9, $0x3  }
0x13: {  	s12 =	sxor.u32 @!p1 $0xFFFFFFFF, s9  }
0x14: {  	s13 =	sshrl.u32 @!p1 s10, $0x3;
	s12 =	sshll.u32 @!p1 s12, $0x8  }
0x15: {  	s14 =	sand.u32 @!p1 $0x7, s10;
	s13 =	sadd.s32 @!p1 s3, s13;
	s12 =	sand.u32 @!p1 $0x100, s12  }
0x16: {  	[tilespmem:s12], [sflag:$0x2] =	stream.linear.gather @!p1 [hbm4b:s13+s14], $0x100, $0x38;
	[tilespmem:$0x10200] =	vst v63  }
0x17: {  	p1 =	seq.s32 s9, $0x0  }
0x18: {  	p2 =	seq.s32 @!p1 s9, $0x5  }
0x19: {  	p1 =	por p1, p2  }
.Ltmp2:
0x1a: {  	_ = 	snop;
	(pc) =	sbr.rel @p1 .LBB2_7-.Ltmp2, $1  }
0x1b: {  	_ =	sdelay $0x3  }
0x1c: {  	s12 =	simm.s32 $0x1  }
0x1d: {  	_ =	swait.ge [sflag:s5], $0x100;
	s12 =	simm.s32 @!p0 $0x0  }
0x1e: {  	[sflag:s5] =	ssyncset.done $0x0;
	s14 =	sshll.u32 s12, $0x8  }
0x1f: {  	[sflag:s5] =	ssyncadd.s32 $0xFFFFFF00;
	s13 =	sadd.s32 $0x0, s14  }
0x20: {  	v0 =	vld.msk [tilespmem:s13+$0x0 ss:$0x1], $0xffff;
	_ =	sdelay $0x4  }
0x21: {  	vm2 =	vgt.s32 v0, $0x0  }
0x22: {  	v0 =	vnsel vm2, $0x0, v0  }
0x23: {  	v0 =	vmin.u32 v0, $0x8007  }
0x24: {  	v0 =	vshll.u32 v0, $0x4;
	_ =	sdelay $0x2  }
0x25: {  	s12 =	sshll.u32 s12, $0xF  }
0x26: {  	s12 =	sor.u32 $0x200, s12  }
0x27: {  	[tilespmem:s12], [sflag:$0x1] =	stream.indirect_vreg.gather [hbm:s2], $0x80, v0, vm0, $0x38;
	[tilespmem:$0x10200] =	vst v63  }
0x28: {  	s15 =	sadd.s32 $0x10, s14;
	s13 =	sadd.s32 $0x400, s12  }
0x29: {  	[tilespmem:s13], [sflag:$0x1] =	stream.indirect_vreg.gather [hbm:s2], $0x80, v0, vm1, $0x38;
	[tilespmem:$0x10200] =	vst v63  }
0x2a: {  	s16 =	simm.s32 $0x80;
	v0 =	vld.msk [tilespmem:s15+$0x0 ss:$0x1], $0xffff;
	s15 =	smov.u32 s12  }
.LBB2_3:
0x2b: {  	p1 =	sne.s32 s16, $0x3C0;
	_ =	sdelay $0x4  }
0x2c: {  	vm2 =	vgt.s32 v0, $0x0  }
0x2d: {  	v0 =	vnsel vm2, $0x0, v0  }
0x2e: {  	v0 =	vmin.u32 v0, $0x8007  }
0x2f: {  	v0 =	vshll.u32 v0, $0x4;
	_ =	sdelay $0x3  }
.Ltmp3:
0x30: {  	s17 =	sshra.s32 s16, $0x2;
	s15 =	sadd.s32 $0x800, s15;
	(pc) =	sbr.rel @p1 .LBB2_3-.Ltmp3, $4  }
0x31: {  	[tilespmem:s15], [sflag:$0x1] =	stream.indirect_vreg.gather [hbm:s2], $0x80, v0, vm0, $0x38;
	[tilespmem:$0x10200] =	vst v63  }
0x32: {  	s17 =	sadd.s32 s17, s14;
	s18 =	sadd.s32 $0x400, s15  }
0x33: {  	[tilespmem:s18], [sflag:$0x1] =	stream.indirect_vreg.gather [hbm:s2], $0x80, v0, vm1, $0x38;
	[tilespmem:$0x10200] =	vst v63  }
0x34: {  	s16 =	sadd.s32 $0x40, s16;
	v0 =	vld.msk [tilespmem:s17+$0x0 ss:$0x1], $0xffff  }
0x35: {  	_ =	sdelay $0x3  }
0x36: {  	vm2 =	vgt.s32 v0, $0x0  }
0x37: {  	v0 =	vnsel vm2, $0x0, v0  }
0x38: {  	v0 =	vmin.u32 v0, $0x8007  }
0x39: {  	v0 =	vshll.u32 v0, $0x4;
	_ =	sdelay $0x3  }
0x3a: {  	s14 =	sadd.s32 $0x800, s15  }
0x3b: {  	[tilespmem:s14], [sflag:$0x1] =	stream.indirect_vreg.gather [hbm:s2], $0x80, v0, vm0, $0x38;
	[tilespmem:$0x10200] =	vst v63  }
0x3c: {  	s14 =	sadd.s32 $0x400, s14  }
0x3d: {  	[tilespmem:s14], [sflag:$0x1] =	stream.indirect_vreg.gather [hbm:s2], $0x80, v0, vm1, $0x38;
	[tilespmem:$0x10200] =	vst v63  }
0x3e: {  	s11 =	sshll.u32 s11, $0x4;
	_ =	swait.ge [sflag:s4], $0x8000  }
0x3f: {  	s11 =	sadd.s32 s11, s7;
	[sflag:s4] =	ssyncset.done $0x0  }
0x40: {  	s15 =	sadd.s32 $0x0, s11;
	s14 =	simm.s32 $0x80;
	[sflag:s4] =	ssyncadd.s32 $0xFFFF8000  }
.LBB2_5:
0x41: {  	[hbm:s15] =	stream.linear.scatter [tilespmem:s12], [sflag:$0x3], $0x400, $0x38;
	[tilespmem:$0x10200] =	vst v63  }
0x42: {  	s15 =	smov.u32 s14;
	s12 =	smov.u32 s13;
	p1 =	sne.s32 s14, $0xF80  }
.Ltmp4:
0x43: {  	s14 =	sadd.s32 $0x80, s14;
	(pc) =	sbr.rel @p1 .LBB2_5-.Ltmp4, $2  }
0x44: {  	_ =	sdelay $0x2  }
0x45: {  	s13 =	sadd.s32 $0x400, s13;
	s15 =	sadd.s32 s15, s11  }
.Ltmp5:
0x46: {  	(pc) =	sbr.rel .LBB2_7-.Ltmp5, $2  }
0x47: {  	_ =	sdelay $0x2  }
0x48: {  	[hbm:s15] =	stream.linear.scatter [tilespmem:s12], [sflag:$0x3], $0x400, $0x38;
	[tilespmem:$0x10200] =	vst v63  }
.LBB2_8:
0x49: {  	_ =	sfence.sel $0x180000  }
0x4a: {  	s2 =	simm.s32 $0x2;
	[bflag:$0x0] =	sbarrier.arrive $0xFFFF  }
0x4b: {  	s30 =	simm.s32 $0x3;
	[sflag:s2] =	ssyncpa.u1 $0x1  }
0x4c: {  	s31 =	simm.s32 $0x1;
	[sflag:s30] =	ssyncpa.u1 $0x1  }
0x4d: {  	[sflag:s31] =	ssyncpa.u1 $0x1  }
0x4e: {  	p0 =	sne.s32 s1, $0x0;
	_ =	strace $0x90000050  }
0x4f: {  	s0 =	sadd.s32 @!p0 $0x100000, s0;
	[bflag:$0x2] =	sbarrier.arrive $0xFFFF  }
0x50: {  	[sflag:s0] =	ssyncadd.tile.s32 @!p0 $0x1;
	_ =	shalt  }
.Lfunc_end2:
_tile_overlayer_lowered:
.L_overlay_start_2:
0x51: {  	(tag) =	ssettag $0x2  }
0x52: {  	s0 =	rddreg [dreg:$0x0];
	s2 =	stileid.u32  }
0x53: {  	s1 =	rddreg [dreg:$0x1];
	p0 =	sne.s32 s2, $0x0  }
0x54: {  	s3 =	rddreg [dreg:$0x2];
	[bflag:$0x3] =	sbarrier.arrive $0xFFFF;
	s2 =	simm.s32 @!p0 $0x1C01  }
0x55: {  	[timem:s3], [sflag:s2] =	dma.local @!p0 [hbm:s0], s1  }
0x56: {  	s0 =	simm.s32 @!p0 $0x1  }
0x57: {  	_ =	swait.ge @!p0 [sflag:s0], s1  }
0x58: {  	s1 =	ssub.s32 @!p0 $0x0, s1;
	[sflag:s0] =	ssyncset.done @!p0 $0x0  }
0x59: {  	[sflag:s0] =	ssyncadd.s32 @!p0 s1  }
0x5a: {  	[bflag:$0x3] =	sbarrier.arrive $0xFFFF  }
0x5b: {  	_ =	shalt  }

// kernel: gather_offload_async_start.4
scs
__scs_entry_jumppad:
0x0: {  	(pc) =	sbr.rel $0x88, $3  }
0x1: {  	(tag) =	ssettag $0x0;
	lr =	simm.s32 $0x1  }
0x2: {  	[smem:$0x3F61] =	sst lr;
	_ =	strace $0xD0000000  }
0x3: {  	_ = 	snop  }
0x4: {  	_ = 	snop  }
0x5: {  	_ = 	snop  }
0x6: {  	_ = 	snop  }
0x7: {  	_ = 	snop  }
__scs_overlays_trampoline_lowered:
0x8: {  	[smem:$0x3F70] =	sst s0  }
0x9: {  	[smem:$0x3F71] =	sst s1  }
0xa: {  	[smem:$0x3F72] =	sst s2  }
0xb: {  	[smem:$0x3F73] =	sst s3  }
0xc: {  	[smem:$0x3F74] =	sst s4  }
0xd: {  	[smem:$0x3F75] =	sst s5  }
0xe: {  	[smem:$0x3F76] =	sst s6  }
0xf: {  	[smem:$0x3F77] =	sst s7  }
0x10: {  	[smem:$0x3F78] =	sst s8  }
0x11: {  	[smem:$0x3F79] =	sst s9;
	s0 =	simm.s32 @!p0 $0x0  }
0x12: {  	s1 =	sld [smem:$0x3F5F];
	s0 =	simm.s32 @p0 $0x1  }
0x13: {  	[smem:$0x3F7A] =	sst s0;
	s0 =	simm.s32 @!p1 $0x0  }
0x14: {  	s2 =	sld [smem:$0x3F5E];
	s0 =	simm.s32 @p1 $0x1  }
0x15: {  	[smem:$0x3F7B] =	sst s0;
	s0 =	simm.s32 @!p2 $0x0  }
0x16: {  	s3 =	sld [smem:$0x3FDB];
	s0 =	simm.s32 @p2 $0x1  }
0x17: {  	s4 =	simm.s32 $0x1BF5;
	[smem:$0x3F7D] =	sst s0  }
0x18: {  	s0 =	sld [smem:$0x3F60];
	_ =	swait.ge [sflag:s4], $0x0  }
0x19: {  	s7 =	sld [smem:$0x3F61]  }
0x1a: {  	s8 =	sadd.s32 $0xFFFFE003, lr  }
0x1b: {  	s9 =	sadd.s32 $0xFFFFFEF7, lr;
	s5 =	simm.s32 $0xFFFFFFFF;
	p2 =	slt.u32 s8, $0xFFFFF086  }
0x1c: {  	p1 =	slt.u32 s9, $0xF7A;
	s5 =	simm.s32 @!p2 $0x0  }
0x1d: {  	s5 =	simm.s32 @p1 $0x1;
	p0 =	seq.s32 s7, s2  }
0x1e: {  	s7 =	smul.u32 @!p0 $0xF7A, s2;
	p2 =	seq.s32 @!p0 s5, $0x0  }
0x1f: {  	s9 =	smul.u32 $0xF7A, s1;
	s8 =	simm.s32 @!p0 $0x1BF5;
	p2 =	por !p2, p0  }
0x20: {  	[sflag:s8] =	ssyncset.s32 @!p0 $0xFFFFF086;
	s6 =	sadd.s32 @!p0 s3, s7;
	s7 =	simm.s32 @!p0 $0x108  }
0x21: {  	s3 =	sadd.s32 s3, s9;
	s6 =	sadd.s32 @!p0 $0x88, s6;
	s7 =	simm.s32 @p2 $0x1082  }
0x22: {  	[simem:s7], [sflag:s8] =	dma.local @!p0 [hbm:s6], $0xF7A  }
0x23: {  	s9 =	sor.u32 $0xD0000000, s2;
	s6 =	simm.s32 $0x108;
	_ =	swait.ge @!p0 [sflag:s8], $0x0  }
0x24: {  	s3 =	sadd.s32 $0x88, s3;
	s6 =	simm.s32 @!p1 $0x1082;
	[sflag:s4] =	ssyncset.s32 $0xFFFFF086  }
0x25: {  	[simem:s6], [sflag:s4] =	dma.local [hbm:s3], $0xF7A  }
0x26: {  	[smem:$0x3F61] =	sst s1;
	(tag) =	ssettag s2;
	_ =	strace s9  }
0x27: {  	s1 =	sld [smem:$0x3F71]  }
0x28: {  	s2 =	sld [smem:$0x3F72]  }
0x29: {  	s4 =	sld [smem:$0x3F74]  }
0x2a: {  	p0 =	seq.s32 s5, $0x0;
	s5 =	sld [smem:$0x3F75]  }
0x2b: {  	s6 =	sld [smem:$0x3F76]  }
0x2c: {  	s7 =	sld [smem:$0x3F77]  }
0x2d: {  	s3 =	simm.s32 $0x108;
	s8 =	sld [smem:$0x3F78]  }
0x2e: {  	s3 =	simm.s32 @!p0 $0x1082;
	s9 =	sld [smem:$0x3F79]  }
0x2f: {  	lr =	sadd.s32 s0, s3;
	s0 =	sld [smem:$0x3F70]  }
0x30: {  	s3 =	sld [smem:$0x3F73]  }
0x31: {  	[smem:$0x3F7C] =	sst s10  }
0x32: {  	s10 =	sld [smem:$0x3F7A];
	_ =	sdelay $0x3  }
0x33: {  	p0 =	seq.s32 s10, $0x1;
	s10 =	sld [smem:$0x3F7C];
	_ =	sdelay $0x3  }
0x34: {  	[smem:$0x3F7C] =	sst s10  }
0x35: {  	s10 =	sld [smem:$0x3F7B];
	_ =	sdelay $0x3  }
0x36: {  	p1 =	seq.s32 s10, $0x1;
	s10 =	sld [smem:$0x3F7C];
	_ =	sdelay $0x3  }
0x37: {  	[smem:$0x3F7C] =	sst s10  }
0x38: {  	s10 =	sld [smem:$0x3F7D]  }
0x39: {  	_ = 	snop;
	(pc) =	sbr.ind lr, $3  }
0x3a: {  	_ = 	snop  }
0x3b: {  	_ = 	snop  }
0x3c: {  	p2 =	seq.s32 s10, $0x1;
	s10 =	sld [smem:$0x3F7C]  }
0x3d: {  	_ =	shalt  }
0x3e: {  	_ =	shalt  }
0x3f: {  	_ =	shalt  }
0x40: {  	_ =	shalt  }
0x41: {  	_ =	shalt  }
0x42: {  	_ =	shalt  }
0x43: {  	_ =	shalt  }
0x44: {  	_ =	shalt  }
0x45: {  	_ =	shalt  }
0x46: {  	_ =	shalt  }
0x47: {  	_ =	shalt  }
0x48: {  	_ =	shalt  }
0x49: {  	_ =	shalt  }
0x4a: {  	_ =	shalt  }
0x4b: {  	_ =	shalt  }
0x4c: {  	_ =	shalt  }
0x4d: {  	_ =	shalt  }
0x4e: {  	_ =	shalt  }
0x4f: {  	_ =	shalt  }
0x50: {  	_ =	shalt  }
0x51: {  	_ =	shalt  }
0x52: {  	_ =	shalt  }
0x53: {  	_ =	shalt  }
0x54: {  	_ =	shalt  }
0x55: {  	_ =	shalt  }
0x56: {  	_ =	shalt  }
0x57: {  	_ =	shalt  }
0x58: {  	_ =	shalt  }
0x59: {  	_ =	shalt  }
0x5a: {  	_ =	shalt  }
0x5b: {  	_ =	shalt  }
0x5c: {  	_ =	shalt  }
0x5d: {  	_ =	shalt  }
0x5e: {  	_ =	shalt  }
0x5f: {  	_ =	shalt  }
0x60: {  	_ =	shalt  }
0x61: {  	_ =	shalt  }
0x62: {  	_ =	shalt  }
0x63: {  	_ =	shalt  }
0x64: {  	_ =	shalt  }
0x65: {  	_ =	shalt  }
0x66: {  	_ =	shalt  }
0x67: {  	_ =	shalt  }
0x68: {  	_ =	shalt  }
0x69: {  	_ =	shalt  }
0x6a: {  	_ =	shalt  }
0x6b: {  	_ =	shalt  }
0x6c: {  	_ =	shalt  }
0x6d: {  	_ =	shalt  }
0x6e: {  	_ =	shalt  }
0x6f: {  	_ =	shalt  }
0x70: {  	_ =	shalt  }
0x71: {  	_ =	shalt  }
0x72: {  	_ =	shalt  }
0x73: {  	_ =	shalt  }
0x74: {  	_ =	shalt  }
0x75: {  	_ =	shalt  }
0x76: {  	_ =	shalt  }
0x77: {  	_ =	shalt  }
0x78: {  	_ =	shalt  }
0x79: {  	_ =	shalt  }
0x7a: {  	_ =	shalt  }
0x7b: {  	_ =	shalt  }
0x7c: {  	_ =	shalt  }
0x7d: {  	_ =	shalt  }
0x7e: {  	_ =	shalt  }
0x7f: {  	_ =	shalt  }
0x80: {  	_ =	shalt  }
0x81: {  	_ =	shalt  }
0x82: {  	_ =	shalt  }
0x83: {  	_ =	shalt  }
0x84: {  	_ =	shalt  }
0x85: {  	_ =	shalt  }
0x86: {  	_ =	shalt  }
0x87: {  	_ =	shalt  }
.Lfunc_end0:
.L_simem_size_0:
called_computation.4_lowered:
.L_overlay_start_0:
0x88: {  	s2 =	sld [smem:$0x3FD9]  }
0x89: {  	s3 =	sld [smem:$0x3FFE];
	_ =	sdelay $0x1  }
0x8a: {  	s1 =	srdreg.scid  }
0x8b: {  	s0 =	sand.u32 $0x1, s1  }
0x8c: {  	s16 =	sshll.u32 s0, $0xA;
	s2 =	sadd.s32 s3, s2  }
0x8d: {  	s2 =	sadd.s32 s2, s16  }
0x8e: {  	[smem:$0x3F88] =	sst s2  }
0x8f: {  	_ = 	snop  }
0x90: {  	(tm) =	ssettm $0x1  }
0x91: {  	s17 =	sld [smem:$0x3FFB];
	_ =	sdelay $0x3  }
0x92: {  	_ =	strace s17  }
0x93: {  	s2 =	sld [smem:$0x3FFC];
	_ =	sdelay $0x3  }
0x94: {  	_ =	strace s2  }
0x95: {  	s2 =	sld [smem:$0x3FFD];
	_ =	sdelay $0x3  }
0x96: {  	_ =	strace s2  }
0x97: {  	_ =	strace $0x8FFFFFFF  }
0x98: {  	s18 =	sld [smem:$0x3FDB];
	_ =	sdelay $0x1  }
0x99: {  	s19 =	simm.s32 $_scs_section_size  }
0x9a: {  	s4 =	simm.s32 $_size__tile_overlayer_lowered;
	s5 =	simm.s32 $_tile_overlayer_lowered  }
0x9b: {  	s22 =	simm.s32 $0x1BFF;
	s21 =	sshll.u32 s5, $0x1;
	s2 =	sadd.s32 s19, s18  }
0x9c: {  	s6 =	simm.s32 $0x0;
	s20 =	sshll.u32 s4, $0x1;
	s4 =	sadd.s32 s21, s2  }
0x9d: {  	[timem:s6], [sflag:s22] =	dma.local [hbm:s4], s20  }
0x9e: {  	_ =	swait.ge [sflag:s22], s20  }
0x9f: {  	s3 =	ssub.s32 $0x0, s20;
	[sflag:s22] =	ssyncset.done $0x0  }
0xa0: {  	[sflag:s22] =	ssyncadd.s32 s3;
	_ =	sdelay $0x1  }
0xa1: {  	s23 =	simm.s32 $0x1B8B  }
0xa2: {  	_ =	swait.ge [sflag:s23], $0x1  }
0xa3: {  	[sflag:s23] =	ssyncset.done $0x0  }
0xa4: {  	s25 =	simm.s32 $0x1B8E;
	s24 =	sld [smem:$0x3FFE];
	[sflag:s23] =	ssyncadd.s32 $0xFFFFFFFF  }
0xa5: {  	s26 =	simm.s32 $execute0_lowered;
	[smem:$0x3FD2] =	sst s25  }
0xa6: {  	s4 =	sshll.u32 s26, $0x1;
	_ =	strace $0x80000052;
	[dreg:$0x1] =	wrdreg $0xFFFFFFFF  }
0xa7: {  	s28 =	simm.s32 $_size_execute0_lowered;
	s2 =	sadd.s32 s2, s4;
	[dreg:$0x0] =	wrdreg $0x0  }
0xa8: {  	s4 =	sshll.u32 s28, $0x1;
	[dreg:$0x2] =	wrdreg s2  }
0xa9: {  	[dreg:$0x3] =	wrdreg s4  }
0xaa: {  	[dreg:$0x4] =	wrdreg $0xC0  }
0xab: {  	_ =	task [dreg:s6], $0x5FFFF  }
0xac: {  	[dreg:$0x1] =	wrdreg $0xFFFFFFFF  }
0xad: {  	[dreg:$0x0] =	wrdreg $0x60  }
0xae: {  	[dreg:$0x2] =	wrdreg s24  }
0xaf: {  	[dreg:$0x3] =	wrdreg $0x9  }
0xb0: {  	_ =	task.clear_ibuf [dreg:s6], $0x4FFFF;
	_ =	strace $0x90000052  }
0xb1: {  	s29 =	simm.s32 $0x9;
	_ =	strace $0x80000054  }
0xb2: {  	_ =	swait.ge [sflag:s29], $0x1  }
0xb3: {  	[sflag:s29] =	ssyncadd.s32 $0xFFFFFFFF  }
0xb4: {  	_ =	strace $0x90000054  }
0xb5: {  	_ =	sfence  }
0xb6: {  	s30 =	sld [smem:$0x0];
	_ =	sdelay $0x2  }
0xb7: {  	s31 =	sshll.u32 s1, $0xD;
	s1 =	sshrl.u32 s1, $0x2  }
0xb8: {  	s3 =	sand.u32 $0x4000, s31;
	s1 =	sadd.s32 s1, s30  }
0xb9: {  	s0 =	sor.u32 s3, s0;
	s1 =	sshll.u32 s1, $0x11  }
0xba: {  	s0 =	sor.u32 s1, s0  }
0xbb: {  	s0 =	sadd.s32 $0x8F2B, s0  }
0xbc: {  	[sflag:s0] =	ssyncadd.remote.s32 $0x1  }
0xbd: {  	_ =	sfence.sel $0xFFFF  }
0xbe: {  	[dreg:$0x0] =	wrdreg $0xFFFFFFFF;
	(pc) =	sbr.abs _section_cstart, $3  }
0xbf: {  	[dreg:$0x1] =	wrdreg $0xFFFFFFFF  }
0xc0: {  	_ =	task.clear_ibuf [dreg:s6], $0x2FFFF;
	_ =	strace $0x9FFFFFFF  }
0xc1: {  	(tm) =	ssettm $0x7FFFFFFF  }
tec
execute0_lowered:
.L_overlay_start_1:
0x0: {  	(tag) =	ssettag $0x1  }
0x1: {  	s0 =	srdreg.scid;
	s5 =	rddreg [dreg:$0x0]  }
0x2: {  	s1 =	stileid.u32;
	s6 =	simm.s32 $0x1;
	s9 =	simm.s32 $0x1  }
0x3: {  	s10 =	simm.s32 $0x3;
	s13 =	simm.s32 $0x0;
	s2 =	sshll.u32 s0, $0x9  }
0x4: {  	s12 =	simm.s32 $0x0;
	s3 =	sshll.u32 s1, $0xA;
	s4 =	sand.u32 $0x200, s2  }
0x5: {  	s0 =	rddreg [dreg:$0x1];
	_ =	strace $0x80000053;
	s3 =	sor.u32 s3, s4  }
0x6: {  	s2 =	sadd.s32 $0x24BA00, s5;
	[sflag:s6] =	ssyncpa.u1 $0x0;
	s8 =	ssub.s32 $0x8000, s3  }
.Ltmp0:
0x7: {  	s4 =	sadd.s32 $0x228800, s5;
	s7 =	sand.u32 $0x3E00, s8;
	(pc) =	sbr.rel .LBB2_1-.Ltmp0, $4  }
0x8: {  	s5 =	sadd.s32 $0x229800, s5;
	s11 =	smov.u32 s3;
	p0 =	sne.s32 s7, $0x0  }
0x9: {  	s8 =	sshrl.u32 s8, $0xE;
	s7 =	simm.s32 $0x2;
	s9 =	simm.s32 @!p0 $0x0  }
0xa: {  	[sflag:s7] =	ssyncpa.u1 $0x0;
	p0 =	por $0x0, $0x0;
	s8 =	sadd.s32 s9, s8  }
0xb: {  	vm0 =	vmmov $0xffff;
	[sflag:s10] =	ssyncpa.u1 $0x0;
	s10 =	simm.s32 $0x0;
	s9 =	sadd.s32 $0x1, s8  }
.LBB2_4:
0xc: {  	v2 =	vnsel vm1, $0x0, v2  }
0xd: {  	vm1 =	vgt.s32 v0, $0x0;
	v2 =	vmin.u32 v2, $0xFFFFF  }
0xe: {  	v0 =	vnsel vm1, $0x0, v0  }
0xf: {  	v0 =	vmin.u32 v0, $0xFFFFF  }
0x10: {  	[tilespmem:s15], [sflag:$0x1] =	stream.indirect_vreg.gather [hbm4b:s2+s10], $0x1, v1, vm0, $0x4038;
	[tilespmem:$0x800] =	vst v63  }
0x11: {  	(ifvalue) =	ssetifvalue $0x7FFFFFFF  }
0x12: {  	[tilespmem:s16], [sflag:$0x1] =	stream.indirect_vreg.gather [hbm4b:s2+s10], $0x1, v2, vm0, $0x4038;
	[tilespmem:$0x800] =	vst v63  }
0x13: {  	s29 =	sadd.s32 $0x10, s16;
	(ifvalue) =	ssetifvalue $0x7FFFFFFF  }
0x14: {  	[tilespmem:s29], [sflag:$0x1] =	stream.indirect_vreg.gather [hbm4b:s2+s10], $0x1, v0, vm0, $0x4038;
	[tilespmem:$0x800] =	vst v63  }
0x15: {  	_ =	swait.ge [sflag:s6], $0x200  }
0x16: {  	s30 =	sshrl.u32 s13, $0x3;
	[sflag:s6] =	ssyncset.done $0x0  }
0x17: {  	s31 =	sand.u32 $0x7, s13;
	s15 =	sadd.s32 s5, s30;
	[sflag:s6] =	ssyncadd.s32 $0xFFFFFE00  }
0x18: {  	[hbm4b:s15+s31] =	stream.linear.scatter [tilespmem:s14], [sflag:$0x3], $0x200, $0x38;
	[tilespmem:$0x800] =	vst v63  }
.LBB2_5:
0x19: {  	s15 =	sadd.s32 $0x4000, s11  }
0x1a: {  	p2 =	sgt.s32 s15, $0x7FFF  }
0x1b: {  	s15 =	smov.u32 @p2 s3;
	p2 =	sne.s32 s12, s9  }
.Ltmp1:
0x1c: {  	p1 =	slt.u32 s12, $0x2;
	(pc) =	sbr.rel @!p2 .LBB2_6-.Ltmp1, $4  }
0x1d: {  	s14 =	simm.s32 @!p1 $0x3  }
0x1e: {  	s16 =	sadd.s32 $0x1, s12;
	_ =	swait.ge @!p1 [sflag:s14], $0x200  }
0x1f: {  	s13 =	smov.u32 s11;
	p0 =	por !p0, !p0;
	[sflag:s14] =	ssyncset.done @!p1 $0x0  }
0x20: {  	s12 =	smov.u32 s16;
	s11 =	smov.u32 s15;
	[sflag:s14] =	ssyncadd.s32 @!p1 $0xFFFFFE00  }
.LBB2_1:
0x21: {  	p1 =	sge.u32 s12, s8  }
0x22: {  	s14 =	sxor.u32 @!p1 $0xFFFFFFFF, s12  }
0x23: {  	s31 =	sadd.s32 $0xFFFFFFFF, s12;
	s15 =	sshrl.u32 @!p1 s11, $0x3;
	s14 =	sshll.u32 @!p1 s14, $0x9  }
0x24: {  	s16 =	sand.u32 @!p1 $0x7, s11;
	s15 =	sadd.s32 @!p1 s4, s15;
	s14 =	sand.u32 @!p1 $0x200, s14  }
0x25: {  	[tilespmem:s14], [sflag:$0x2] =	stream.linear.gather @!p1 [hbm4b:s15+s16], $0x200, $0x38;
	[tilespmem:$0x800] =	vst v63  }
0x26: {  	p1 =	sge.u32 s31, s8  }
.Ltmp2:
0x27: {  	_ = 	snop;
	(pc) =	sbr.rel @p1 .LBB2_5-.Ltmp2, $1  }
0x28: {  	_ =	sdelay $0x3  }
0x29: {  	s14 =	simm.s32 $0x1  }
0x2a: {  	_ =	swait.ge [sflag:s7], $0x200;
	s14 =	simm.s32 @!p0 $0x0  }
0x2b: {  	[sflag:s7] =	ssyncset.done $0x0;
	s14 =	sshll.u32 s14, $0x9  }
0x2c: {  	[sflag:s7] =	ssyncadd.s32 $0xFFFFFE00;
	(ifvalue) =	ssetifvalue $0x7FFFFFFF;
	v0 =	vld.msk [tilespmem:s14+$0x0 ss:$0x1], $0xffff;
	_ =	sdelay $0x4  }
0x2d: {  	s15 =	sadd.s32 $0x10, s14;
	vm1 =	vgt.s32 v0, $0x0  }
0x2e: {  	v2 =	vld.msk [tilespmem:s15+$0x0 ss:$0x1], $0xffff;
	v1 =	vnsel vm1, $0x0, v0  }
0x2f: {  	v1 =	vmin.u32 v1, $0xFFFFF;
	_ =	sdelay $0x1  }
0x30: {  	s16 =	sshll.u32 s12, $0x9;
	s18 =	simm.s32 $0x20  }
0x31: {  	s16 =	sand.u32 $0x200, s16;
	s17 =	sadd.s32 $0x10, s15;
	s15 =	sor.u32 $0x400, s14  }
0x32: {  	s14 =	sor.u32 $0x400, s16;
	s16 =	sadd.s32 $0x10, s15;
	v0 =	vld.msk [tilespmem:s17+$0x0 ss:$0x1], $0xffff;
	vm1 =	vgt.s32 v2, $0x0;
	(ifvalue) =	ssetifvalue $0x7FFFFFFF  }
.LBB2_3:
0x33: {  	[tilespmem:s15], [sflag:$0x1] =	stream.indirect_vreg.gather [hbm4b:s2+s10], $0x1, v1, vm0, $0x4038;
	[tilespmem:$0x800] =	vst v63  }
0x34: {  	s18 =	sadd.s32 $0x10, s18  }
0x35: {  	v2 =	vnsel vm1, $0x0, v2;
	p1 =	slt.u32 s18, $0x1F0  }
.Ltmp3:
0x36: {  	s15 =	smov.u32 s16;
	v1 =	vmin.u32 v2, $0xFFFFF;
	(pc) =	sbr.rel @p1 .LBB2_3-.Ltmp3, $3  }
0x37: {  	_ =	sdelay $0x1  }
0x38: {  	s17 =	sadd.s32 $0x10, s17  }
0x39: {  	vm1 =	vgt.s32 v0, $0x0;
	s16 =	sadd.s32 $0x10, s16;
	v2 =	vmov v0;
	(ifvalue) =	ssetifvalue $0x7FFFFFFF;
	v0 =	vld.msk [tilespmem:s17+$0x0 ss:$0x1], $0xffff  }
.Ltmp4:
0x3a: {  	_ = 	snop;
	(pc) =	sbr.rel .LBB2_4-.Ltmp4, $1  }
0x3b: {  	_ =	sdelay $0x3  }
.LBB2_6:
0x3c: {  	_ =	sfence.sel $0x180000  }
0x3d: {  	s2 =	simm.s32 $0x2;
	[bflag:$0x0] =	sbarrier.arrive $0xFFFF  }
0x3e: {  	s30 =	simm.s32 $0x3;
	[sflag:s2] =	ssyncpa.u1 $0x1  }
0x3f: {  	s31 =	simm.s32 $0x1;
	[sflag:s30] =	ssyncpa.u1 $0x1  }
0x40: {  	[sflag:s31] =	ssyncpa.u1 $0x1  }
0x41: {  	p0 =	sne.s32 s1, $0x0;
	_ =	strace $0x90000053  }
0x42: {  	s0 =	sadd.s32 @!p0 $0x100000, s0;
	[bflag:$0x2] =	sbarrier.arrive $0xFFFF  }
0x43: {  	[sflag:s0] =	ssyncadd.tile.s32 @!p0 $0x1;
	_ =	shalt  }
.Lfunc_end2:
_tile_overlayer_lowered:
.L_overlay_start_2:
0x44: {  	(tag) =	ssettag $0x2  }
0x45: {  	s0 =	rddreg [dreg:$0x0];
	s2 =	stileid.u32  }
0x46: {  	s1 =	rddreg [dreg:$0x1];
	p0 =	sne.s32 s2, $0x0  }
0x47: {  	s3 =	rddreg [dreg:$0x2];
	[bflag:$0x3] =	sbarrier.arrive $0xFFFF;
	s2 =	simm.s32 @!p0 $0x1C01  }
0x48: {  	[timem:s3], [sflag:s2] =	dma.local @!p0 [hbm:s0], s1  }
0x49: {  	s0 =	simm.s32 @!p0 $0x1  }
0x4a: {  	_ =	swait.ge @!p0 [sflag:s0], s1  }
0x4b: {  	s1 =	ssub.s32 @!p0 $0x0, s1;
	[sflag:s0] =	ssyncset.done @!p0 $0x0  }
0x4c: {  	[sflag:s0] =	ssyncadd.s32 @!p0 s1  }
0x4d: {  	[bflag:$0x3] =	sbarrier.arrive $0xFFFF  }
0x4e: {  	_ =	shalt  }

// kernel: gather_offload_async_start.5
scs
__scs_entry_jumppad:
0x0: {  	(pc) =	sbr.rel $0x88, $3  }
0x1: {  	(tag) =	ssettag $0x0;
	lr =	simm.s32 $0x1  }
0x2: {  	[smem:$0x3F61] =	sst lr;
	_ =	strace $0xD0000000  }
0x3: {  	_ = 	snop  }
0x4: {  	_ = 	snop  }
0x5: {  	_ = 	snop  }
0x6: {  	_ = 	snop  }
0x7: {  	_ = 	snop  }
__scs_overlays_trampoline_lowered:
0x8: {  	[smem:$0x3F70] =	sst s0  }
0x9: {  	[smem:$0x3F71] =	sst s1  }
0xa: {  	[smem:$0x3F72] =	sst s2  }
0xb: {  	[smem:$0x3F73] =	sst s3  }
0xc: {  	[smem:$0x3F74] =	sst s4  }
0xd: {  	[smem:$0x3F75] =	sst s5  }
0xe: {  	[smem:$0x3F76] =	sst s6  }
0xf: {  	[smem:$0x3F77] =	sst s7  }
0x10: {  	[smem:$0x3F78] =	sst s8  }
0x11: {  	[smem:$0x3F79] =	sst s9;
	s0 =	simm.s32 @!p0 $0x0  }
0x12: {  	s1 =	sld [smem:$0x3F5F];
	s0 =	simm.s32 @p0 $0x1  }
0x13: {  	[smem:$0x3F7A] =	sst s0;
	s0 =	simm.s32 @!p1 $0x0  }
0x14: {  	s2 =	sld [smem:$0x3F5E];
	s0 =	simm.s32 @p1 $0x1  }
0x15: {  	[smem:$0x3F7B] =	sst s0;
	s0 =	simm.s32 @!p2 $0x0  }
0x16: {  	s3 =	sld [smem:$0x3FDB];
	s0 =	simm.s32 @p2 $0x1  }
0x17: {  	s4 =	simm.s32 $0x1BF5;
	[smem:$0x3F7D] =	sst s0  }
0x18: {  	s0 =	sld [smem:$0x3F60];
	_ =	swait.ge [sflag:s4], $0x0  }
0x19: {  	s7 =	sld [smem:$0x3F61]  }
0x1a: {  	s8 =	sadd.s32 $0xFFFFE003, lr  }
0x1b: {  	s9 =	sadd.s32 $0xFFFFFEF7, lr;
	s5 =	simm.s32 $0xFFFFFFFF;
	p2 =	slt.u32 s8, $0xFFFFF086  }
0x1c: {  	p1 =	slt.u32 s9, $0xF7A;
	s5 =	simm.s32 @!p2 $0x0  }
0x1d: {  	s5 =	simm.s32 @p1 $0x1;
	p0 =	seq.s32 s7, s2  }
0x1e: {  	s7 =	smul.u32 @!p0 $0xF7A, s2;
	p2 =	seq.s32 @!p0 s5, $0x0  }
0x1f: {  	s9 =	smul.u32 $0xF7A, s1;
	s8 =	simm.s32 @!p0 $0x1BF5;
	p2 =	por !p2, p0  }
0x20: {  	[sflag:s8] =	ssyncset.s32 @!p0 $0xFFFFF086;
	s6 =	sadd.s32 @!p0 s3, s7;
	s7 =	simm.s32 @!p0 $0x108  }
0x21: {  	s3 =	sadd.s32 s3, s9;
	s6 =	sadd.s32 @!p0 $0x88, s6;
	s7 =	simm.s32 @p2 $0x1082  }
0x22: {  	[simem:s7], [sflag:s8] =	dma.local @!p0 [hbm:s6], $0xF7A  }
0x23: {  	s9 =	sor.u32 $0xD0000000, s2;
	s6 =	simm.s32 $0x108;
	_ =	swait.ge @!p0 [sflag:s8], $0x0  }
0x24: {  	s3 =	sadd.s32 $0x88, s3;
	s6 =	simm.s32 @!p1 $0x1082;
	[sflag:s4] =	ssyncset.s32 $0xFFFFF086  }
0x25: {  	[simem:s6], [sflag:s4] =	dma.local [hbm:s3], $0xF7A  }
0x26: {  	[smem:$0x3F61] =	sst s1;
	(tag) =	ssettag s2;
	_ =	strace s9  }
0x27: {  	s1 =	sld [smem:$0x3F71]  }
0x28: {  	s2 =	sld [smem:$0x3F72]  }
0x29: {  	s4 =	sld [smem:$0x3F74]  }
0x2a: {  	p0 =	seq.s32 s5, $0x0;
	s5 =	sld [smem:$0x3F75]  }
0x2b: {  	s6 =	sld [smem:$0x3F76]  }
0x2c: {  	s7 =	sld [smem:$0x3F77]  }
0x2d: {  	s3 =	simm.s32 $0x108;
	s8 =	sld [smem:$0x3F78]  }
0x2e: {  	s3 =	simm.s32 @!p0 $0x1082;
	s9 =	sld [smem:$0x3F79]  }
0x2f: {  	lr =	sadd.s32 s0, s3;
	s0 =	sld [smem:$0x3F70]  }
0x30: {  	s3 =	sld [smem:$0x3F73]  }
0x31: {  	[smem:$0x3F7C] =	sst s10  }
0x32: {  	s10 =	sld [smem:$0x3F7A];
	_ =	sdelay $0x3  }
0x33: {  	p0 =	seq.s32 s10, $0x1;
	s10 =	sld [smem:$0x3F7C];
	_ =	sdelay $0x3  }
0x34: {  	[smem:$0x3F7C] =	sst s10  }
0x35: {  	s10 =	sld [smem:$0x3F7B];
	_ =	sdelay $0x3  }
0x36: {  	p1 =	seq.s32 s10, $0x1;
	s10 =	sld [smem:$0x3F7C];
	_ =	sdelay $0x3  }
0x37: {  	[smem:$0x3F7C] =	sst s10  }
0x38: {  	s10 =	sld [smem:$0x3F7D]  }
0x39: {  	_ = 	snop;
	(pc) =	sbr.ind lr, $3  }
0x3a: {  	_ = 	snop  }
0x3b: {  	_ = 	snop  }
0x3c: {  	p2 =	seq.s32 s10, $0x1;
	s10 =	sld [smem:$0x3F7C]  }
0x3d: {  	_ =	shalt  }
0x3e: {  	_ =	shalt  }
0x3f: {  	_ =	shalt  }
0x40: {  	_ =	shalt  }
0x41: {  	_ =	shalt  }
0x42: {  	_ =	shalt  }
0x43: {  	_ =	shalt  }
0x44: {  	_ =	shalt  }
0x45: {  	_ =	shalt  }
0x46: {  	_ =	shalt  }
0x47: {  	_ =	shalt  }
0x48: {  	_ =	shalt  }
0x49: {  	_ =	shalt  }
0x4a: {  	_ =	shalt  }
0x4b: {  	_ =	shalt  }
0x4c: {  	_ =	shalt  }
0x4d: {  	_ =	shalt  }
0x4e: {  	_ =	shalt  }
0x4f: {  	_ =	shalt  }
0x50: {  	_ =	shalt  }
0x51: {  	_ =	shalt  }
0x52: {  	_ =	shalt  }
0x53: {  	_ =	shalt  }
0x54: {  	_ =	shalt  }
0x55: {  	_ =	shalt  }
0x56: {  	_ =	shalt  }
0x57: {  	_ =	shalt  }
0x58: {  	_ =	shalt  }
0x59: {  	_ =	shalt  }
0x5a: {  	_ =	shalt  }
0x5b: {  	_ =	shalt  }
0x5c: {  	_ =	shalt  }
0x5d: {  	_ =	shalt  }
0x5e: {  	_ =	shalt  }
0x5f: {  	_ =	shalt  }
0x60: {  	_ =	shalt  }
0x61: {  	_ =	shalt  }
0x62: {  	_ =	shalt  }
0x63: {  	_ =	shalt  }
0x64: {  	_ =	shalt  }
0x65: {  	_ =	shalt  }
0x66: {  	_ =	shalt  }
0x67: {  	_ =	shalt  }
0x68: {  	_ =	shalt  }
0x69: {  	_ =	shalt  }
0x6a: {  	_ =	shalt  }
0x6b: {  	_ =	shalt  }
0x6c: {  	_ =	shalt  }
0x6d: {  	_ =	shalt  }
0x6e: {  	_ =	shalt  }
0x6f: {  	_ =	shalt  }
0x70: {  	_ =	shalt  }
0x71: {  	_ =	shalt  }
0x72: {  	_ =	shalt  }
0x73: {  	_ =	shalt  }
0x74: {  	_ =	shalt  }
0x75: {  	_ =	shalt  }
0x76: {  	_ =	shalt  }
0x77: {  	_ =	shalt  }
0x78: {  	_ =	shalt  }
0x79: {  	_ =	shalt  }
0x7a: {  	_ =	shalt  }
0x7b: {  	_ =	shalt  }
0x7c: {  	_ =	shalt  }
0x7d: {  	_ =	shalt  }
0x7e: {  	_ =	shalt  }
0x7f: {  	_ =	shalt  }
0x80: {  	_ =	shalt  }
0x81: {  	_ =	shalt  }
0x82: {  	_ =	shalt  }
0x83: {  	_ =	shalt  }
0x84: {  	_ =	shalt  }
0x85: {  	_ =	shalt  }
0x86: {  	_ =	shalt  }
0x87: {  	_ =	shalt  }
.Lfunc_end0:
.L_simem_size_0:
called_computation.5_lowered:
.L_overlay_start_0:
0x88: {  	s2 =	sld [smem:$0x3FD9]  }
0x89: {  	s3 =	sld [smem:$0x3FFE];
	_ =	sdelay $0x1  }
0x8a: {  	s1 =	srdreg.scid  }
0x8b: {  	s0 =	sand.u32 $0x1, s1  }
0x8c: {  	s16 =	sshll.u32 s0, $0xA;
	s2 =	sadd.s32 s3, s2  }
0x8d: {  	s2 =	sadd.s32 s2, s16  }
0x8e: {  	[smem:$0x3F88] =	sst s2  }
0x8f: {  	_ = 	snop  }
0x90: {  	(tm) =	ssettm $0x1  }
0x91: {  	s17 =	sld [smem:$0x3FFB];
	_ =	sdelay $0x3  }
0x92: {  	_ =	strace s17  }
0x93: {  	s2 =	sld [smem:$0x3FFC];
	_ =	sdelay $0x3  }
0x94: {  	_ =	strace s2  }
0x95: {  	s2 =	sld [smem:$0x3FFD];
	_ =	sdelay $0x3  }
0x96: {  	_ =	strace s2  }
0x97: {  	_ =	strace $0x8FFFFFFF  }
0x98: {  	s18 =	sld [smem:$0x3FDB];
	_ =	sdelay $0x1  }
0x99: {  	s19 =	simm.s32 $_scs_section_size  }
0x9a: {  	s4 =	simm.s32 $_size__tile_overlayer_lowered;
	s5 =	simm.s32 $_tile_overlayer_lowered  }
0x9b: {  	s22 =	simm.s32 $0x1BFF;
	s21 =	sshll.u32 s5, $0x1;
	s2 =	sadd.s32 s19, s18  }
0x9c: {  	s6 =	simm.s32 $0x0;
	s20 =	sshll.u32 s4, $0x1;
	s4 =	sadd.s32 s21, s2  }
0x9d: {  	[timem:s6], [sflag:s22] =	dma.local [hbm:s4], s20  }
0x9e: {  	_ =	swait.ge [sflag:s22], s20  }
0x9f: {  	s3 =	ssub.s32 $0x0, s20;
	[sflag:s22] =	ssyncset.done $0x0  }
0xa0: {  	[sflag:s22] =	ssyncadd.s32 s3;
	_ =	sdelay $0x1  }
0xa1: {  	s23 =	simm.s32 $0x1B8B  }
0xa2: {  	_ =	swait.ge [sflag:s23], $0x1  }
0xa3: {  	[sflag:s23] =	ssyncset.done $0x0  }
0xa4: {  	s25 =	simm.s32 $0x1B8E;
	s24 =	sld [smem:$0x3FFE];
	[sflag:s23] =	ssyncadd.s32 $0xFFFFFFFF  }
0xa5: {  	s26 =	simm.s32 $execute0_lowered;
	[smem:$0x3FD2] =	sst s25  }
0xa6: {  	s4 =	sshll.u32 s26, $0x1;
	_ =	strace $0x80000055;
	[dreg:$0x1] =	wrdreg $0xFFFFFFFF  }
0xa7: {  	s28 =	simm.s32 $_size_execute0_lowered;
	s2 =	sadd.s32 s2, s4;
	[dreg:$0x0] =	wrdreg $0x0  }
0xa8: {  	s4 =	sshll.u32 s28, $0x1;
	[dreg:$0x2] =	wrdreg s2  }
0xa9: {  	[dreg:$0x3] =	wrdreg s4  }
0xaa: {  	[dreg:$0x4] =	wrdreg $0xC0  }
0xab: {  	_ =	task [dreg:s6], $0x5FFFF  }
0xac: {  	[dreg:$0x1] =	wrdreg $0xFFFFFFFF  }
0xad: {  	[dreg:$0x0] =	wrdreg $0x60  }
0xae: {  	[dreg:$0x2] =	wrdreg s24  }
0xaf: {  	[dreg:$0x3] =	wrdreg $0x9  }
0xb0: {  	_ =	task.clear_ibuf [dreg:s6], $0x4FFFF;
	_ =	strace $0x90000055  }
0xb1: {  	s29 =	simm.s32 $0x9;
	_ =	strace $0x80000057  }
0xb2: {  	_ =	swait.ge [sflag:s29], $0x1  }
0xb3: {  	[sflag:s29] =	ssyncadd.s32 $0xFFFFFFFF  }
0xb4: {  	_ =	strace $0x90000057  }
0xb5: {  	_ =	sfence  }
0xb6: {  	s30 =	sld [smem:$0x0];
	_ =	sdelay $0x2  }
0xb7: {  	s31 =	sshll.u32 s1, $0xD;
	s1 =	sshrl.u32 s1, $0x2  }
0xb8: {  	s3 =	sand.u32 $0x4000, s31;
	s1 =	sadd.s32 s1, s30  }
0xb9: {  	s0 =	sor.u32 s3, s0;
	s1 =	sshll.u32 s1, $0x11  }
0xba: {  	s0 =	sor.u32 s1, s0  }
0xbb: {  	s0 =	sadd.s32 $0x8F2B, s0  }
0xbc: {  	[sflag:s0] =	ssyncadd.remote.s32 $0x1  }
0xbd: {  	_ =	sfence.sel $0xFFFF  }
0xbe: {  	[dreg:$0x0] =	wrdreg $0xFFFFFFFF;
	(pc) =	sbr.abs _section_cstart, $3  }
0xbf: {  	[dreg:$0x1] =	wrdreg $0xFFFFFFFF  }
0xc0: {  	_ =	task.clear_ibuf [dreg:s6], $0x2FFFF;
	_ =	strace $0x9FFFFFFF  }
0xc1: {  	(tm) =	ssettm $0x7FFFFFFF  }
tec
execute0_lowered:
.L_overlay_start_1:
0x0: {  	(tag) =	ssettag $0x1  }
0x1: {  	s7 =	rddreg [dreg:$0x0]  }
0x2: {  	s0 =	rddreg [dreg:$0x1];
	_ =	strace $0x80000056  }
0x3: {  	s1 =	srdreg.scid;
	s4 =	simm.s32 $0x1;
	s9 =	simm.s32 $0x3  }
0x4: {  	s11 =	simm.s32 $0x0;
	p0 =	por $0x0, $0x0;
	s5 =	sshll.u32 s1, $0x4  }
.Ltmp0:
0x5: {  	s1 =	stileid.u32;
	s5 =	sand.u32 $0x10, s5;
	(pc) =	sbr.rel .LBB2_1-.Ltmp0, $4  }
0x6: {  	s2 =	sadd.s32 $0x193A00, s7;
	s3 =	sadd.s32 $0x228800, s7;
	s6 =	sor.u32 s1, s5  }
0x7: {  	[sflag:s4] =	ssyncpa.u1 $0x0;
	s5 =	simm.s32 $0x2;
	s6 =	sshll.u32 s6, $0xA  }
0x8: {  	s7 =	sadd.s32 $0x2EBA00, s7;
	[sflag:s5] =	ssyncpa.u1 $0x0;
	s8 =	sadd.s32 $0x400, s6  }
0x9: {  	vm0 =	vmmov $0xff;
	vm1 =	vcmask $0x3F20;
	[sflag:s9] =	ssyncpa.u1 $0x0;
	s10 =	smov.u32 s6;
	s9 =	simm.s32 $0x0  }
.LBB2_7:
0xa: {  	p1 =	slt.u32 s9, $0x2;
	s11 =	sadd.s32 $0x100, s10  }
0xb: {  	s13 =	smov.u32 s6;
	s9 =	sadd.s32 $0x1, s9;
	p2 =	slt.s32 s11, s8  }
0xc: {  	s13 =	smov.u32 @p2 s11;
	p2 =	sne.s32 s9, $0x6  }
.Ltmp1:
0xd: {  	_ = 	snop;
	(pc) =	sbr.rel @!p2 .LBB2_8-.Ltmp1, $4  }
0xe: {  	s12 =	simm.s32 @!p1 $0x3  }
0xf: {  	_ =	swait.ge @!p1 [sflag:s12], $0x8000  }
0x10: {  	p0 =	por !p0, !p0;
	[sflag:s12] =	ssyncset.done @!p1 $0x0  }
0x11: {  	s11 =	smov.u32 s10;
	s10 =	smov.u32 s13;
	[sflag:s12] =	ssyncadd.s32 @!p1 $0xFFFF8000  }
.LBB2_1:
0x12: {  	p1 =	sgt.u32 s9, $0x3  }
0x13: {  	s12 =	sxor.u32 @!p1 $0xFFFFFFFF, s9  }
0x14: {  	s13 =	sshrl.u32 @!p1 s10, $0x3;
	s12 =	sshll.u32 @!p1 s12, $0x8  }
0x15: {  	s14 =	sand.u32 @!p1 $0x7, s10;
	s13 =	sadd.s32 @!p1 s3, s13;
	s12 =	sand.u32 @!p1 $0x100, s12  }
0x16: {  	[tilespmem:s12], [sflag:$0x2] =	stream.linear.gather @!p1 [hbm4b:s13+s14], $0x100, $0x38;
	[tilespmem:$0x10200] =	vst v63  }
0x17: {  	p1 =	seq.s32 s9, $0x0  }
0x18: {  	p2 =	seq.s32 @!p1 s9, $0x5  }
0x19: {  	p1 =	por p1, p2  }
.Ltmp2:
0x1a: {  	_ = 	snop;
	(pc) =	sbr.rel @p1 .LBB2_7-.Ltmp2, $1  }
0x1b: {  	_ =	sdelay $0x3  }
0x1c: {  	s12 =	simm.s32 $0x1  }
0x1d: {  	_ =	swait.ge [sflag:s5], $0x100;
	s12 =	simm.s32 @!p0 $0x0  }
0x1e: {  	[sflag:s5] =	ssyncset.done $0x0;
	s14 =	sshll.u32 s12, $0x8  }
0x1f: {  	[sflag:s5] =	ssyncadd.s32 $0xFFFFFF00;
	s13 =	sadd.s32 $0x0, s14  }
0x20: {  	v0 =	vld.msk [tilespmem:s13+$0x0 ss:$0x1], $0xffff;
	_ =	sdelay $0x4  }
0x21: {  	vm2 =	vgt.s32 v0, $0x0  }
0x22: {  	v0 =	vnsel vm2, $0x0, v0  }
0x23: {  	v0 =	vmin.u32 v0, $0x8007  }
0x24: {  	v0 =	vshll.u32 v0, $0x4;
	_ =	sdelay $0x2  }
0x25: {  	s12 =	sshll.u32 s12, $0xF  }
0x26: {  	s12 =	sor.u32 $0x200, s12  }
0x27: {  	[tilespmem:s12], [sflag:$0x1] =	stream.indirect_vreg.gather [hbm:s2], $0x80, v0, vm0, $0x38;
	[tilespmem:$0x10200] =	vst v63  }
0x28: {  	s15 =	sadd.s32 $0x10, s14;
	s13 =	sadd.s32 $0x400, s12  }
0x29: {  	[tilespmem:s13], [sflag:$0x1] =	stream.indirect_vreg.gather [hbm:s2], $0x80, v0, vm1, $0x38;
	[tilespmem:$0x10200] =	vst v63  }
0x2a: {  	s16 =	simm.s32 $0x80;
	v0 =	vld.msk [tilespmem:s15+$0x0 ss:$0x1], $0xffff;
	s15 =	smov.u32 s12  }
.LBB2_3:
0x2b: {  	p1 =	sne.s32 s16, $0x3C0;
	_ =	sdelay $0x4  }
0x2c: {  	vm2 =	vgt.s32 v0, $0x0  }
0x2d: {  	v0 =	vnsel vm2, $0x0, v0  }
0x2e: {  	v0 =	vmin.u32 v0, $0x8007  }
0x2f: {  	v0 =	vshll.u32 v0, $0x4;
	_ =	sdelay $0x3  }
.Ltmp3:
0x30: {  	s17 =	sshra.s32 s16, $0x2;
	s15 =	sadd.s32 $0x800, s15;
	(pc) =	sbr.rel @p1 .LBB2_3-.Ltmp3, $4  }
0x31: {  	[tilespmem:s15], [sflag:$0x1] =	stream.indirect_vreg.gather [hbm:s2], $0x80, v0, vm0, $0x38;
	[tilespmem:$0x10200] =	vst v63  }
0x32: {  	s17 =	sadd.s32 s17, s14;
	s18 =	sadd.s32 $0x400, s15  }
0x33: {  	[tilespmem:s18], [sflag:$0x1] =	stream.indirect_vreg.gather [hbm:s2], $0x80, v0, vm1, $0x38;
	[tilespmem:$0x10200] =	vst v63  }
0x34: {  	s16 =	sadd.s32 $0x40, s16;
	v0 =	vld.msk [tilespmem:s17+$0x0 ss:$0x1], $0xffff  }
0x35: {  	_ =	sdelay $0x3  }
0x36: {  	vm2 =	vgt.s32 v0, $0x0  }
0x37: {  	v0 =	vnsel vm2, $0x0, v0  }
0x38: {  	v0 =	vmin.u32 v0, $0x8007  }
0x39: {  	v0 =	vshll.u32 v0, $0x4;
	_ =	sdelay $0x3  }
0x3a: {  	s14 =	sadd.s32 $0x800, s15  }
0x3b: {  	[tilespmem:s14], [sflag:$0x1] =	stream.indirect_vreg.gather [hbm:s2], $0x80, v0, vm0, $0x38;
	[tilespmem:$0x10200] =	vst v63  }
0x3c: {  	s14 =	sadd.s32 $0x400, s14  }
0x3d: {  	[tilespmem:s14], [sflag:$0x1] =	stream.indirect_vreg.gather [hbm:s2], $0x80, v0, vm1, $0x38;
	[tilespmem:$0x10200] =	vst v63  }
0x3e: {  	s11 =	sshll.u32 s11, $0x4;
	_ =	swait.ge [sflag:s4], $0x8000  }
0x3f: {  	s11 =	sadd.s32 s11, s7;
	[sflag:s4] =	ssyncset.done $0x0  }
0x40: {  	s15 =	sadd.s32 $0x0, s11;
	s14 =	simm.s32 $0x80;
	[sflag:s4] =	ssyncadd.s32 $0xFFFF8000  }
.LBB2_5:
0x41: {  	[hbm:s15] =	stream.linear.scatter [tilespmem:s12], [sflag:$0x3], $0x400, $0x38;
	[tilespmem:$0x10200] =	vst v63  }
0x42: {  	s15 =	smov.u32 s14;
	s12 =	smov.u32 s13;
	p1 =	sne.s32 s14, $0xF80  }
.Ltmp4:
0x43: {  	s14 =	sadd.s32 $0x80, s14;
	(pc) =	sbr.rel @p1 .LBB2_5-.Ltmp4, $2  }
0x44: {  	_ =	sdelay $0x2  }
0x45: {  	s13 =	sadd.s32 $0x400, s13;
	s15 =	sadd.s32 s15, s11  }
.Ltmp5:
0x46: {  	(pc) =	sbr.rel .LBB2_7-.Ltmp5, $2  }
0x47: {  	_ =	sdelay $0x2  }
0x48: {  	[hbm:s15] =	stream.linear.scatter [tilespmem:s12], [sflag:$0x3], $0x400, $0x38;
	[tilespmem:$0x10200] =	vst v63  }
.LBB2_8:
0x49: {  	_ =	sfence.sel $0x180000  }
0x4a: {  	s2 =	simm.s32 $0x2;
	[bflag:$0x0] =	sbarrier.arrive $0xFFFF  }
0x4b: {  	s30 =	simm.s32 $0x3;
	[sflag:s2] =	ssyncpa.u1 $0x1  }
0x4c: {  	s31 =	simm.s32 $0x1;
	[sflag:s30] =	ssyncpa.u1 $0x1  }
0x4d: {  	[sflag:s31] =	ssyncpa.u1 $0x1  }
0x4e: {  	p0 =	sne.s32 s1, $0x0;
	_ =	strace $0x90000056  }
0x4f: {  	s0 =	sadd.s32 @!p0 $0x100000, s0;
	[bflag:$0x2] =	sbarrier.arrive $0xFFFF  }
0x50: {  	[sflag:s0] =	ssyncadd.tile.s32 @!p0 $0x1;
	_ =	shalt  }
.Lfunc_end2:
_tile_overlayer_lowered:
.L_overlay_start_2:
0x51: {  	(tag) =	ssettag $0x2  }
0x52: {  	s0 =	rddreg [dreg:$0x0];
	s2 =	stileid.u32  }
0x53: {  	s1 =	rddreg [dreg:$0x1];
	p0 =	sne.s32 s2, $0x0  }
0x54: {  	s3 =	rddreg [dreg:$0x2];
	[bflag:$0x3] =	sbarrier.arrive $0xFFFF;
	s2 =	simm.s32 @!p0 $0x1C01  }
0x55: {  	[timem:s3], [sflag:s2] =	dma.local @!p0 [hbm:s0], s1  }
0x56: {  	s0 =	simm.s32 @!p0 $0x1  }
0x57: {  	_ =	swait.ge @!p0 [sflag:s0], s1  }
0x58: {  	s1 =	ssub.s32 @!p0 $0x0, s1;
	[sflag:s0] =	ssyncset.done @!p0 $0x0  }
0x59: {  	[sflag:s0] =	ssyncadd.s32 @!p0 s1  }
0x5a: {  	[bflag:$0x3] =	sbarrier.arrive $0xFFFF  }
0x5b: {  	_ =	shalt  }

// kernel: gather_offload_async_start
scs
__scs_entry_jumppad:
0x0: {  	(pc) =	sbr.rel $0x88, $3  }
0x1: {  	(tag) =	ssettag $0x0;
	lr =	simm.s32 $0x1  }
0x2: {  	[smem:$0x3F61] =	sst lr;
	_ =	strace $0xD0000000  }
0x3: {  	_ = 	snop  }
0x4: {  	_ = 	snop  }
0x5: {  	_ = 	snop  }
0x6: {  	_ = 	snop  }
0x7: {  	_ = 	snop  }
__scs_overlays_trampoline_lowered:
0x8: {  	[smem:$0x3F70] =	sst s0  }
0x9: {  	[smem:$0x3F71] =	sst s1  }
0xa: {  	[smem:$0x3F72] =	sst s2  }
0xb: {  	[smem:$0x3F73] =	sst s3  }
0xc: {  	[smem:$0x3F74] =	sst s4  }
0xd: {  	[smem:$0x3F75] =	sst s5  }
0xe: {  	[smem:$0x3F76] =	sst s6  }
0xf: {  	[smem:$0x3F77] =	sst s7  }
0x10: {  	[smem:$0x3F78] =	sst s8  }
0x11: {  	[smem:$0x3F79] =	sst s9;
	s0 =	simm.s32 @!p0 $0x0  }
0x12: {  	s1 =	sld [smem:$0x3F5F];
	s0 =	simm.s32 @p0 $0x1  }
0x13: {  	[smem:$0x3F7A] =	sst s0;
	s0 =	simm.s32 @!p1 $0x0  }
0x14: {  	s2 =	sld [smem:$0x3F5E];
	s0 =	simm.s32 @p1 $0x1  }
0x15: {  	[smem:$0x3F7B] =	sst s0;
	s0 =	simm.s32 @!p2 $0x0  }
0x16: {  	s3 =	sld [smem:$0x3FDB];
	s0 =	simm.s32 @p2 $0x1  }
0x17: {  	s4 =	simm.s32 $0x1BF5;
	[smem:$0x3F7D] =	sst s0  }
0x18: {  	s0 =	sld [smem:$0x3F60];
	_ =	swait.ge [sflag:s4], $0x0  }
0x19: {  	s7 =	sld [smem:$0x3F61]  }
0x1a: {  	s8 =	sadd.s32 $0xFFFFE003, lr  }
0x1b: {  	s9 =	sadd.s32 $0xFFFFFEF7, lr;
	s5 =	simm.s32 $0xFFFFFFFF;
	p2 =	slt.u32 s8, $0xFFFFF086  }
0x1c: {  	p1 =	slt.u32 s9, $0xF7A;
	s5 =	simm.s32 @!p2 $0x0  }
0x1d: {  	s5 =	simm.s32 @p1 $0x1;
	p0 =	seq.s32 s7, s2  }
0x1e: {  	s7 =	smul.u32 @!p0 $0xF7A, s2;
	p2 =	seq.s32 @!p0 s5, $0x0  }
0x1f: {  	s9 =	smul.u32 $0xF7A, s1;
	s8 =	simm.s32 @!p0 $0x1BF5;
	p2 =	por !p2, p0  }
0x20: {  	[sflag:s8] =	ssyncset.s32 @!p0 $0xFFFFF086;
	s6 =	sadd.s32 @!p0 s3, s7;
	s7 =	simm.s32 @!p0 $0x108  }
0x21: {  	s3 =	sadd.s32 s3, s9;
	s6 =	sadd.s32 @!p0 $0x88, s6;
	s7 =	simm.s32 @p2 $0x1082  }
0x22: {  	[simem:s7], [sflag:s8] =	dma.local @!p0 [hbm:s6], $0xF7A  }
0x23: {  	s9 =	sor.u32 $0xD0000000, s2;
	s6 =	simm.s32 $0x108;
	_ =	swait.ge @!p0 [sflag:s8], $0x0  }
0x24: {  	s3 =	sadd.s32 $0x88, s3;
	s6 =	simm.s32 @!p1 $0x1082;
	[sflag:s4] =	ssyncset.s32 $0xFFFFF086  }
0x25: {  	[simem:s6], [sflag:s4] =	dma.local [hbm:s3], $0xF7A  }
0x26: {  	[smem:$0x3F61] =	sst s1;
	(tag) =	ssettag s2;
	_ =	strace s9  }
0x27: {  	s1 =	sld [smem:$0x3F71]  }
0x28: {  	s2 =	sld [smem:$0x3F72]  }
0x29: {  	s4 =	sld [smem:$0x3F74]  }
0x2a: {  	p0 =	seq.s32 s5, $0x0;
	s5 =	sld [smem:$0x3F75]  }
0x2b: {  	s6 =	sld [smem:$0x3F76]  }
0x2c: {  	s7 =	sld [smem:$0x3F77]  }
0x2d: {  	s3 =	simm.s32 $0x108;
	s8 =	sld [smem:$0x3F78]  }
0x2e: {  	s3 =	simm.s32 @!p0 $0x1082;
	s9 =	sld [smem:$0x3F79]  }
0x2f: {  	lr =	sadd.s32 s0, s3;
	s0 =	sld [smem:$0x3F70]  }
0x30: {  	s3 =	sld [smem:$0x3F73]  }
0x31: {  	[smem:$0x3F7C] =	sst s10  }
0x32: {  	s10 =	sld [smem:$0x3F7A];
	_ =	sdelay $0x3  }
0x33: {  	p0 =	seq.s32 s10, $0x1;
	s10 =	sld [smem:$0x3F7C];
	_ =	sdelay $0x3  }
0x34: {  	[smem:$0x3F7C] =	sst s10  }
0x35: {  	s10 =	sld [smem:$0x3F7B];
	_ =	sdelay $0x3  }
0x36: {  	p1 =	seq.s32 s10, $0x1;
	s10 =	sld [smem:$0x3F7C];
	_ =	sdelay $0x3  }
0x37: {  	[smem:$0x3F7C] =	sst s10  }
0x38: {  	s10 =	sld [smem:$0x3F7D]  }
0x39: {  	_ = 	snop;
	(pc) =	sbr.ind lr, $3  }
0x3a: {  	_ = 	snop  }
0x3b: {  	_ = 	snop  }
0x3c: {  	p2 =	seq.s32 s10, $0x1;
	s10 =	sld [smem:$0x3F7C]  }
0x3d: {  	_ =	shalt  }
0x3e: {  	_ =	shalt  }
0x3f: {  	_ =	shalt  }
0x40: {  	_ =	shalt  }
0x41: {  	_ =	shalt  }
0x42: {  	_ =	shalt  }
0x43: {  	_ =	shalt  }
0x44: {  	_ =	shalt  }
0x45: {  	_ =	shalt  }
0x46: {  	_ =	shalt  }
0x47: {  	_ =	shalt  }
0x48: {  	_ =	shalt  }
0x49: {  	_ =	shalt  }
0x4a: {  	_ =	shalt  }
0x4b: {  	_ =	shalt  }
0x4c: {  	_ =	shalt  }
0x4d: {  	_ =	shalt  }
0x4e: {  	_ =	shalt  }
0x4f: {  	_ =	shalt  }
0x50: {  	_ =	shalt  }
0x51: {  	_ =	shalt  }
0x52: {  	_ =	shalt  }
0x53: {  	_ =	shalt  }
0x54: {  	_ =	shalt  }
0x55: {  	_ =	shalt  }
0x56: {  	_ =	shalt  }
0x57: {  	_ =	shalt  }
0x58: {  	_ =	shalt  }
0x59: {  	_ =	shalt  }
0x5a: {  	_ =	shalt  }
0x5b: {  	_ =	shalt  }
0x5c: {  	_ =	shalt  }
0x5d: {  	_ =	shalt  }
0x5e: {  	_ =	shalt  }
0x5f: {  	_ =	shalt  }
0x60: {  	_ =	shalt  }
0x61: {  	_ =	shalt  }
0x62: {  	_ =	shalt  }
0x63: {  	_ =	shalt  }
0x64: {  	_ =	shalt  }
0x65: {  	_ =	shalt  }
0x66: {  	_ =	shalt  }
0x67: {  	_ =	shalt  }
0x68: {  	_ =	shalt  }
0x69: {  	_ =	shalt  }
0x6a: {  	_ =	shalt  }
0x6b: {  	_ =	shalt  }
0x6c: {  	_ =	shalt  }
0x6d: {  	_ =	shalt  }
0x6e: {  	_ =	shalt  }
0x6f: {  	_ =	shalt  }
0x70: {  	_ =	shalt  }
0x71: {  	_ =	shalt  }
0x72: {  	_ =	shalt  }
0x73: {  	_ =	shalt  }
0x74: {  	_ =	shalt  }
0x75: {  	_ =	shalt  }
0x76: {  	_ =	shalt  }
0x77: {  	_ =	shalt  }
0x78: {  	_ =	shalt  }
0x79: {  	_ =	shalt  }
0x7a: {  	_ =	shalt  }
0x7b: {  	_ =	shalt  }
0x7c: {  	_ =	shalt  }
0x7d: {  	_ =	shalt  }
0x7e: {  	_ =	shalt  }
0x7f: {  	_ =	shalt  }
0x80: {  	_ =	shalt  }
0x81: {  	_ =	shalt  }
0x82: {  	_ =	shalt  }
0x83: {  	_ =	shalt  }
0x84: {  	_ =	shalt  }
0x85: {  	_ =	shalt  }
0x86: {  	_ =	shalt  }
0x87: {  	_ =	shalt  }
.Lfunc_end0:
.L_simem_size_0:
called_computation_lowered:
.L_overlay_start_0:
0x88: {  	s2 =	sld [smem:$0x3FD9]  }
0x89: {  	s3 =	sld [smem:$0x3FFE];
	_ =	sdelay $0x1  }
0x8a: {  	s1 =	srdreg.scid  }
0x8b: {  	s0 =	sand.u32 $0x1, s1  }
0x8c: {  	s16 =	sshll.u32 s0, $0xA;
	s2 =	sadd.s32 s3, s2  }
0x8d: {  	s2 =	sadd.s32 s2, s16  }
0x8e: {  	[smem:$0x3F88] =	sst s2  }
0x8f: {  	_ = 	snop  }
0x90: {  	(tm) =	ssettm $0x1  }
0x91: {  	s17 =	sld [smem:$0x3FFB];
	_ =	sdelay $0x3  }
0x92: {  	_ =	strace s17  }
0x93: {  	s2 =	sld [smem:$0x3FFC];
	_ =	sdelay $0x3  }
0x94: {  	_ =	strace s2  }
0x95: {  	s2 =	sld [smem:$0x3FFD];
	_ =	sdelay $0x3  }
0x96: {  	_ =	strace s2  }
0x97: {  	_ =	strace $0x8FFFFFFF  }
0x98: {  	s18 =	sld [smem:$0x3FDB];
	_ =	sdelay $0x1  }
0x99: {  	s19 =	simm.s32 $_scs_section_size  }
0x9a: {  	s4 =	simm.s32 $_size__tile_overlayer_lowered;
	s5 =	simm.s32 $_tile_overlayer_lowered  }
0x9b: {  	s22 =	simm.s32 $0x1BFF;
	s21 =	sshll.u32 s5, $0x1;
	s2 =	sadd.s32 s19, s18  }
0x9c: {  	s6 =	simm.s32 $0x0;
	s20 =	sshll.u32 s4, $0x1;
	s4 =	sadd.s32 s21, s2  }
0x9d: {  	[timem:s6], [sflag:s22] =	dma.local [hbm:s4], s20  }
0x9e: {  	_ =	swait.ge [sflag:s22], s20  }
0x9f: {  	s3 =	ssub.s32 $0x0, s20;
	[sflag:s22] =	ssyncset.done $0x0  }
0xa0: {  	[sflag:s22] =	ssyncadd.s32 s3;
	_ =	sdelay $0x1  }
0xa1: {  	s23 =	simm.s32 $0x1B8B  }
0xa2: {  	_ =	swait.ge [sflag:s23], $0x1  }
0xa3: {  	[sflag:s23] =	ssyncset.done $0x0  }
0xa4: {  	s25 =	simm.s32 $0x1B8E;
	s24 =	sld [smem:$0x3FFE];
	[sflag:s23] =	ssyncadd.s32 $0xFFFFFFFF  }
0xa5: {  	s26 =	simm.s32 $execute0_lowered;
	[smem:$0x3FD2] =	sst s25  }
0xa6: {  	s4 =	sshll.u32 s26, $0x1;
	_ =	strace $0x80000046;
	[dreg:$0x1] =	wrdreg $0xFFFFFFFF  }
0xa7: {  	s28 =	simm.s32 $_size_execute0_lowered;
	s2 =	sadd.s32 s2, s4;
	[dreg:$0x0] =	wrdreg $0x0  }
0xa8: {  	s4 =	sshll.u32 s28, $0x1;
	[dreg:$0x2] =	wrdreg s2  }
0xa9: {  	[dreg:$0x3] =	wrdreg s4  }
0xaa: {  	[dreg:$0x4] =	wrdreg $0xC0  }
0xab: {  	_ =	task [dreg:s6], $0x5FFFF  }
0xac: {  	[dreg:$0x1] =	wrdreg $0xFFFFFFFF  }
0xad: {  	[dreg:$0x0] =	wrdreg $0x60  }
0xae: {  	[dreg:$0x2] =	wrdreg s24  }
0xaf: {  	[dreg:$0x3] =	wrdreg $0x9  }
0xb0: {  	_ =	task.clear_ibuf [dreg:s6], $0x4FFFF;
	_ =	strace $0x90000046  }
0xb1: {  	s29 =	simm.s32 $0x9;
	_ =	strace $0x80000048  }
0xb2: {  	_ =	swait.ge [sflag:s29], $0x1  }
0xb3: {  	[sflag:s29] =	ssyncadd.s32 $0xFFFFFFFF  }
0xb4: {  	_ =	strace $0x90000048  }
0xb5: {  	_ =	sfence  }
0xb6: {  	s30 =	sld [smem:$0x0];
	_ =	sdelay $0x2  }
0xb7: {  	s31 =	sshll.u32 s1, $0xD;
	s1 =	sshrl.u32 s1, $0x2  }
0xb8: {  	s3 =	sand.u32 $0x4000, s31;
	s1 =	sadd.s32 s1, s30  }
0xb9: {  	s0 =	sor.u32 s3, s0;
	s1 =	sshll.u32 s1, $0x11  }
0xba: {  	s0 =	sor.u32 s1, s0  }
0xbb: {  	s0 =	sadd.s32 $0x8F2B, s0  }
0xbc: {  	[sflag:s0] =	ssyncadd.remote.s32 $0x1  }
0xbd: {  	_ =	sfence.sel $0xFFFF  }
0xbe: {  	[dreg:$0x0] =	wrdreg $0xFFFFFFFF;
	(pc) =	sbr.abs _section_cstart, $3  }
0xbf: {  	[dreg:$0x1] =	wrdreg $0xFFFFFFFF  }
0xc0: {  	_ =	task.clear_ibuf [dreg:s6], $0x2FFFF;
	_ =	strace $0x9FFFFFFF  }
0xc1: {  	(tm) =	ssettm $0x7FFFFFFF  }
tec
execute0_lowered:
.L_overlay_start_1:
0x0: {  	(tag) =	ssettag $0x1  }
0x1: {  	s0 =	srdreg.scid;
	s5 =	rddreg [dreg:$0x0]  }
0x2: {  	s1 =	stileid.u32;
	s6 =	simm.s32 $0x1;
	s9 =	simm.s32 $0x1  }
0x3: {  	s10 =	simm.s32 $0x3;
	s13 =	simm.s32 $0x0;
	s2 =	sshll.u32 s0, $0x9  }
0x4: {  	s12 =	simm.s32 $0x0;
	s3 =	sshll.u32 s1, $0xA;
	s4 =	sand.u32 $0x200, s2  }
0x5: {  	s0 =	rddreg [dreg:$0x1];
	_ =	strace $0x80000047;
	s3 =	sor.u32 s3, s4  }
0x6: {  	s2 =	sadd.s32 $0x24BA00, s5;
	[sflag:s6] =	ssyncpa.u1 $0x0;
	s8 =	ssub.s32 $0x8000, s3  }
.Ltmp0:
0x7: {  	s4 =	sadd.s32 $0x229C00, s5;
	s7 =	sand.u32 $0x3E00, s8;
	(pc) =	sbr.rel .LBB2_1-.Ltmp0, $4  }
0x8: {  	s5 =	sadd.s32 $0x26BA00, s5;
	s11 =	smov.u32 s3;
	p0 =	sne.s32 s7, $0x0  }
0x9: {  	s8 =	sshrl.u32 s8, $0xE;
	s7 =	simm.s32 $0x2;
	s9 =	simm.s32 @!p0 $0x0  }
0xa: {  	[sflag:s7] =	ssyncpa.u1 $0x0;
	p0 =	por $0x0, $0x0;
	s8 =	sadd.s32 s9, s8  }
0xb: {  	vm0 =	vmmov $0xffff;
	[sflag:s10] =	ssyncpa.u1 $0x0;
	s10 =	simm.s32 $0x0;
	s9 =	sadd.s32 $0x1, s8  }
.LBB2_4:
0xc: {  	v2 =	vnsel vm1, $0x0, v2  }
0xd: {  	vm1 =	vgt.s32 v0, $0x0;
	v2 =	vmin.u32 v2, $0xFFFFF  }
0xe: {  	v0 =	vnsel vm1, $0x0, v0  }
0xf: {  	v0 =	vmin.u32 v0, $0xFFFFF  }
0x10: {  	[tilespmem:s15], [sflag:$0x1] =	stream.indirect_vreg.gather [hbm4b:s2+s10], $0x1, v1, vm0, $0x4038;
	[tilespmem:$0x800] =	vst v63  }
0x11: {  	(ifvalue) =	ssetifvalue $0x7FFFFFFF  }
0x12: {  	[tilespmem:s16], [sflag:$0x1] =	stream.indirect_vreg.gather [hbm4b:s2+s10], $0x1, v2, vm0, $0x4038;
	[tilespmem:$0x800] =	vst v63  }
0x13: {  	s29 =	sadd.s32 $0x10, s16;
	(ifvalue) =	ssetifvalue $0x7FFFFFFF  }
0x14: {  	[tilespmem:s29], [sflag:$0x1] =	stream.indirect_vreg.gather [hbm4b:s2+s10], $0x1, v0, vm0, $0x4038;
	[tilespmem:$0x800] =	vst v63  }
0x15: {  	_ =	swait.ge [sflag:s6], $0x200  }
0x16: {  	s30 =	sshrl.u32 s13, $0x3;
	[sflag:s6] =	ssyncset.done $0x0  }
0x17: {  	s31 =	sand.u32 $0x7, s13;
	s15 =	sadd.s32 s5, s30;
	[sflag:s6] =	ssyncadd.s32 $0xFFFFFE00  }
0x18: {  	[hbm4b:s15+s31] =	stream.linear.scatter [tilespmem:s14], [sflag:$0x3], $0x200, $0x38;
	[tilespmem:$0x800] =	vst v63  }
.LBB2_5:
0x19: {  	s15 =	sadd.s32 $0x4000, s11  }
0x1a: {  	p2 =	sgt.s32 s15, $0x7FFF  }
0x1b: {  	s15 =	smov.u32 @p2 s3;
	p2 =	sne.s32 s12, s9  }
.Ltmp1:
0x1c: {  	p1 =	slt.u32 s12, $0x2;
	(pc) =	sbr.rel @!p2 .LBB2_6-.Ltmp1, $4  }
0x1d: {  	s14 =	simm.s32 @!p1 $0x3  }
0x1e: {  	s16 =	sadd.s32 $0x1, s12;
	_ =	swait.ge @!p1 [sflag:s14], $0x200  }
0x1f: {  	s13 =	smov.u32 s11;
	p0 =	por !p0, !p0;
	[sflag:s14] =	ssyncset.done @!p1 $0x0  }
0x20: {  	s12 =	smov.u32 s16;
	s11 =	smov.u32 s15;
	[sflag:s14] =	ssyncadd.s32 @!p1 $0xFFFFFE00  }
.LBB2_1:
0x21: {  	p1 =	sge.u32 s12, s8  }
0x22: {  	s14 =	sxor.u32 @!p1 $0xFFFFFFFF, s12  }
0x23: {  	s31 =	sadd.s32 $0xFFFFFFFF, s12;
	s15 =	sshrl.u32 @!p1 s11, $0x3;
	s14 =	sshll.u32 @!p1 s14, $0x9  }
0x24: {  	s16 =	sand.u32 @!p1 $0x7, s11;
	s15 =	sadd.s32 @!p1 s4, s15;
	s14 =	sand.u32 @!p1 $0x200, s14  }
0x25: {  	[tilespmem:s14], [sflag:$0x2] =	stream.linear.gather @!p1 [hbm4b:s15+s16], $0x200, $0x38;
	[tilespmem:$0x800] =	vst v63  }
0x26: {  	p1 =	sge.u32 s31, s8  }
.Ltmp2:
0x27: {  	_ = 	snop;
	(pc) =	sbr.rel @p1 .LBB2_5-.Ltmp2, $1  }
0x28: {  	_ =	sdelay $0x3  }
0x29: {  	s14 =	simm.s32 $0x1  }
0x2a: {  	_ =	swait.ge [sflag:s7], $0x200;
	s14 =	simm.s32 @!p0 $0x0  }
0x2b: {  	[sflag:s7] =	ssyncset.done $0x0;
	s14 =	sshll.u32 s14, $0x9  }
0x2c: {  	[sflag:s7] =	ssyncadd.s32 $0xFFFFFE00;
	(ifvalue) =	ssetifvalue $0x7FFFFFFF;
	v0 =	vld.msk [tilespmem:s14+$0x0 ss:$0x1], $0xffff;
	_ =	sdelay $0x4  }
0x2d: {  	s15 =	sadd.s32 $0x10, s14;
	vm1 =	vgt.s32 v0, $0x0  }
0x2e: {  	v2 =	vld.msk [tilespmem:s15+$0x0 ss:$0x1], $0xffff;
	v1 =	vnsel vm1, $0x0, v0  }
0x2f: {  	v1 =	vmin.u32 v1, $0xFFFFF;
	_ =	sdelay $0x1  }
0x30: {  	s16 =	sshll.u32 s12, $0x9;
	s18 =	simm.s32 $0x20  }
0x31: {  	s16 =	sand.u32 $0x200, s16;
	s17 =	sadd.s32 $0x10, s15;
	s15 =	sor.u32 $0x400, s14  }
0x32: {  	s14 =	sor.u32 $0x400, s16;
	s16 =	sadd.s32 $0x10, s15;
	v0 =	vld.msk [tilespmem:s17+$0x0 ss:$0x1], $0xffff;
	vm1 =	vgt.s32 v2, $0x0;
	(ifvalue) =	ssetifvalue $0x7FFFFFFF  }
.LBB2_3:
0x33: {  	[tilespmem:s15], [sflag:$0x1] =	stream.indirect_vreg.gather [hbm4b:s2+s10], $0x1, v1, vm0, $0x4038;
	[tilespmem:$0x800] =	vst v63  }
0x34: {  	s18 =	sadd.s32 $0x10, s18  }
0x35: {  	v2 =	vnsel vm1, $0x0, v2;
	p1 =	slt.u32 s18, $0x1F0  }
.Ltmp3:
0x36: {  	s15 =	smov.u32 s16;
	v1 =	vmin.u32 v2, $0xFFFFF;
	(pc) =	sbr.rel @p1 .LBB2_3-.Ltmp3, $3  }
0x37: {  	_ =	sdelay $0x1  }
0x38: {  	s17 =	sadd.s32 $0x10, s17  }
0x39: {  	vm1 =	vgt.s32 v0, $0x0;
	s16 =	sadd.s32 $0x10, s16;
	v2 =	vmov v0;
	(ifvalue) =	ssetifvalue $0x7FFFFFFF;
	v0 =	vld.msk [tilespmem:s17+$0x0 ss:$0x1], $0xffff  }
.Ltmp4:
0x3a: {  	_ = 	snop;
	(pc) =	sbr.rel .LBB2_4-.Ltmp4, $1  }
0x3b: {  	_ =	sdelay $0x3  }
.LBB2_6:
0x3c: {  	_ =	sfence.sel $0x180000  }
0x3d: {  	s2 =	simm.s32 $0x2;
	[bflag:$0x0] =	sbarrier.arrive $0xFFFF  }
0x3e: {  	s30 =	simm.s32 $0x3;
	[sflag:s2] =	ssyncpa.u1 $0x1  }
0x3f: {  	s31 =	simm.s32 $0x1;
	[sflag:s30] =	ssyncpa.u1 $0x1  }
0x40: {  	[sflag:s31] =	ssyncpa.u1 $0x1  }
0x41: {  	p0 =	sne.s32 s1, $0x0;
	_ =	strace $0x90000047  }
0x42: {  	s0 =	sadd.s32 @!p0 $0x100000, s0;
	[bflag:$0x2] =	sbarrier.arrive $0xFFFF  }
0x43: {  	[sflag:s0] =	ssyncadd.tile.s32 @!p0 $0x1;
	_ =	shalt  }
.Lfunc_end2:
_tile_overlayer_lowered:
.L_overlay_start_2:
0x44: {  	(tag) =	ssettag $0x2  }
0x45: {  	s0 =	rddreg [dreg:$0x0];
	s2 =	stileid.u32  }
0x46: {  	s1 =	rddreg [dreg:$0x1];
	p0 =	sne.s32 s2, $0x0  }
0x47: {  	s3 =	rddreg [dreg:$0x2];
	[bflag:$0x3] =	sbarrier.arrive $0xFFFF;
	s2 =	simm.s32 @!p0 $0x1C01  }
0x48: {  	[timem:s3], [sflag:s2] =	dma.local @!p0 [hbm:s0], s1  }
0x49: {  	s0 =	simm.s32 @!p0 $0x1  }
0x4a: {  	_ =	swait.ge @!p0 [sflag:s0], s1  }
0x4b: {  	s1 =	ssub.s32 @!p0 $0x0, s1;
	[sflag:s0] =	ssyncset.done @!p0 $0x0  }
0x4c: {  	[sflag:s0] =	ssyncadd.s32 @!p0 s1  }
0x4d: {  	[bflag:$0x3] =	sbarrier.arrive $0xFFFF  }
0x4e: {  	_ =	shalt  }

</sc_bundles>
